<compile_context>
chip_gen: v7x
topology: tpu7x:2x2x1
jax: 0.10.2.dev20260603
libtpu: 0.0.44.dev20260713+nightly
codegen_flags: <defaults>
</compile_context>

<pallas_src>
import functools
import jax
import jax.numpy as jnp
from jax import lax
from jax.experimental import pallas as pl
from jax.experimental.pallas import tpu as pltpu, tpu_sc as plsc

_BG_PID = 5532.0
_BATCH = 128
_NUM_FG = 32
_FG_THRESH = 0.5
_BG_HI = 0.5
_BG_LO = 0.1
_N_PAD = 20480
_CHUNK = 2048
_NCHUNK = _N_PAD // _CHUNK
_STDS = (0.1, 0.1, 0.2, 0.2)

_NW = 16
_STRIP = _N_PAD // _NW
_NV = _STRIP // 16

_f32 = jnp.float32
_i32 = jnp.int32


def _iou_kern(roisT_ref, gt_ref, maxs_ref, amax_ref):
    qx1 = gt_ref[:, 0:1]
    qy1 = gt_ref[:, 1:2]
    qx2 = gt_ref[:, 2:3]
    qy2 = gt_ref[:, 3:4]
    qarea = (qx2 - qx1 + 1.0) * (qy2 - qy1 + 1.0)

    for c in range(_NCHUNK):
        sl = pl.ds(c * _CHUNK, _CHUNK)
        bx1 = roisT_ref[1:2, sl]
        by1 = roisT_ref[2:3, sl]
        bx2 = roisT_ref[3:4, sl]
        by2 = roisT_ref[4:5, sl]
        barea = (bx2 - bx1 + 1.0) * (by2 - by1 + 1.0)
        iw = jnp.maximum(jnp.minimum(bx2, qx2) - jnp.maximum(bx1, qx1) + 1.0, 0.0)
        ih = jnp.maximum(jnp.minimum(by2, qy2) - jnp.maximum(by1, qy1) + 1.0, 0.0)
        inter = iw * ih
        ua = barea + qarea - inter
        ov = inter / ua
        maxs_ref[c:c + 1, :] = jnp.max(ov, axis=0, keepdims=True)
        amax_ref[c:c + 1, :] = jnp.argmax(ov, axis=0, keepdims=True).astype(_f32)


def _sc_body(maxs_hbm, rois16_hbm, gt8_hbm, kept_hbm, asg_hbm,
             mx_v, keep_v, stage_v, scan_v, cnts_v, keeps_l, idx2,
             rows_v, asg_v, cnts_sh, keeps_sh, sem):
    wid = lax.axis_index("s")
    iot = lax.broadcasted_iota(_i32, (16,), 0)
    zero16 = jnp.zeros((16,), _i32)

    def prefix16(x):
        p = x
        for k in (1, 2, 4, 8):
            scan_v[...] = p
            sh = plsc.load_gather(scan_v, [jnp.maximum(iot - k, 0)])
            p = p + jnp.where(iot >= k, sh, 0)
        return p

    def tot(x):
        scan_v[...] = prefix16(x)
        return plsc.load_gather(scan_v, [jnp.full((16,), 15, _i32)])

    pltpu.sync_copy(maxs_hbm.at[pl.ds(wid * _STRIP, _STRIP)], mx_v)

    def p1(i, carry):
        cfg, cbg = carry
        v = mx_v[pl.ds(i * 16, 16)]
        fg = v >= _FG_THRESH
        bg = jnp.logical_and(v >= _BG_LO, v < _BG_HI)
        return cfg + jnp.where(fg, 1, 0), cbg + jnp.where(bg, 1, 0)

    cfg_l, cbg_l = lax.fori_loop(0, _NV, p1, (zero16, zero16))
    cfg = tot(cfg_l)
    cbg = tot(cbg_l)

    stage_v[...] = jnp.where(iot == 0, cfg, jnp.where(iot == 1, cbg, 0))
    pltpu.sync_copy(stage_v, cnts_sh.at[wid])
    plsc.subcore_barrier()
    pltpu.sync_copy(cnts_sh, cnts_v)

    c0f = plsc.load_gather(cnts_v, [iot, zero16])
    c0b = plsc.load_gather(cnts_v, [iot, jnp.ones((16,), _i32)])
    pref_fg = tot(jnp.where(iot < wid, c0f, 0))
    pref_bg = tot(jnp.where(iot < wid, c0b, 0))

    for j in range(8):
        keep_v[pl.ds(j * 16, 16)] = zero16

    def p3(i, carry):
        rfg, rbg = carry
        v = mx_v[pl.ds(i * 16, 16)]
        fg = v >= _FG_THRESH
        bg = jnp.logical_and(v >= _BG_LO, v < _BG_HI)
        pfg = prefix16(jnp.where(fg, 1, 0))
        pbg = prefix16(jnp.where(bg, 1, 0))
        t_fg = pref_fg + rfg + pfg - 1
        t_bg = pref_bg + rbg + pbg - 1
        selfg = jnp.logical_and(fg, t_fg < _NUM_FG)
        selbg = jnp.logical_and(bg, t_bg < _BATCH - _NUM_FG)
        slot = jnp.where(selfg, t_fg, jnp.where(selbg, t_bg + _NUM_FG, 0))
        msk = jnp.logical_or(selfg, selbg)
        gidx = wid * _STRIP + i * 16 + iot
        plsc.store_scatter(keep_v, [slot], gidx, mask=msk)
        scan_v[...] = pfg
        tfg = plsc.load_gather(scan_v, [jnp.full((16,), 15, _i32)])
        scan_v[...] = pbg
        tbg = plsc.load_gather(scan_v, [jnp.full((16,), 15, _i32)])
        return rfg + tfg, rbg + tbg

    lax.fori_loop(0, _NV, p3, (zero16, zero16))

    pltpu.sync_copy(keep_v, keeps_sh.at[wid])
    plsc.subcore_barrier()

    @pl.when(wid == 0)
    def _():
        pltpu.sync_copy(keeps_sh, keeps_l)
        for j in range(8):
            acc = zero16
            for r in range(_NW):
                acc = acc + keeps_l[r, pl.ds(j * 16, 16)]
            keep_v[pl.ds(j * 16, 16)] = acc
        pltpu.async_copy(rois16_hbm.at[keep_v], rows_v, sem).wait()
        for j in range(8):
            ak = plsc.load_gather(rows_v, [j * 16 + iot, jnp.full((16,), 8, _i32)])
            idx2[pl.ds(j * 16, 16)] = ak.astype(_i32)
        pltpu.async_copy(gt8_hbm.at[idx2], asg_v, sem).wait()
        pltpu.sync_copy(rows_v, kept_hbm)
        pltpu.sync_copy(asg_v, asg_hbm)


_sc_call = functools.partial(
    pl.kernel, _sc_body,
    out_type=(jax.ShapeDtypeStruct((_BATCH, 16), _f32),
              jax.ShapeDtypeStruct((_BATCH, 8), _f32)),
    mesh=plsc.VectorSubcoreMesh(core_axis_name="c", subcore_axis_name="s",
                                num_cores=1),
    compiler_params=pltpu.CompilerParams(needs_layout_passes=False,
                                         use_tc_tiling_on_sc=False),
    scratch_types=[
        pltpu.VMEM((_STRIP,), _f32),
        pltpu.VMEM((_BATCH,), _i32),
        pltpu.VMEM((16,), _i32),
        pltpu.VMEM((16,), _i32),
        pltpu.VMEM((_NW, 16), _i32),
        pltpu.VMEM((_NW, _BATCH), _i32),
        pltpu.VMEM((_BATCH,), _i32),
        pltpu.VMEM((_BATCH, 16), _f32),
        pltpu.VMEM((_BATCH, 8), _f32),
        pltpu.VMEM_SHARED((_NW, 16), _i32),
        pltpu.VMEM_SHARED((_NW, _BATCH), _i32),
        pltpu.SemaphoreType.DMA,
    ],
)


def _final_kern(kept_ref, asg_ref,
                rois_out, lab_out, pid_out, bt_out, biw_out, bow_out):
    kept = kept_ref[...]
    assigned = asg_ref[...]
    rx1 = kept[:, 1:2]
    ry1 = kept[:, 2:3]
    rx2 = kept[:, 3:4]
    ry2 = kept[:, 4:5]
    gx1 = assigned[:, 0:1]
    gy1 = assigned[:, 1:2]
    gx2 = assigned[:, 2:3]
    gy2 = assigned[:, 3:4]
    ew = rx2 - rx1 + 1.0
    eh = ry2 - ry1 + 1.0
    ecx = rx1 + 0.5 * ew
    ecy = ry1 + 0.5 * eh
    gw = gx2 - gx1 + 1.0
    gh = gy2 - gy1 + 1.0
    gcx = gx1 + 0.5 * gw
    gcy = gy1 + 0.5 * gh
    dx = (gcx - ecx) / ew / _STDS[0]
    dy = (gcy - ecy) / eh / _STDS[1]
    dw = jnp.log(gw / ew) / _STDS[2]
    dh = jnp.log(gh / eh) / _STDS[3]
    data = jnp.concatenate([dx, dy, dw, dh], axis=1)

    srow = lax.broadcasted_iota(_i32, (_BATCH, 1), 0).astype(_f32)
    isfg_slot = srow < float(_NUM_FG)
    labels = jnp.where(isfg_slot, assigned[:, 4:5], 0.0)
    pids = jnp.where(isfg_slot, assigned[:, 5:6], _BG_PID)
    fgw = (labels > 0.0).astype(_f32)
    clsr = jnp.round(labels)
    m0 = (clsr == 0.0).astype(_f32)
    m1 = (clsr == 1.0).astype(_f32)
    d = data * fgw
    ones4 = jnp.ones((_BATCH, 4), dtype=_f32)
    bt_out[...] = jnp.concatenate([d * m0, d * m1], axis=1)
    biw_out[...] = jnp.concatenate([ones4 * (fgw * m0), ones4 * (fgw * m1)], axis=1)
    bow_out[...] = jnp.concatenate([ones4 * (fgw * m0), ones4 * (fgw * m1)], axis=1)
    rois_out[...] = kept[:, 0:5]
    lab_out[...] = labels.astype(jnp.int32)
    pid_out[...] = pids.astype(jnp.int32)


@jax.jit
def kernel(all_rois, gt_boxes):
    G = gt_boxes.shape[0]
    gt_rois = jnp.concatenate(
        [jnp.zeros((G, 1), jnp.float32), gt_boxes[:, :4]], axis=1)
    rois_ext = jnp.concatenate([all_rois, gt_rois], axis=0)
    pad = _N_PAD - rois_ext.shape[0]
    pad_rows = jnp.full((pad, 5), -1e9, dtype=jnp.float32)
    rois_p = jnp.concatenate([rois_ext, pad_rows], axis=0)
    roisT8 = jnp.concatenate(
        [rois_p.T, jnp.zeros((3, _N_PAD), jnp.float32)], axis=0)

    maxs, amax = pl.pallas_call(
        _iou_kern,
        out_shape=(
            jax.ShapeDtypeStruct((_NCHUNK, _CHUNK), jnp.float32),
            jax.ShapeDtypeStruct((_NCHUNK, _CHUNK), jnp.float32),
        ),
    )(roisT8, gt_boxes)

    rois16 = jnp.concatenate(
        [rois_p, jnp.zeros((_N_PAD, 3), jnp.float32),
         amax.reshape(_N_PAD, 1), jnp.zeros((_N_PAD, 7), jnp.float32)], axis=1)
    gt8 = jnp.concatenate([gt_boxes, jnp.zeros((G, 2), jnp.float32)], axis=1)

    kept, asg = _sc_call()(maxs.reshape(_N_PAD), rois16, gt8)

    outs = pl.pallas_call(
        _final_kern,
        out_shape=(
            jax.ShapeDtypeStruct((_BATCH, 5), jnp.float32),
            jax.ShapeDtypeStruct((_BATCH, 1), jnp.int32),
            jax.ShapeDtypeStruct((_BATCH, 1), jnp.int32),
            jax.ShapeDtypeStruct((_BATCH, 8), jnp.float32),
            jax.ShapeDtypeStruct((_BATCH, 8), jnp.float32),
            jax.ShapeDtypeStruct((_BATCH, 8), jnp.float32),
        ),
    )(kept, asg)
    rois, lab, pid, bt, biw, bow = outs
    return (rois, lab.reshape(_BATCH), pid.reshape(_BATCH), bt, biw, bow)

# --- scband reference (transcript-rebuilt; emitter-appended) ---
"""Pipeline reference for scband-proposal-target-layer-40467181863112 (READ-ONLY COPY).

The authoritative reference and input builder live on the scoring server;
editing this copy changes nothing except your own understanding.
"""

import jax, jax.numpy as jnp
import numpy as np

NUM_CLASSES = 2
BG_PID_LABEL = 5532
BATCH_SIZE = 128
FG_FRACTION = 0.25
FG_THRESH = 0.5
BG_THRESH_HI = 0.5
BG_THRESH_LO = 0.1
BBOX_MEANS = jnp.array([0.0, 0.0, 0.0, 0.0], dtype=jnp.float32)
BBOX_STDS = jnp.array([0.1, 0.1, 0.2, 0.2], dtype=jnp.float32)
BBOX_INSIDE_WEIGHTS = jnp.array([1.0, 1.0, 1.0, 1.0], dtype=jnp.float32)


def _bbox_overlaps(boxes, query):
    b_area = (boxes[:, 2] - boxes[:, 0] + 1.0) * (boxes[:, 3] - boxes[:, 1] + 1.0)
    q_area = (query[:, 2] - query[:, 0] + 1.0) * (query[:, 3] - query[:, 1] + 1.0)
    iw = jnp.clip(jnp.minimum(boxes[:, None, 2], query[None, :, 2]) - jnp.maximum(boxes[:, None, 0], query[None, :, 0]) + 1.0, 0.0, None)
    ih = jnp.clip(jnp.minimum(boxes[:, None, 3], query[None, :, 3]) - jnp.maximum(boxes[:, None, 1], query[None, :, 1]) + 1.0, 0.0, None)
    inter = iw * ih
    ua = b_area[:, None] + q_area[None, :] - inter
    return inter / ua


def _bbox_transform(ex, gt):
    ew = ex[:, 2] - ex[:, 0] + 1.0
    eh = ex[:, 3] - ex[:, 1] + 1.0
    ecx = ex[:, 0] + 0.5 * ew
    ecy = ex[:, 1] + 0.5 * eh
    gw = gt[:, 2] - gt[:, 0] + 1.0
    gh = gt[:, 3] - gt[:, 1] + 1.0
    gcx = gt[:, 0] + 0.5 * gw
    gcy = gt[:, 1] + 0.5 * gh
    dx = (gcx - ecx) / ew
    dy = (gcy - ecy) / eh
    dw = jnp.log(gw / ew)
    dh = jnp.log(gh / eh)
    return jnp.stack([dx, dy, dw, dh], axis=1)


def setup_inputs(seed: int = 0):
    key = jax.random.key(seed)
    ks = jax.random.split(key, 10)
    N, G = 20000, 128
    x1 = jax.random.uniform(ks[0], (N,), minval=0.0, maxval=800.0)
    y1 = jax.random.uniform(ks[1], (N,), minval=0.0, maxval=800.0)
    w = jax.random.uniform(ks[2], (N,), minval=20.0, maxval=200.0)
    h = jax.random.uniform(ks[3], (N,), minval=20.0, maxval=200.0)
    boxes = jnp.stack([x1, y1, x1 + w, y1 + h], axis=1)
    gx1 = jax.random.uniform(ks[4], (G,), minval=0.0, maxval=800.0)
    gy1 = jax.random.uniform(ks[5], (G,), minval=0.0, maxval=800.0)
    gw = jax.random.uniform(ks[6], (G,), minval=40.0, maxval=250.0)
    gh = jax.random.uniform(ks[7], (G,), minval=40.0, maxval=250.0)
    gtb = jnp.stack([gx1, gy1, gx1 + gw, gy1 + gh], axis=1)
    cls_col = jnp.ones((G, 1), dtype=jnp.float32)
    pid_col = jax.random.randint(ks[8], (G, 1), 0, BG_PID_LABEL - 1).astype(jnp.float32)
    gt_boxes = jnp.concatenate([gtb, cls_col, pid_col], axis=1)
    # overwrite the first reps*G proposals with shifted copies of gt boxes so
    # fg / bg overlap bands are both populated (realistic RPN output structure)
    reps = 8
    shift = jnp.linspace(0.15, 0.9, reps)
    bw = gtb[:, 2] - gtb[:, 0]
    off = shift[:, None] * bw[None, :]
    jx1 = gtb[None, :, 0] + off
    jx2 = gtb[None, :, 2] + off
    jy1 = jnp.broadcast_to(gtb[None, :, 1], (reps, G))
    jy2 = jnp.broadcast_to(gtb[None, :, 3], (reps, G))
    jit = jnp.stack([jx1, jy1, jx2, jy2], axis=2).reshape(reps * G, 4)
    boxes = boxes.at[: reps * G].set(jit)
    all_rois = jnp.concatenate([jnp.zeros((N, 1), dtype=jnp.float32), boxes], axis=1)
    return {"all_rois": all_rois, "gt_boxes": gt_boxes}


def reference(all_rois, gt_boxes):
    G = gt_boxes.shape[0]
    zeros = jnp.zeros((G, 1), dtype=gt_boxes.dtype)
    rois_ext = jnp.concatenate([all_rois, jnp.concatenate([zeros, gt_boxes[:, :4]], axis=1)], axis=0)
    num_rois = BATCH_SIZE
    num_fg_rois = int(round(FG_FRACTION * num_rois))
    overlaps = _bbox_overlaps(rois_ext[:, 1:5], gt_boxes[:, :4])
    argmax_overlaps = jnp.argmax(overlaps, axis=1)
    max_overlaps = jnp.max(overlaps, axis=1)
    labels_all = gt_boxes[argmax_overlaps, 4]
    pid_all = gt_boxes[argmax_overlaps, 5]
    fg_mask = max_overlaps >= FG_THRESH
    bg_mask = (max_overlaps < BG_THRESH_HI) & (max_overlaps >= BG_THRESH_LO)
    # deterministic (DEBUG-mode) subsampling: take the first candidates
    fg_inds = jnp.nonzero(fg_mask, size=num_fg_rois, fill_value=0)[0]
    bg_inds = jnp.nonzero(bg_mask, size=num_rois - num_fg_rois, fill_value=0)[0]
    keep_inds = jnp.concatenate([fg_inds, bg_inds])
    labels = labels_all[keep_inds]
    pid_labels = pid_all[keep_inds]
    rois = rois_ext[keep_inds]
    labels = labels.at[num_fg_rois:].set(0.0)
    pid_labels = pid_labels.at[num_fg_rois:].set(float(BG_PID_LABEL))
    gt_assigned = gt_boxes[argmax_overlaps[keep_inds], :4]
    bbox_targets_data = _bbox_transform(rois[:, 1:5], gt_assigned)
    bbox_targets_data = (bbox_targets_data - BBOX_MEANS[None, :]) / BBOX_STDS[None, :]
    R = num_rois
    cls = jnp.round(labels).astype(jnp.int32)
    fg = (labels > 0).astype(jnp.float32)
    rows = jnp.arange(R)
    bt = jnp.zeros((R, NUM_CLASSES, 4), dtype=jnp.float32)
    bt = bt.at[rows, cls].set(bbox_targets_data * fg[:, None])
    biw = jnp.zeros((R, NUM_CLASSES, 4), dtype=jnp.float32)
    biw = biw.at[rows, cls].set(BBOX_INSIDE_WEIGHTS[None, :] * fg[:, None])
    bow = jnp.zeros((R, NUM_CLASSES, 4), dtype=jnp.float32)
    bow = bow.at[rows, cls].set(jnp.ones((R, 4), dtype=jnp.float32) * fg[:, None])
    bbox_targets = bt.reshape(R, 4 * NUM_CLASSES)
    bbox_inside_ws = biw.reshape(R, 4 * NUM_CLASSES)
    bbox_outside_ws = bow.reshape(R, 4 * NUM_CLASSES)
    return (rois, labels.astype(jnp.int32), pid_labels.astype(jnp.int32), bbox_targets, bbox_inside_ws, bbox_outside_ws)

if __name__ == "__main__":
    import jax
    _d = setup_inputs()
    print(jax.jit(kernel)(*tuple(_d.values())))

</pallas_src>

<mosaic_0001>
#map = affine_map<(d0, d1) -> (0)>
#map1 = affine_map<(d0, d1) -> (0, 0)>
module attributes {stable_mosaic.version = 14 : i64} {
  func.func @_sc_body(%arg0: i32, %arg1: i32, %arg2: memref<20480xf32, #tpu.memory_space<hbm>>, %arg3: memref<20480x16xf32, #tpu.memory_space<hbm>>, %arg4: memref<128x8xf32, #tpu.memory_space<hbm>>, %arg5: memref<128x16xf32, #tpu.memory_space<hbm>>, %arg6: memref<128x8xf32, #tpu.memory_space<hbm>>, %arg7: memref<1280xf32, #tpu.memory_space<vmem>>, %arg8: memref<128xi32, #tpu.memory_space<vmem>>, %arg9: memref<16xi32, #tpu.memory_space<vmem>>, %arg10: memref<16xi32, #tpu.memory_space<vmem>>, %arg11: memref<16x16xi32, #tpu.memory_space<vmem>>, %arg12: memref<16x128xi32, #tpu.memory_space<vmem>>, %arg13: memref<128xi32, #tpu.memory_space<vmem>>, %arg14: memref<128x16xf32, #tpu.memory_space<vmem>>, %arg15: memref<128x8xf32, #tpu.memory_space<vmem>>, %arg16: memref<16x16xi32, #tpu.memory_space<vmem_shared>>, %arg17: memref<16x128xi32, #tpu.memory_space<vmem_shared>>, %arg18: memref<!tpu.dma_semaphore, #tpu.memory_space<semaphore_mem>>) attributes {dimension_semantics = [#tpu.dimension_semantics<core_parallel>, #tpu.dimension_semantics<subcore_parallel>], iteration_bounds = array<i64: 1, 16>, scalar_prefetch = 0 : i64, scratch_operands = 12 : i64, tpu.core_type = #tpu.core_type<sc_vector_subcore>, window_params = [{transform_indices = #map}, {transform_indices = #map1}, {transform_indices = #map1}, {transform_indices = #map1}, {transform_indices = #map1}]} {
    %iota3A = tpu.iota {dimensions = array<i32: 0>} : vector<16xi32>
    %broadcast_in_dim3A = arith.constant 0 : i32
    %broadcast_in_dim3A_0 = vector.broadcast %broadcast_in_dim3A : i32 to vector<16xi32>
    %mul3A = arith.constant 1280 : i32
    %mul3A_1 = arith.muli %arg1, %mul3A : i32
    "tpu.region"() ({
      %run_scoped3A = tpu.sem_alloc : memref<!tpu.dma_semaphore, #tpu.memory_space<semaphore_mem>>
      %dma_start3A = tpu.memref_slice %arg2[%mul3A_1] : memref<20480xf32, #tpu.memory_space<hbm>> -> memref<1280xf32, #tpu.memory_space<hbm>>
      %dma_start3A_325 = tpu.memref_slice %arg2[%mul3A_1] : memref<20480xf32, #tpu.memory_space<hbm>> -> memref<1280xf32, #tpu.memory_space<hbm>>
      tpu.enqueue_dma source(%dma_start3A_325 : memref<1280xf32, #tpu.memory_space<hbm>>) target(%arg7 : memref<1280xf32, #tpu.memory_space<vmem>>) target_semaphore(%run_scoped3A : memref<!tpu.dma_semaphore, #tpu.memory_space<semaphore_mem>>)
      %dma_wait3A = tpu.memref_slice %arg2[%mul3A_1] : memref<20480xf32, #tpu.memory_space<hbm>> -> memref<1280xf32, #tpu.memory_space<hbm>>
      %dma_wait3A_326 = tpu.memref_slice %arg2[%mul3A_1] : memref<20480xf32, #tpu.memory_space<hbm>> -> memref<1280xf32, #tpu.memory_space<hbm>>
      tpu.wait_dma2 semaphore(%run_scoped3A : memref<!tpu.dma_semaphore, #tpu.memory_space<semaphore_mem>>) src(%dma_wait3A_326 : memref<1280xf32, #tpu.memory_space<hbm>>) dst(%arg7 : memref<1280xf32, #tpu.memory_space<vmem>>)
      tpu.yield
    }) : () -> ()
    %scan3A = arith.constant 0 : i32
    %scan3A_2 = arith.constant 80 : i32
    %scan3A_3 = arith.addi %scan3A, %scan3A_2 : i32
    %scan3A_4 = arith.constant 1 : i32
    %scan3A_5:2 = scf.for %scan3A_325 = %scan3A to %scan3A_3 step %scan3A_4 iter_args(%scan3A_326 = %broadcast_in_dim3A_0, %scan3A_327 = %broadcast_in_dim3A_0) -> (vector<16xi32>, vector<16xi32>)  : i32 {
      %mul3A_328 = arith.constant 16 : i32
      %mul3A_329 = arith.muli %scan3A_325, %mul3A_328 : i32
      %get3A = arith.index_cast %mul3A_329 : i32 to index
      %get3A_330 = tpu.vector_load %arg7[%get3A] {strides = array<i32>} : memref<1280xf32, #tpu.memory_space<vmem>>, vector<16xf32>,
      %ge3A_331 = arith.constant 5.000000e-01 : f32
      %ge3A_332 = vector.broadcast %ge3A_331 : f32 to vector<16xf32>
      %ge3A_333 = arith.cmpf oge, %get3A_330, %ge3A_332 : vector<16xf32>
      %ge3A_334 = arith.constant 1.000000e-01 : f32
      %ge3A_335 = vector.broadcast %ge3A_334 : f32 to vector<16xf32>
      %ge3A_336 = arith.cmpf oge, %get3A_330, %ge3A_335 : vector<16xf32>
      %lt3A_337 = arith.constant 5.000000e-01 : f32
      %lt3A_338 = vector.broadcast %lt3A_337 : f32 to vector<16xf32>
      %lt3A_339 = arith.cmpf olt, %get3A_330, %lt3A_338 : vector<16xf32>
      %and3A = arith.andi %ge3A_336, %lt3A_339 : vector<16xi1>
      %jit3A_340 = arith.constant 1 : i32
      %jit3A_341 = arith.constant 0 : i32
      %broadcast_in_dim3A_342 = vector.broadcast %jit3A_340 : i32 to vector<16xi32>
      %broadcast_in_dim3A_343 = vector.broadcast %jit3A_341 : i32 to vector<16xi32>
      %select_n3A_344 = arith.select %ge3A_333, %broadcast_in_dim3A_342, %broadcast_in_dim3A_343 : vector<16xi1>, vector<16xi32>
      %add3A_345 = arith.addi %scan3A_326, %select_n3A_344 : vector<16xi32>
      %jit3A_346 = arith.constant 1 : i32
      %jit3A_347 = arith.constant 0 : i32
      %broadcast_in_dim3A_348 = vector.broadcast %jit3A_346 : i32 to vector<16xi32>
      %broadcast_in_dim3A_349 = vector.broadcast %jit3A_347 : i32 to vector<16xi32>
      %select_n3A_350 = arith.select %and3A, %broadcast_in_dim3A_348, %broadcast_in_dim3A_349 : vector<16xi1>, vector<16xi32>
      %add3A_351 = arith.addi %scan3A_327, %select_n3A_350 : vector<16xi32>
      scf.yield %add3A_345, %add3A_351 : vector<16xi32>, vector<16xi32>
    }
    %scan3A_6 = arith.constant 80 : i32
    %swap3A = arith.constant 0 : index
    %swap3A_7 = tpu.vector_load %arg10[%swap3A] {strides = array<i32>} : memref<16xi32, #tpu.memory_space<vmem>>, vector<16xi32>,
    tpu.vector_store %arg10[%swap3A], %scan3A_5#0 {strides = array<i32>} : memref<16xi32, #tpu.memory_space<vmem>>, vector<16xi32>,
    %sub3A = arith.constant 1 : i32
    %sub3A_8 = vector.broadcast %sub3A : i32 to vector<16xi32>
    %sub3A_9 = arith.subi %iota3A, %sub3A_8 : vector<16xi32>
    %max3A = arith.constant 0 : i32
    %max3A_10 = vector.broadcast %max3A : i32 to vector<16xi32>
    %max3A_11 = arith.maxsi %sub3A_9, %max3A_10 : vector<16xi32>
    %gather3A = tpu.vector_load_idx %arg10[%max3A_11] : memref<16xi32, #tpu.memory_space<vmem>>[vector<16xi32>], vector<16xi32>,
    %ge3A = arith.constant 1 : i32
    %ge3A_12 = vector.broadcast %ge3A : i32 to vector<16xi32>
    %ge3A_13 = arith.cmpi sge, %iota3A, %ge3A_12 : vector<16xi32>
    %jit3A = arith.constant 0 : i32
    %broadcast_in_dim3A_14 = vector.broadcast %jit3A : i32 to vector<16xi32>
    %select_n3A = arith.select %ge3A_13, %gather3A, %broadcast_in_dim3A_14 : vector<16xi1>, vector<16xi32>
    %add3A = arith.addi %scan3A_5#0, %select_n3A : vector<16xi32>
    %swap3A_15 = arith.constant 0 : index
    %swap3A_16 = tpu.vector_load %arg10[%swap3A_15] {strides = array<i32>} : memref<16xi32, #tpu.memory_space<vmem>>, vector<16xi32>,
    tpu.vector_store %arg10[%swap3A_15], %add3A {strides = array<i32>} : memref<16xi32, #tpu.memory_space<vmem>>, vector<16xi32>,
    %sub3A_17 = arith.constant 2 : i32
    %sub3A_18 = vector.broadcast %sub3A_17 : i32 to vector<16xi32>
    %sub3A_19 = arith.subi %iota3A, %sub3A_18 : vector<16xi32>
    %max3A_20 = arith.constant 0 : i32
    %max3A_21 = vector.broadcast %max3A_20 : i32 to vector<16xi32>
    %max3A_22 = arith.maxsi %sub3A_19, %max3A_21 : vector<16xi32>
    %gather3A_23 = tpu.vector_load_idx %arg10[%max3A_22] : memref<16xi32, #tpu.memory_space<vmem>>[vector<16xi32>], vector<16xi32>,
    %ge3A_24 = arith.constant 2 : i32
    %ge3A_25 = vector.broadcast %ge3A_24 : i32 to vector<16xi32>
    %ge3A_26 = arith.cmpi sge, %iota3A, %ge3A_25 : vector<16xi32>
    %jit3A_27 = arith.constant 0 : i32
    %broadcast_in_dim3A_28 = vector.broadcast %jit3A_27 : i32 to vector<16xi32>
    %select_n3A_29 = arith.select %ge3A_26, %gather3A_23, %broadcast_in_dim3A_28 : vector<16xi1>, vector<16xi32>
    %add3A_30 = arith.addi %add3A, %select_n3A_29 : vector<16xi32>
    %swap3A_31 = arith.constant 0 : index
    %swap3A_32 = tpu.vector_load %arg10[%swap3A_31] {strides = array<i32>} : memref<16xi32, #tpu.memory_space<vmem>>, vector<16xi32>,
    tpu.vector_store %arg10[%swap3A_31], %add3A_30 {strides = array<i32>} : memref<16xi32, #tpu.memory_space<vmem>>, vector<16xi32>,
    %sub3A_33 = arith.constant 4 : i32
    %sub3A_34 = vector.broadcast %sub3A_33 : i32 to vector<16xi32>
    %sub3A_35 = arith.subi %iota3A, %sub3A_34 : vector<16xi32>
    %max3A_36 = arith.constant 0 : i32
    %max3A_37 = vector.broadcast %max3A_36 : i32 to vector<16xi32>
    %max3A_38 = arith.maxsi %sub3A_35, %max3A_37 : vector<16xi32>
    %gather3A_39 = tpu.vector_load_idx %arg10[%max3A_38] : memref<16xi32, #tpu.memory_space<vmem>>[vector<16xi32>], vector<16xi32>,
    %ge3A_40 = arith.constant 4 : i32
    %ge3A_41 = vector.broadcast %ge3A_40 : i32 to vector<16xi32>
    %ge3A_42 = arith.cmpi sge, %iota3A, %ge3A_41 : vector<16xi32>
    %jit3A_43 = arith.constant 0 : i32
    %broadcast_in_dim3A_44 = vector.broadcast %jit3A_43 : i32 to vector<16xi32>
    %select_n3A_45 = arith.select %ge3A_42, %gather3A_39, %broadcast_in_dim3A_44 : vector<16xi1>, vector<16xi32>
    %add3A_46 = arith.addi %add3A_30, %select_n3A_45 : vector<16xi32>
    %swap3A_47 = arith.constant 0 : index
    %swap3A_48 = tpu.vector_load %arg10[%swap3A_47] {strides = array<i32>} : memref<16xi32, #tpu.memory_space<vmem>>, vector<16xi32>,
    tpu.vector_store %arg10[%swap3A_47], %add3A_46 {strides = array<i32>} : memref<16xi32, #tpu.memory_space<vmem>>, vector<16xi32>,
    %sub3A_49 = arith.constant 8 : i32
    %sub3A_50 = vector.broadcast %sub3A_49 : i32 to vector<16xi32>
    %sub3A_51 = arith.subi %iota3A, %sub3A_50 : vector<16xi32>
    %max3A_52 = arith.constant 0 : i32
    %max3A_53 = vector.broadcast %max3A_52 : i32 to vector<16xi32>
    %max3A_54 = arith.maxsi %sub3A_51, %max3A_53 : vector<16xi32>
    %gather3A_55 = tpu.vector_load_idx %arg10[%max3A_54] : memref<16xi32, #tpu.memory_space<vmem>>[vector<16xi32>], vector<16xi32>,
    %ge3A_56 = arith.constant 8 : i32
    %ge3A_57 = vector.broadcast %ge3A_56 : i32 to vector<16xi32>
    %ge3A_58 = arith.cmpi sge, %iota3A, %ge3A_57 : vector<16xi32>
    %jit3A_59 = arith.constant 0 : i32
    %broadcast_in_dim3A_60 = vector.broadcast %jit3A_59 : i32 to vector<16xi32>
    %select_n3A_61 = arith.select %ge3A_58, %gather3A_55, %broadcast_in_dim3A_60 : vector<16xi1>, vector<16xi32>
    %add3A_62 = arith.addi %add3A_46, %select_n3A_61 : vector<16xi32>
    %swap3A_63 = arith.constant 0 : index
    %swap3A_64 = tpu.vector_load %arg10[%swap3A_63] {strides = array<i32>} : memref<16xi32, #tpu.memory_space<vmem>>, vector<16xi32>,
    tpu.vector_store %arg10[%swap3A_63], %add3A_62 {strides = array<i32>} : memref<16xi32, #tpu.memory_space<vmem>>, vector<16xi32>,
    %broadcast_in_dim3A_65 = arith.constant 15 : i32
    %broadcast_in_dim3A_66 = vector.broadcast %broadcast_in_dim3A_65 : i32 to vector<16xi32>
    %gather3A_67 = tpu.vector_load_idx %arg10[%broadcast_in_dim3A_66] : memref<16xi32, #tpu.memory_space<vmem>>[vector<16xi32>], vector<16xi32>,
    %swap3A_68 = arith.constant 0 : index
    %swap3A_69 = tpu.vector_load %arg10[%swap3A_68] {strides = array<i32>} : memref<16xi32, #tpu.memory_space<vmem>>, vector<16xi32>,
    tpu.vector_store %arg10[%swap3A_68], %scan3A_5#1 {strides = array<i32>} : memref<16xi32, #tpu.memory_space<vmem>>, vector<16xi32>,
    %sub3A_70 = arith.constant 1 : i32
    %sub3A_71 = vector.broadcast %sub3A_70 : i32 to vector<16xi32>
    %sub3A_72 = arith.subi %iota3A, %sub3A_71 : vector<16xi32>
    %max3A_73 = arith.constant 0 : i32
    %max3A_74 = vector.broadcast %max3A_73 : i32 to vector<16xi32>
    %max3A_75 = arith.maxsi %sub3A_72, %max3A_74 : vector<16xi32>
    %gather3A_76 = tpu.vector_load_idx %arg10[%max3A_75] : memref<16xi32, #tpu.memory_space<vmem>>[vector<16xi32>], vector<16xi32>,
    %ge3A_77 = arith.constant 1 : i32
    %ge3A_78 = vector.broadcast %ge3A_77 : i32 to vector<16xi32>
    %ge3A_79 = arith.cmpi sge, %iota3A, %ge3A_78 : vector<16xi32>
    %jit3A_80 = arith.constant 0 : i32
    %broadcast_in_dim3A_81 = vector.broadcast %jit3A_80 : i32 to vector<16xi32>
    %select_n3A_82 = arith.select %ge3A_79, %gather3A_76, %broadcast_in_dim3A_81 : vector<16xi1>, vector<16xi32>
    %add3A_83 = arith.addi %scan3A_5#1, %select_n3A_82 : vector<16xi32>
    %swap3A_84 = arith.constant 0 : index
    %swap3A_85 = tpu.vector_load %arg10[%swap3A_84] {strides = array<i32>} : memref<16xi32, #tpu.memory_space<vmem>>, vector<16xi32>,
    tpu.vector_store %arg10[%swap3A_84], %add3A_83 {strides = array<i32>} : memref<16xi32, #tpu.memory_space<vmem>>, vector<16xi32>,
    %sub3A_86 = arith.constant 2 : i32
    %sub3A_87 = vector.broadcast %sub3A_86 : i32 to vector<16xi32>
    %sub3A_88 = arith.subi %iota3A, %sub3A_87 : vector<16xi32>
    %max3A_89 = arith.constant 0 : i32
    %max3A_90 = vector.broadcast %max3A_89 : i32 to vector<16xi32>
    %max3A_91 = arith.maxsi %sub3A_88, %max3A_90 : vector<16xi32>
    %gather3A_92 = tpu.vector_load_idx %arg10[%max3A_91] : memref<16xi32, #tpu.memory_space<vmem>>[vector<16xi32>], vector<16xi32>,
    %ge3A_93 = arith.constant 2 : i32
    %ge3A_94 = vector.broadcast %ge3A_93 : i32 to vector<16xi32>
    %ge3A_95 = arith.cmpi sge, %iota3A, %ge3A_94 : vector<16xi32>
    %jit3A_96 = arith.constant 0 : i32
    %broadcast_in_dim3A_97 = vector.broadcast %jit3A_96 : i32 to vector<16xi32>
    %select_n3A_98 = arith.select %ge3A_95, %gather3A_92, %broadcast_in_dim3A_97 : vector<16xi1>, vector<16xi32>
    %add3A_99 = arith.addi %add3A_83, %select_n3A_98 : vector<16xi32>
    %swap3A_100 = arith.constant 0 : index
    %swap3A_101 = tpu.vector_load %arg10[%swap3A_100] {strides = array<i32>} : memref<16xi32, #tpu.memory_space<vmem>>, vector<16xi32>,
    tpu.vector_store %arg10[%swap3A_100], %add3A_99 {strides = array<i32>} : memref<16xi32, #tpu.memory_space<vmem>>, vector<16xi32>,
    %sub3A_102 = arith.constant 4 : i32
    %sub3A_103 = vector.broadcast %sub3A_102 : i32 to vector<16xi32>
    %sub3A_104 = arith.subi %iota3A, %sub3A_103 : vector<16xi32>
    %max3A_105 = arith.constant 0 : i32
    %max3A_106 = vector.broadcast %max3A_105 : i32 to vector<16xi32>
    %max3A_107 = arith.maxsi %sub3A_104, %max3A_106 : vector<16xi32>
    %gather3A_108 = tpu.vector_load_idx %arg10[%max3A_107] : memref<16xi32, #tpu.memory_space<vmem>>[vector<16xi32>], vector<16xi32>,
    %ge3A_109 = arith.constant 4 : i32
    %ge3A_110 = vector.broadcast %ge3A_109 : i32 to vector<16xi32>
    %ge3A_111 = arith.cmpi sge, %iota3A, %ge3A_110 : vector<16xi32>
    %jit3A_112 = arith.constant 0 : i32
    %broadcast_in_dim3A_113 = vector.broadcast %jit3A_112 : i32 to vector<16xi32>
    %select_n3A_114 = arith.select %ge3A_111, %gather3A_108, %broadcast_in_dim3A_113 : vector<16xi1>, vector<16xi32>
    %add3A_115 = arith.addi %add3A_99, %select_n3A_114 : vector<16xi32>
    %swap3A_116 = arith.constant 0 : index
    %swap3A_117 = tpu.vector_load %arg10[%swap3A_116] {strides = array<i32>} : memref<16xi32, #tpu.memory_space<vmem>>, vector<16xi32>,
    tpu.vector_store %arg10[%swap3A_116], %add3A_115 {strides = array<i32>} : memref<16xi32, #tpu.memory_space<vmem>>, vector<16xi32>,
    %sub3A_118 = arith.constant 8 : i32
    %sub3A_119 = vector.broadcast %sub3A_118 : i32 to vector<16xi32>
    %sub3A_120 = arith.subi %iota3A, %sub3A_119 : vector<16xi32>
    %max3A_121 = arith.constant 0 : i32
    %max3A_122 = vector.broadcast %max3A_121 : i32 to vector<16xi32>
    %max3A_123 = arith.maxsi %sub3A_120, %max3A_122 : vector<16xi32>
    %gather3A_124 = tpu.vector_load_idx %arg10[%max3A_123] : memref<16xi32, #tpu.memory_space<vmem>>[vector<16xi32>], vector<16xi32>,
    %ge3A_125 = arith.constant 8 : i32
    %ge3A_126 = vector.broadcast %ge3A_125 : i32 to vector<16xi32>
    %ge3A_127 = arith.cmpi sge, %iota3A, %ge3A_126 : vector<16xi32>
    %jit3A_128 = arith.constant 0 : i32
    %broadcast_in_dim3A_129 = vector.broadcast %jit3A_128 : i32 to vector<16xi32>
    %select_n3A_130 = arith.select %ge3A_127, %gather3A_124, %broadcast_in_dim3A_129 : vector<16xi1>, vector<16xi32>
    %add3A_131 = arith.addi %add3A_115, %select_n3A_130 : vector<16xi32>
    %swap3A_132 = arith.constant 0 : index
    %swap3A_133 = tpu.vector_load %arg10[%swap3A_132] {strides = array<i32>} : memref<16xi32, #tpu.memory_space<vmem>>, vector<16xi32>,
    tpu.vector_store %arg10[%swap3A_132], %add3A_131 {strides = array<i32>} : memref<16xi32, #tpu.memory_space<vmem>>, vector<16xi32>,
    %broadcast_in_dim3A_134 = arith.constant 15 : i32
    %broadcast_in_dim3A_135 = vector.broadcast %broadcast_in_dim3A_134 : i32 to vector<16xi32>
    %gather3A_136 = tpu.vector_load_idx %arg10[%broadcast_in_dim3A_135] : memref<16xi32, #tpu.memory_space<vmem>>[vector<16xi32>], vector<16xi32>,
    %eq3A = arith.constant 0 : i32
    %eq3A_137 = vector.broadcast %eq3A : i32 to vector<16xi32>
    %eq3A_138 = arith.cmpi eq, %iota3A, %eq3A_137 : vector<16xi32>
    %eq3A_139 = arith.constant 1 : i32
    %eq3A_140 = vector.broadcast %eq3A_139 : i32 to vector<16xi32>
    %eq3A_141 = arith.cmpi eq, %iota3A, %eq3A_140 : vector<16xi32>
    %jit3A_142 = arith.constant 0 : i32
    %broadcast_in_dim3A_143 = vector.broadcast %jit3A_142 : i32 to vector<16xi32>
    %select_n3A_144 = arith.select %eq3A_141, %gather3A_136, %broadcast_in_dim3A_143 : vector<16xi1>, vector<16xi32>
    %select_n3A_145 = arith.select %eq3A_138, %gather3A_67, %select_n3A_144 : vector<16xi1>, vector<16xi32>
    %swap3A_146 = arith.constant 0 : index
    %swap3A_147 = tpu.vector_load %arg9[%swap3A_146] {strides = array<i32>} : memref<16xi32, #tpu.memory_space<vmem>>, vector<16xi32>,
    tpu.vector_store %arg9[%swap3A_146], %select_n3A_145 {strides = array<i32>} : memref<16xi32, #tpu.memory_space<vmem>>, vector<16xi32>,
    "tpu.region"() ({
      %run_scoped3A = tpu.sem_alloc : memref<!tpu.dma_semaphore, #tpu.memory_space<semaphore_mem>>
      %dma_start3A = arith.constant 0 : i32
      %dma_start3A_325 = tpu.memref_slice %arg16[%arg1, %dma_start3A] : memref<16x16xi32, #tpu.memory_space<vmem_shared>> -> memref<1x16xi32, #tpu.memory_space<vmem_shared>>
      %dma_start3A_326 = tpu.memref_squeeze %dma_start3A_325 : memref<1x16xi32, #tpu.memory_space<vmem_shared>> -> memref<16xi32, #tpu.memory_space<vmem_shared>>
      %dma_start3A_327 = arith.constant 0 : i32
      %dma_start3A_328 = tpu.memref_slice %arg16[%arg1, %dma_start3A_327] : memref<16x16xi32, #tpu.memory_space<vmem_shared>> -> memref<1x16xi32, #tpu.memory_space<vmem_shared>>
      %dma_start3A_329 = tpu.memref_squeeze %dma_start3A_328 : memref<1x16xi32, #tpu.memory_space<vmem_shared>> -> memref<16xi32, #tpu.memory_space<vmem_shared>>
      tpu.enqueue_dma source(%arg9 : memref<16xi32, #tpu.memory_space<vmem>>) target(%dma_start3A_329 : memref<16xi32, #tpu.memory_space<vmem_shared>>) target_semaphore(%run_scoped3A : memref<!tpu.dma_semaphore, #tpu.memory_space<semaphore_mem>>)
      %dma_wait3A = arith.constant 0 : i32
      %dma_wait3A_330 = tpu.memref_slice %arg16[%arg1, %dma_wait3A] : memref<16x16xi32, #tpu.memory_space<vmem_shared>> -> memref<1x16xi32, #tpu.memory_space<vmem_shared>>
      %dma_wait3A_331 = tpu.memref_squeeze %dma_wait3A_330 : memref<1x16xi32, #tpu.memory_space<vmem_shared>> -> memref<16xi32, #tpu.memory_space<vmem_shared>>
      %dma_wait3A_332 = arith.constant 0 : i32
      %dma_wait3A_333 = tpu.memref_slice %arg16[%arg1, %dma_wait3A_332] : memref<16x16xi32, #tpu.memory_space<vmem_shared>> -> memref<1x16xi32, #tpu.memory_space<vmem_shared>>
      %dma_wait3A_334 = tpu.memref_squeeze %dma_wait3A_333 : memref<1x16xi32, #tpu.memory_space<vmem_shared>> -> memref<16xi32, #tpu.memory_space<vmem_shared>>
      tpu.wait_dma2 semaphore(%run_scoped3A : memref<!tpu.dma_semaphore, #tpu.memory_space<semaphore_mem>>) src(%arg9 : memref<16xi32, #tpu.memory_space<vmem>>) dst(%dma_wait3A_334 : memref<16xi32, #tpu.memory_space<vmem_shared>>)
      tpu.yield
    }) : () -> ()
    %barrier3A = arith.constant 0 : index
    tpu.barrier barrier_id(%barrier3A)
    "tpu.region"() ({
      %run_scoped3A = tpu.sem_alloc : memref<!tpu.dma_semaphore, #tpu.memory_space<semaphore_mem>>
      tpu.enqueue_dma source(%arg16 : memref<16x16xi32, #tpu.memory_space<vmem_shared>>) target(%arg11 : memref<16x16xi32, #tpu.memory_space<vmem>>) target_semaphore(%run_scoped3A : memref<!tpu.dma_semaphore, #tpu.memory_space<semaphore_mem>>)
      tpu.wait_dma2 semaphore(%run_scoped3A : memref<!tpu.dma_semaphore, #tpu.memory_space<semaphore_mem>>) src(%arg16 : memref<16x16xi32, #tpu.memory_space<vmem_shared>>) dst(%arg11 : memref<16x16xi32, #tpu.memory_space<vmem>>)
      tpu.yield
    }) : () -> ()
    %gather3A_148 = tpu.vector_load_idx %arg11[%iota3A, %broadcast_in_dim3A_0] : memref<16x16xi32, #tpu.memory_space<vmem>>[vector<16xi32>, vector<16xi32>], vector<16xi32>,
    %broadcast_in_dim3A_149 = arith.constant 1 : i32
    %broadcast_in_dim3A_150 = vector.broadcast %broadcast_in_dim3A_149 : i32 to vector<16xi32>
    %gather3A_151 = tpu.vector_load_idx %arg11[%iota3A, %broadcast_in_dim3A_150] : memref<16x16xi32, #tpu.memory_space<vmem>>[vector<16xi32>, vector<16xi32>], vector<16xi32>,
    %lt3A = vector.broadcast %arg1 : i32 to vector<16xi32>
    %lt3A_152 = arith.cmpi slt, %iota3A, %lt3A : vector<16xi32>
    %jit3A_153 = arith.constant 0 : i32
    %broadcast_in_dim3A_154 = vector.broadcast %jit3A_153 : i32 to vector<16xi32>
    %select_n3A_155 = arith.select %lt3A_152, %gather3A_148, %broadcast_in_dim3A_154 : vector<16xi1>, vector<16xi32>
    %swap3A_156 = arith.constant 0 : index
    %swap3A_157 = tpu.vector_load %arg10[%swap3A_156] {strides = array<i32>} : memref<16xi32, #tpu.memory_space<vmem>>, vector<16xi32>,
    tpu.vector_store %arg10[%swap3A_156], %select_n3A_155 {strides = array<i32>} : memref<16xi32, #tpu.memory_space<vmem>>, vector<16xi32>,
    %sub3A_158 = arith.constant 1 : i32
    %sub3A_159 = vector.broadcast %sub3A_158 : i32 to vector<16xi32>
    %sub3A_160 = arith.subi %iota3A, %sub3A_159 : vector<16xi32>
    %max3A_161 = arith.constant 0 : i32
    %max3A_162 = vector.broadcast %max3A_161 : i32 to vector<16xi32>
    %max3A_163 = arith.maxsi %sub3A_160, %max3A_162 : vector<16xi32>
    %gather3A_164 = tpu.vector_load_idx %arg10[%max3A_163] : memref<16xi32, #tpu.memory_space<vmem>>[vector<16xi32>], vector<16xi32>,
    %ge3A_165 = arith.constant 1 : i32
    %ge3A_166 = vector.broadcast %ge3A_165 : i32 to vector<16xi32>
    %ge3A_167 = arith.cmpi sge, %iota3A, %ge3A_166 : vector<16xi32>
    %jit3A_168 = arith.constant 0 : i32
    %broadcast_in_dim3A_169 = vector.broadcast %jit3A_168 : i32 to vector<16xi32>
    %select_n3A_170 = arith.select %ge3A_167, %gather3A_164, %broadcast_in_dim3A_169 : vector<16xi1>, vector<16xi32>
    %add3A_171 = arith.addi %select_n3A_155, %select_n3A_170 : vector<16xi32>
    %swap3A_172 = arith.constant 0 : index
    %swap3A_173 = tpu.vector_load %arg10[%swap3A_172] {strides = array<i32>} : memref<16xi32, #tpu.memory_space<vmem>>, vector<16xi32>,
    tpu.vector_store %arg10[%swap3A_172], %add3A_171 {strides = array<i32>} : memref<16xi32, #tpu.memory_space<vmem>>, vector<16xi32>,
    %sub3A_174 = arith.constant 2 : i32
    %sub3A_175 = vector.broadcast %sub3A_174 : i32 to vector<16xi32>
    %sub3A_176 = arith.subi %iota3A, %sub3A_175 : vector<16xi32>
    %max3A_177 = arith.constant 0 : i32
    %max3A_178 = vector.broadcast %max3A_177 : i32 to vector<16xi32>
    %max3A_179 = arith.maxsi %sub3A_176, %max3A_178 : vector<16xi32>
    %gather3A_180 = tpu.vector_load_idx %arg10[%max3A_179] : memref<16xi32, #tpu.memory_space<vmem>>[vector<16xi32>], vector<16xi32>,
    %ge3A_181 = arith.constant 2 : i32
    %ge3A_182 = vector.broadcast %ge3A_181 : i32 to vector<16xi32>
    %ge3A_183 = arith.cmpi sge, %iota3A, %ge3A_182 : vector<16xi32>
    %jit3A_184 = arith.constant 0 : i32
    %broadcast_in_dim3A_185 = vector.broadcast %jit3A_184 : i32 to vector<16xi32>
    %select_n3A_186 = arith.select %ge3A_183, %gather3A_180, %broadcast_in_dim3A_185 : vector<16xi1>, vector<16xi32>
    %add3A_187 = arith.addi %add3A_171, %select_n3A_186 : vector<16xi32>
    %swap3A_188 = arith.constant 0 : index
    %swap3A_189 = tpu.vector_load %arg10[%swap3A_188] {strides = array<i32>} : memref<16xi32, #tpu.memory_space<vmem>>, vector<16xi32>,
    tpu.vector_store %arg10[%swap3A_188], %add3A_187 {strides = array<i32>} : memref<16xi32, #tpu.memory_space<vmem>>, vector<16xi32>,
    %sub3A_190 = arith.constant 4 : i32
    %sub3A_191 = vector.broadcast %sub3A_190 : i32 to vector<16xi32>
    %sub3A_192 = arith.subi %iota3A, %sub3A_191 : vector<16xi32>
    %max3A_193 = arith.constant 0 : i32
    %max3A_194 = vector.broadcast %max3A_193 : i32 to vector<16xi32>
    %max3A_195 = arith.maxsi %sub3A_192, %max3A_194 : vector<16xi32>
    %gather3A_196 = tpu.vector_load_idx %arg10[%max3A_195] : memref<16xi32, #tpu.memory_space<vmem>>[vector<16xi32>], vector<16xi32>,
    %ge3A_197 = arith.constant 4 : i32
    %ge3A_198 = vector.broadcast %ge3A_197 : i32 to vector<16xi32>
    %ge3A_199 = arith.cmpi sge, %iota3A, %ge3A_198 : vector<16xi32>
    %jit3A_200 = arith.constant 0 : i32
    %broadcast_in_dim3A_201 = vector.broadcast %jit3A_200 : i32 to vector<16xi32>
    %select_n3A_202 = arith.select %ge3A_199, %gather3A_196, %broadcast_in_dim3A_201 : vector<16xi1>, vector<16xi32>
    %add3A_203 = arith.addi %add3A_187, %select_n3A_202 : vector<16xi32>
    %swap3A_204 = arith.constant 0 : index
    %swap3A_205 = tpu.vector_load %arg10[%swap3A_204] {strides = array<i32>} : memref<16xi32, #tpu.memory_space<vmem>>, vector<16xi32>,
    tpu.vector_store %arg10[%swap3A_204], %add3A_203 {strides = array<i32>} : memref<16xi32, #tpu.memory_space<vmem>>, vector<16xi32>,
    %sub3A_206 = arith.constant 8 : i32
    %sub3A_207 = vector.broadcast %sub3A_206 : i32 to vector<16xi32>
    %sub3A_208 = arith.subi %iota3A, %sub3A_207 : vector<16xi32>
    %max3A_209 = arith.constant 0 : i32
    %max3A_210 = vector.broadcast %max3A_209 : i32 to vector<16xi32>
    %max3A_211 = arith.maxsi %sub3A_208, %max3A_210 : vector<16xi32>
    %gather3A_212 = tpu.vector_load_idx %arg10[%max3A_211] : memref<16xi32, #tpu.memory_space<vmem>>[vector<16xi32>], vector<16xi32>,
    %ge3A_213 = arith.constant 8 : i32
    %ge3A_214 = vector.broadcast %ge3A_213 : i32 to vector<16xi32>
    %ge3A_215 = arith.cmpi sge, %iota3A, %ge3A_214 : vector<16xi32>
    %jit3A_216 = arith.constant 0 : i32
    %broadcast_in_dim3A_217 = vector.broadcast %jit3A_216 : i32 to vector<16xi32>
    %select_n3A_218 = arith.select %ge3A_215, %gather3A_212, %broadcast_in_dim3A_217 : vector<16xi1>, vector<16xi32>
    %add3A_219 = arith.addi %add3A_203, %select_n3A_218 : vector<16xi32>
    %swap3A_220 = arith.constant 0 : index
    %swap3A_221 = tpu.vector_load %arg10[%swap3A_220] {strides = array<i32>} : memref<16xi32, #tpu.memory_space<vmem>>, vector<16xi32>,
    tpu.vector_store %arg10[%swap3A_220], %add3A_219 {strides = array<i32>} : memref<16xi32, #tpu.memory_space<vmem>>, vector<16xi32>,
    %broadcast_in_dim3A_222 = arith.constant 15 : i32
    %broadcast_in_dim3A_223 = vector.broadcast %broadcast_in_dim3A_222 : i32 to vector<16xi32>
    %gather3A_224 = tpu.vector_load_idx %arg10[%broadcast_in_dim3A_223] : memref<16xi32, #tpu.memory_space<vmem>>[vector<16xi32>], vector<16xi32>,
    %lt3A_225 = vector.broadcast %arg1 : i32 to vector<16xi32>
    %lt3A_226 = arith.cmpi slt, %iota3A, %lt3A_225 : vector<16xi32>
    %jit3A_227 = arith.constant 0 : i32
    %broadcast_in_dim3A_228 = vector.broadcast %jit3A_227 : i32 to vector<16xi32>
    %select_n3A_229 = arith.select %lt3A_226, %gather3A_151, %broadcast_in_dim3A_228 : vector<16xi1>, vector<16xi32>
    %swap3A_230 = arith.constant 0 : index
    %swap3A_231 = tpu.vector_load %arg10[%swap3A_230] {strides = array<i32>} : memref<16xi32, #tpu.memory_space<vmem>>, vector<16xi32>,
    tpu.vector_store %arg10[%swap3A_230], %select_n3A_229 {strides = array<i32>} : memref<16xi32, #tpu.memory_space<vmem>>, vector<16xi32>,
    %sub3A_232 = arith.constant 1 : i32
    %sub3A_233 = vector.broadcast %sub3A_232 : i32 to vector<16xi32>
    %sub3A_234 = arith.subi %iota3A, %sub3A_233 : vector<16xi32>
    %max3A_235 = arith.constant 0 : i32
    %max3A_236 = vector.broadcast %max3A_235 : i32 to vector<16xi32>
    %max3A_237 = arith.maxsi %sub3A_234, %max3A_236 : vector<16xi32>
    %gather3A_238 = tpu.vector_load_idx %arg10[%max3A_237] : memref<16xi32, #tpu.memory_space<vmem>>[vector<16xi32>], vector<16xi32>,
    %ge3A_239 = arith.constant 1 : i32
    %ge3A_240 = vector.broadcast %ge3A_239 : i32 to vector<16xi32>
    %ge3A_241 = arith.cmpi sge, %iota3A, %ge3A_240 : vector<16xi32>
    %jit3A_242 = arith.constant 0 : i32
    %broadcast_in_dim3A_243 = vector.broadcast %jit3A_242 : i32 to vector<16xi32>
    %select_n3A_244 = arith.select %ge3A_241, %gather3A_238, %broadcast_in_dim3A_243 : vector<16xi1>, vector<16xi32>
    %add3A_245 = arith.addi %select_n3A_229, %select_n3A_244 : vector<16xi32>
    %swap3A_246 = arith.constant 0 : index
    %swap3A_247 = tpu.vector_load %arg10[%swap3A_246] {strides = array<i32>} : memref<16xi32, #tpu.memory_space<vmem>>, vector<16xi32>,
    tpu.vector_store %arg10[%swap3A_246], %add3A_245 {strides = array<i32>} : memref<16xi32, #tpu.memory_space<vmem>>, vector<16xi32>,
    %sub3A_248 = arith.constant 2 : i32
    %sub3A_249 = vector.broadcast %sub3A_248 : i32 to vector<16xi32>
    %sub3A_250 = arith.subi %iota3A, %sub3A_249 : vector<16xi32>
    %max3A_251 = arith.constant 0 : i32
    %max3A_252 = vector.broadcast %max3A_251 : i32 to vector<16xi32>
    %max3A_253 = arith.maxsi %sub3A_250, %max3A_252 : vector<16xi32>
    %gather3A_254 = tpu.vector_load_idx %arg10[%max3A_253] : memref<16xi32, #tpu.memory_space<vmem>>[vector<16xi32>], vector<16xi32>,
    %ge3A_255 = arith.constant 2 : i32
    %ge3A_256 = vector.broadcast %ge3A_255 : i32 to vector<16xi32>
    %ge3A_257 = arith.cmpi sge, %iota3A, %ge3A_256 : vector<16xi32>
    %jit3A_258 = arith.constant 0 : i32
    %broadcast_in_dim3A_259 = vector.broadcast %jit3A_258 : i32 to vector<16xi32>
    %select_n3A_260 = arith.select %ge3A_257, %gather3A_254, %broadcast_in_dim3A_259 : vector<16xi1>, vector<16xi32>
    %add3A_261 = arith.addi %add3A_245, %select_n3A_260 : vector<16xi32>
    %swap3A_262 = arith.constant 0 : index
    %swap3A_263 = tpu.vector_load %arg10[%swap3A_262] {strides = array<i32>} : memref<16xi32, #tpu.memory_space<vmem>>, vector<16xi32>,
    tpu.vector_store %arg10[%swap3A_262], %add3A_261 {strides = array<i32>} : memref<16xi32, #tpu.memory_space<vmem>>, vector<16xi32>,
    %sub3A_264 = arith.constant 4 : i32
    %sub3A_265 = vector.broadcast %sub3A_264 : i32 to vector<16xi32>
    %sub3A_266 = arith.subi %iota3A, %sub3A_265 : vector<16xi32>
    %max3A_267 = arith.constant 0 : i32
    %max3A_268 = vector.broadcast %max3A_267 : i32 to vector<16xi32>
    %max3A_269 = arith.maxsi %sub3A_266, %max3A_268 : vector<16xi32>
    %gather3A_270 = tpu.vector_load_idx %arg10[%max3A_269] : memref<16xi32, #tpu.memory_space<vmem>>[vector<16xi32>], vector<16xi32>,
    %ge3A_271 = arith.constant 4 : i32
    %ge3A_272 = vector.broadcast %ge3A_271 : i32 to vector<16xi32>
    %ge3A_273 = arith.cmpi sge, %iota3A, %ge3A_272 : vector<16xi32>
    %jit3A_274 = arith.constant 0 : i32
    %broadcast_in_dim3A_275 = vector.broadcast %jit3A_274 : i32 to vector<16xi32>
    %select_n3A_276 = arith.select %ge3A_273, %gather3A_270, %broadcast_in_dim3A_275 : vector<16xi1>, vector<16xi32>
    %add3A_277 = arith.addi %add3A_261, %select_n3A_276 : vector<16xi32>
    %swap3A_278 = arith.constant 0 : index
    %swap3A_279 = tpu.vector_load %arg10[%swap3A_278] {strides = array<i32>} : memref<16xi32, #tpu.memory_space<vmem>>, vector<16xi32>,
    tpu.vector_store %arg10[%swap3A_278], %add3A_277 {strides = array<i32>} : memref<16xi32, #tpu.memory_space<vmem>>, vector<16xi32>,
    %sub3A_280 = arith.constant 8 : i32
    %sub3A_281 = vector.broadcast %sub3A_280 : i32 to vector<16xi32>
    %sub3A_282 = arith.subi %iota3A, %sub3A_281 : vector<16xi32>
    %max3A_283 = arith.constant 0 : i32
    %max3A_284 = vector.broadcast %max3A_283 : i32 to vector<16xi32>
    %max3A_285 = arith.maxsi %sub3A_282, %max3A_284 : vector<16xi32>
    %gather3A_286 = tpu.vector_load_idx %arg10[%max3A_285] : memref<16xi32, #tpu.memory_space<vmem>>[vector<16xi32>], vector<16xi32>,
    %ge3A_287 = arith.constant 8 : i32
    %ge3A_288 = vector.broadcast %ge3A_287 : i32 to vector<16xi32>
    %ge3A_289 = arith.cmpi sge, %iota3A, %ge3A_288 : vector<16xi32>
    %jit3A_290 = arith.constant 0 : i32
    %broadcast_in_dim3A_291 = vector.broadcast %jit3A_290 : i32 to vector<16xi32>
    %select_n3A_292 = arith.select %ge3A_289, %gather3A_286, %broadcast_in_dim3A_291 : vector<16xi1>, vector<16xi32>
    %add3A_293 = arith.addi %add3A_277, %select_n3A_292 : vector<16xi32>
    %swap3A_294 = arith.constant 0 : index
    %swap3A_295 = tpu.vector_load %arg10[%swap3A_294] {strides = array<i32>} : memref<16xi32, #tpu.memory_space<vmem>>, vector<16xi32>,
    tpu.vector_store %arg10[%swap3A_294], %add3A_293 {strides = array<i32>} : memref<16xi32, #tpu.memory_space<vmem>>, vector<16xi32>,
    %broadcast_in_dim3A_296 = arith.constant 15 : i32
    %broadcast_in_dim3A_297 = vector.broadcast %broadcast_in_dim3A_296 : i32 to vector<16xi32>
    %gather3A_298 = tpu.vector_load_idx %arg10[%broadcast_in_dim3A_297] : memref<16xi32, #tpu.memory_space<vmem>>[vector<16xi32>], vector<16xi32>,
    %swap3A_299 = arith.constant 0 : index
    %swap3A_300 = tpu.vector_load %arg8[%swap3A_299] {strides = array<i32>} : memref<128xi32, #tpu.memory_space<vmem>>, vector<16xi32>,
    tpu.vector_store %arg8[%swap3A_299], %broadcast_in_dim3A_0 {strides = array<i32>} : memref<128xi32, #tpu.memory_space<vmem>>, vector<16xi32>,
    %swap3A_301 = arith.constant 16 : index
    %swap3A_302 = tpu.vector_load %arg8[%swap3A_301] {strides = array<i32>} : memref<128xi32, #tpu.memory_space<vmem>>, vector<16xi32>,
    tpu.vector_store %arg8[%swap3A_301], %broadcast_in_dim3A_0 {strides = array<i32>} : memref<128xi32, #tpu.memory_space<vmem>>, vector<16xi32>,
    %swap3A_303 = arith.constant 32 : index
    %swap3A_304 = tpu.vector_load %arg8[%swap3A_303] {strides = array<i32>} : memref<128xi32, #tpu.memory_space<vmem>>, vector<16xi32>,
    tpu.vector_store %arg8[%swap3A_303], %broadcast_in_dim3A_0 {strides = array<i32>} : memref<128xi32, #tpu.memory_space<vmem>>, vector<16xi32>,
    %swap3A_305 = arith.constant 48 : index
    %swap3A_306 = tpu.vector_load %arg8[%swap3A_305] {strides = array<i32>} : memref<128xi32, #tpu.memory_space<vmem>>, vector<16xi32>,
    tpu.vector_store %arg8[%swap3A_305], %broadcast_in_dim3A_0 {strides = array<i32>} : memref<128xi32, #tpu.memory_space<vmem>>, vector<16xi32>,
    %swap3A_307 = arith.constant 64 : index
    %swap3A_308 = tpu.vector_load %arg8[%swap3A_307] {strides = array<i32>} : memref<128xi32, #tpu.memory_space<vmem>>, vector<16xi32>,
    tpu.vector_store %arg8[%swap3A_307], %broadcast_in_dim3A_0 {strides = array<i32>} : memref<128xi32, #tpu.memory_space<vmem>>, vector<16xi32>,
    %swap3A_309 = arith.constant 80 : index
    %swap3A_310 = tpu.vector_load %arg8[%swap3A_309] {strides = array<i32>} : memref<128xi32, #tpu.memory_space<vmem>>, vector<16xi32>,
    tpu.vector_store %arg8[%swap3A_309], %broadcast_in_dim3A_0 {strides = array<i32>} : memref<128xi32, #tpu.memory_space<vmem>>, vector<16xi32>,
    %swap3A_311 = arith.constant 96 : index
    %swap3A_312 = tpu.vector_load %arg8[%swap3A_311] {strides = array<i32>} : memref<128xi32, #tpu.memory_space<vmem>>, vector<16xi32>,
    tpu.vector_store %arg8[%swap3A_311], %broadcast_in_dim3A_0 {strides = array<i32>} : memref<128xi32, #tpu.memory_space<vmem>>, vector<16xi32>,
    %swap3A_313 = arith.constant 112 : index
    %swap3A_314 = tpu.vector_load %arg8[%swap3A_313] {strides = array<i32>} : memref<128xi32, #tpu.memory_space<vmem>>, vector<16xi32>,
    tpu.vector_store %arg8[%swap3A_313], %broadcast_in_dim3A_0 {strides = array<i32>} : memref<128xi32, #tpu.memory_space<vmem>>, vector<16xi32>,
    %scan3A_315 = arith.constant 0 : i32
    %scan3A_316 = arith.constant 80 : i32
    %scan3A_317 = arith.addi %scan3A_315, %scan3A_316 : i32
    %scan3A_318 = arith.constant 1 : i32
    %scan3A_319:2 = scf.for %scan3A_325 = %scan3A_315 to %scan3A_317 step %scan3A_318 iter_args(%scan3A_326 = %broadcast_in_dim3A_0, %scan3A_327 = %broadcast_in_dim3A_0) -> (vector<16xi32>, vector<16xi32>)  : i32 {
      %mul3A_328 = arith.constant 16 : i32
      %mul3A_329 = arith.muli %scan3A_325, %mul3A_328 : i32
      %get3A = arith.index_cast %mul3A_329 : i32 to index
      %get3A_330 = tpu.vector_load %arg7[%get3A] {strides = array<i32>} : memref<1280xf32, #tpu.memory_space<vmem>>, vector<16xf32>,
      %ge3A_331 = arith.constant 5.000000e-01 : f32
      %ge3A_332 = vector.broadcast %ge3A_331 : f32 to vector<16xf32>
      %ge3A_333 = arith.cmpf oge, %get3A_330, %ge3A_332 : vector<16xf32>
      %ge3A_334 = arith.constant 1.000000e-01 : f32
      %ge3A_335 = vector.broadcast %ge3A_334 : f32 to vector<16xf32>
      %ge3A_336 = arith.cmpf oge, %get3A_330, %ge3A_335 : vector<16xf32>
      %lt3A_337 = arith.constant 5.000000e-01 : f32
      %lt3A_338 = vector.broadcast %lt3A_337 : f32 to vector<16xf32>
      %lt3A_339 = arith.cmpf olt, %get3A_330, %lt3A_338 : vector<16xf32>
      %and3A = arith.andi %ge3A_336, %lt3A_339 : vector<16xi1>
      %jit3A_340 = arith.constant 1 : i32
      %jit3A_341 = arith.constant 0 : i32
      %broadcast_in_dim3A_342 = vector.broadcast %jit3A_340 : i32 to vector<16xi32>
      %broadcast_in_dim3A_343 = vector.broadcast %jit3A_341 : i32 to vector<16xi32>
      %select_n3A_344 = arith.select %ge3A_333, %broadcast_in_dim3A_342, %broadcast_in_dim3A_343 : vector<16xi1>, vector<16xi32>
      %swap3A_345 = arith.constant 0 : index
      %swap3A_346 = tpu.vector_load %arg10[%swap3A_345] {strides = array<i32>} : memref<16xi32, #tpu.memory_space<vmem>>, vector<16xi32>,
      tpu.vector_store %arg10[%swap3A_345], %select_n3A_344 {strides = array<i32>} : memref<16xi32, #tpu.memory_space<vmem>>, vector<16xi32>,
      %sub3A_347 = arith.constant 1 : i32
      %sub3A_348 = vector.broadcast %sub3A_347 : i32 to vector<16xi32>
      %sub3A_349 = arith.subi %iota3A, %sub3A_348 : vector<16xi32>
      %max3A_350 = arith.constant 0 : i32
      %max3A_351 = vector.broadcast %max3A_350 : i32 to vector<16xi32>
      %max3A_352 = arith.maxsi %sub3A_349, %max3A_351 : vector<16xi32>
      %gather3A_353 = tpu.vector_load_idx %arg10[%max3A_352] : memref<16xi32, #tpu.memory_space<vmem>>[vector<16xi32>], vector<16xi32>,
      %ge3A_354 = arith.constant 1 : i32
      %ge3A_355 = vector.broadcast %ge3A_354 : i32 to vector<16xi32>
      %ge3A_356 = arith.cmpi sge, %iota3A, %ge3A_355 : vector<16xi32>
      %jit3A_357 = arith.constant 0 : i32
      %broadcast_in_dim3A_358 = vector.broadcast %jit3A_357 : i32 to vector<16xi32>
      %select_n3A_359 = arith.select %ge3A_356, %gather3A_353, %broadcast_in_dim3A_358 : vector<16xi1>, vector<16xi32>
      %add3A_360 = arith.addi %select_n3A_344, %select_n3A_359 : vector<16xi32>
      %swap3A_361 = arith.constant 0 : index
      %swap3A_362 = tpu.vector_load %arg10[%swap3A_361] {strides = array<i32>} : memref<16xi32, #tpu.memory_space<vmem>>, vector<16xi32>,
      tpu.vector_store %arg10[%swap3A_361], %add3A_360 {strides = array<i32>} : memref<16xi32, #tpu.memory_space<vmem>>, vector<16xi32>,
      %sub3A_363 = arith.constant 2 : i32
      %sub3A_364 = vector.broadcast %sub3A_363 : i32 to vector<16xi32>
      %sub3A_365 = arith.subi %iota3A, %sub3A_364 : vector<16xi32>
      %max3A_366 = arith.constant 0 : i32
      %max3A_367 = vector.broadcast %max3A_366 : i32 to vector<16xi32>
      %max3A_368 = arith.maxsi %sub3A_365, %max3A_367 : vector<16xi32>
      %gather3A_369 = tpu.vector_load_idx %arg10[%max3A_368] : memref<16xi32, #tpu.memory_space<vmem>>[vector<16xi32>], vector<16xi32>,
      %ge3A_370 = arith.constant 2 : i32
      %ge3A_371 = vector.broadcast %ge3A_370 : i32 to vector<16xi32>
      %ge3A_372 = arith.cmpi sge, %iota3A, %ge3A_371 : vector<16xi32>
      %jit3A_373 = arith.constant 0 : i32
      %broadcast_in_dim3A_374 = vector.broadcast %jit3A_373 : i32 to vector<16xi32>
      %select_n3A_375 = arith.select %ge3A_372, %gather3A_369, %broadcast_in_dim3A_374 : vector<16xi1>, vector<16xi32>
      %add3A_376 = arith.addi %add3A_360, %select_n3A_375 : vector<16xi32>
      %swap3A_377 = arith.constant 0 : index
      %swap3A_378 = tpu.vector_load %arg10[%swap3A_377] {strides = array<i32>} : memref<16xi32, #tpu.memory_space<vmem>>, vector<16xi32>,
      tpu.vector_store %arg10[%swap3A_377], %add3A_376 {strides = array<i32>} : memref<16xi32, #tpu.memory_space<vmem>>, vector<16xi32>,
      %sub3A_379 = arith.constant 4 : i32
      %sub3A_380 = vector.broadcast %sub3A_379 : i32 to vector<16xi32>
      %sub3A_381 = arith.subi %iota3A, %sub3A_380 : vector<16xi32>
      %max3A_382 = arith.constant 0 : i32
      %max3A_383 = vector.broadcast %max3A_382 : i32 to vector<16xi32>
      %max3A_384 = arith.maxsi %sub3A_381, %max3A_383 : vector<16xi32>
      %gather3A_385 = tpu.vector_load_idx %arg10[%max3A_384] : memref<16xi32, #tpu.memory_space<vmem>>[vector<16xi32>], vector<16xi32>,
      %ge3A_386 = arith.constant 4 : i32
      %ge3A_387 = vector.broadcast %ge3A_386 : i32 to vector<16xi32>
      %ge3A_388 = arith.cmpi sge, %iota3A, %ge3A_387 : vector<16xi32>
      %jit3A_389 = arith.constant 0 : i32
      %broadcast_in_dim3A_390 = vector.broadcast %jit3A_389 : i32 to vector<16xi32>
      %select_n3A_391 = arith.select %ge3A_388, %gather3A_385, %broadcast_in_dim3A_390 : vector<16xi1>, vector<16xi32>
      %add3A_392 = arith.addi %add3A_376, %select_n3A_391 : vector<16xi32>
      %swap3A_393 = arith.constant 0 : index
      %swap3A_394 = tpu.vector_load %arg10[%swap3A_393] {strides = array<i32>} : memref<16xi32, #tpu.memory_space<vmem>>, vector<16xi32>,
      tpu.vector_store %arg10[%swap3A_393], %add3A_392 {strides = array<i32>} : memref<16xi32, #tpu.memory_space<vmem>>, vector<16xi32>,
      %sub3A_395 = arith.constant 8 : i32
      %sub3A_396 = vector.broadcast %sub3A_395 : i32 to vector<16xi32>
      %sub3A_397 = arith.subi %iota3A, %sub3A_396 : vector<16xi32>
      %max3A_398 = arith.constant 0 : i32
      %max3A_399 = vector.broadcast %max3A_398 : i32 to vector<16xi32>
      %max3A_400 = arith.maxsi %sub3A_397, %max3A_399 : vector<16xi32>
      %gather3A_401 = tpu.vector_load_idx %arg10[%max3A_400] : memref<16xi32, #tpu.memory_space<vmem>>[vector<16xi32>], vector<16xi32>,
      %ge3A_402 = arith.constant 8 : i32
      %ge3A_403 = vector.broadcast %ge3A_402 : i32 to vector<16xi32>
      %ge3A_404 = arith.cmpi sge, %iota3A, %ge3A_403 : vector<16xi32>
      %jit3A_405 = arith.constant 0 : i32
      %broadcast_in_dim3A_406 = vector.broadcast %jit3A_405 : i32 to vector<16xi32>
      %select_n3A_407 = arith.select %ge3A_404, %gather3A_401, %broadcast_in_dim3A_406 : vector<16xi1>, vector<16xi32>
      %add3A_408 = arith.addi %add3A_392, %select_n3A_407 : vector<16xi32>
      %jit3A_409 = arith.constant 1 : i32
      %jit3A_410 = arith.constant 0 : i32
      %broadcast_in_dim3A_411 = vector.broadcast %jit3A_409 : i32 to vector<16xi32>
      %broadcast_in_dim3A_412 = vector.broadcast %jit3A_410 : i32 to vector<16xi32>
      %select_n3A_413 = arith.select %and3A, %broadcast_in_dim3A_411, %broadcast_in_dim3A_412 : vector<16xi1>, vector<16xi32>
      %swap3A_414 = arith.constant 0 : index
      %swap3A_415 = tpu.vector_load %arg10[%swap3A_414] {strides = array<i32>} : memref<16xi32, #tpu.memory_space<vmem>>, vector<16xi32>,
      tpu.vector_store %arg10[%swap3A_414], %select_n3A_413 {strides = array<i32>} : memref<16xi32, #tpu.memory_space<vmem>>, vector<16xi32>,
      %sub3A_416 = arith.constant 1 : i32
      %sub3A_417 = vector.broadcast %sub3A_416 : i32 to vector<16xi32>
      %sub3A_418 = arith.subi %iota3A, %sub3A_417 : vector<16xi32>
      %max3A_419 = arith.constant 0 : i32
      %max3A_420 = vector.broadcast %max3A_419 : i32 to vector<16xi32>
      %max3A_421 = arith.maxsi %sub3A_418, %max3A_420 : vector<16xi32>
      %gather3A_422 = tpu.vector_load_idx %arg10[%max3A_421] : memref<16xi32, #tpu.memory_space<vmem>>[vector<16xi32>], vector<16xi32>,
      %ge3A_423 = arith.constant 1 : i32
      %ge3A_424 = vector.broadcast %ge3A_423 : i32 to vector<16xi32>
      %ge3A_425 = arith.cmpi sge, %iota3A, %ge3A_424 : vector<16xi32>
      %jit3A_426 = arith.constant 0 : i32
      %broadcast_in_dim3A_427 = vector.broadcast %jit3A_426 : i32 to vector<16xi32>
      %select_n3A_428 = arith.select %ge3A_425, %gather3A_422, %broadcast_in_dim3A_427 : vector<16xi1>, vector<16xi32>
      %add3A_429 = arith.addi %select_n3A_413, %select_n3A_428 : vector<16xi32>
      %swap3A_430 = arith.constant 0 : index
      %swap3A_431 = tpu.vector_load %arg10[%swap3A_430] {strides = array<i32>} : memref<16xi32, #tpu.memory_space<vmem>>, vector<16xi32>,
      tpu.vector_store %arg10[%swap3A_430], %add3A_429 {strides = array<i32>} : memref<16xi32, #tpu.memory_space<vmem>>, vector<16xi32>,
      %sub3A_432 = arith.constant 2 : i32
      %sub3A_433 = vector.broadcast %sub3A_432 : i32 to vector<16xi32>
      %sub3A_434 = arith.subi %iota3A, %sub3A_433 : vector<16xi32>
      %max3A_435 = arith.constant 0 : i32
      %max3A_436 = vector.broadcast %max3A_435 : i32 to vector<16xi32>
      %max3A_437 = arith.maxsi %sub3A_434, %max3A_436 : vector<16xi32>
      %gather3A_438 = tpu.vector_load_idx %arg10[%max3A_437] : memref<16xi32, #tpu.memory_space<vmem>>[vector<16xi32>], vector<16xi32>,
      %ge3A_439 = arith.constant 2 : i32
      %ge3A_440 = vector.broadcast %ge3A_439 : i32 to vector<16xi32>
      %ge3A_441 = arith.cmpi sge, %iota3A, %ge3A_440 : vector<16xi32>
      %jit3A_442 = arith.constant 0 : i32
      %broadcast_in_dim3A_443 = vector.broadcast %jit3A_442 : i32 to vector<16xi32>
      %select_n3A_444 = arith.select %ge3A_441, %gather3A_438, %broadcast_in_dim3A_443 : vector<16xi1>, vector<16xi32>
      %add3A_445 = arith.addi %add3A_429, %select_n3A_444 : vector<16xi32>
      %swap3A_446 = arith.constant 0 : index
      %swap3A_447 = tpu.vector_load %arg10[%swap3A_446] {strides = array<i32>} : memref<16xi32, #tpu.memory_space<vmem>>, vector<16xi32>,
      tpu.vector_store %arg10[%swap3A_446], %add3A_445 {strides = array<i32>} : memref<16xi32, #tpu.memory_space<vmem>>, vector<16xi32>,
      %sub3A_448 = arith.constant 4 : i32
      %sub3A_449 = vector.broadcast %sub3A_448 : i32 to vector<16xi32>
      %sub3A_450 = arith.subi %iota3A, %sub3A_449 : vector<16xi32>
      %max3A_451 = arith.constant 0 : i32
      %max3A_452 = vector.broadcast %max3A_451 : i32 to vector<16xi32>
      %max3A_453 = arith.maxsi %sub3A_450, %max3A_452 : vector<16xi32>
      %gather3A_454 = tpu.vector_load_idx %arg10[%max3A_453] : memref<16xi32, #tpu.memory_space<vmem>>[vector<16xi32>], vector<16xi32>,
      %ge3A_455 = arith.constant 4 : i32
      %ge3A_456 = vector.broadcast %ge3A_455 : i32 to vector<16xi32>
      %ge3A_457 = arith.cmpi sge, %iota3A, %ge3A_456 : vector<16xi32>
      %jit3A_458 = arith.constant 0 : i32
      %broadcast_in_dim3A_459 = vector.broadcast %jit3A_458 : i32 to vector<16xi32>
      %select_n3A_460 = arith.select %ge3A_457, %gather3A_454, %broadcast_in_dim3A_459 : vector<16xi1>, vector<16xi32>
      %add3A_461 = arith.addi %add3A_445, %select_n3A_460 : vector<16xi32>
      %swap3A_462 = arith.constant 0 : index
      %swap3A_463 = tpu.vector_load %arg10[%swap3A_462] {strides = array<i32>} : memref<16xi32, #tpu.memory_space<vmem>>, vector<16xi32>,
      tpu.vector_store %arg10[%swap3A_462], %add3A_461 {strides = array<i32>} : memref<16xi32, #tpu.memory_space<vmem>>, vector<16xi32>,
      %sub3A_464 = arith.constant 8 : i32
      %sub3A_465 = vector.broadcast %sub3A_464 : i32 to vector<16xi32>
      %sub3A_466 = arith.subi %iota3A, %sub3A_465 : vector<16xi32>
      %max3A_467 = arith.constant 0 : i32
      %max3A_468 = vector.broadcast %max3A_467 : i32 to vector<16xi32>
      %max3A_469 = arith.maxsi %sub3A_466, %max3A_468 : vector<16xi32>
      %gather3A_470 = tpu.vector_load_idx %arg10[%max3A_469] : memref<16xi32, #tpu.memory_space<vmem>>[vector<16xi32>], vector<16xi32>,
      %ge3A_471 = arith.constant 8 : i32
      %ge3A_472 = vector.broadcast %ge3A_471 : i32 to vector<16xi32>
      %ge3A_473 = arith.cmpi sge, %iota3A, %ge3A_472 : vector<16xi32>
      %jit3A_474 = arith.constant 0 : i32
      %broadcast_in_dim3A_475 = vector.broadcast %jit3A_474 : i32 to vector<16xi32>
      %select_n3A_476 = arith.select %ge3A_473, %gather3A_470, %broadcast_in_dim3A_475 : vector<16xi1>, vector<16xi32>
      %add3A_477 = arith.addi %add3A_461, %select_n3A_476 : vector<16xi32>
      %add3A_478 = arith.addi %gather3A_224, %scan3A_326 : vector<16xi32>
      %add3A_479 = arith.addi %add3A_478, %add3A_408 : vector<16xi32>
      %sub3A_480 = arith.constant 1 : i32
      %sub3A_481 = vector.broadcast %sub3A_480 : i32 to vector<16xi32>
      %sub3A_482 = arith.subi %add3A_479, %sub3A_481 : vector<16xi32>
      %add3A_483 = arith.addi %gather3A_298, %scan3A_327 : vector<16xi32>
      %add3A_484 = arith.addi %add3A_483, %add3A_477 : vector<16xi32>
      %sub3A_485 = arith.constant 1 : i32
      %sub3A_486 = vector.broadcast %sub3A_485 : i32 to vector<16xi32>
      %sub3A_487 = arith.subi %add3A_484, %sub3A_486 : vector<16xi32>
      %lt3A_488 = arith.constant 32 : i32
      %lt3A_489 = vector.broadcast %lt3A_488 : i32 to vector<16xi32>
      %lt3A_490 = arith.cmpi slt, %sub3A_482, %lt3A_489 : vector<16xi32>
      %and3A_491 = arith.andi %ge3A_333, %lt3A_490 : vector<16xi1>
      %lt3A_492 = arith.constant 96 : i32
      %lt3A_493 = vector.broadcast %lt3A_492 : i32 to vector<16xi32>
      %lt3A_494 = arith.cmpi slt, %sub3A_487, %lt3A_493 : vector<16xi32>
      %and3A_495 = arith.andi %and3A, %lt3A_494 : vector<16xi1>
      %add3A_496 = arith.constant 32 : i32
      %add3A_497 = vector.broadcast %add3A_496 : i32 to vector<16xi32>
      %add3A_498 = arith.addi %sub3A_487, %add3A_497 : vector<16xi32>
      %jit3A_499 = arith.constant 0 : i32
      %broadcast_in_dim3A_500 = vector.broadcast %jit3A_499 : i32 to vector<16xi32>
      %select_n3A_501 = arith.select %and3A_495, %add3A_498, %broadcast_in_dim3A_500 : vector<16xi1>, vector<16xi32>
      %select_n3A_502 = arith.select %and3A_491, %sub3A_482, %select_n3A_501 : vector<16xi1>, vector<16xi32>
      %or3A = arith.ori %and3A_491, %and3A_495 : vector<16xi1>
      %mul3A_503 = arith.constant 1280 : i32
      %mul3A_504 = arith.muli %arg1, %mul3A_503 : i32
      %mul3A_505 = arith.constant 16 : i32
      %mul3A_506 = arith.muli %scan3A_325, %mul3A_505 : i32
      %add3A_507 = arith.addi %mul3A_504, %mul3A_506 : i32
      %add3A_508 = vector.broadcast %add3A_507 : i32 to vector<16xi32>
      %add3A_509 = arith.addi %add3A_508, %iota3A : vector<16xi32>
      tpu.vector_store_idx %arg8[%select_n3A_502], %add3A_509 masked %or3A : memref<128xi32, #tpu.memory_space<vmem>>[vector<16xi32>], vector<16xi32>, vector<16xi1>
      %swap3A_510 = arith.constant 0 : index
      %swap3A_511 = tpu.vector_load %arg10[%swap3A_510] {strides = array<i32>} : memref<16xi32, #tpu.memory_space<vmem>>, vector<16xi32>,
      tpu.vector_store %arg10[%swap3A_510], %add3A_408 {strides = array<i32>} : memref<16xi32, #tpu.memory_space<vmem>>, vector<16xi32>,
      %broadcast_in_dim3A_512 = arith.constant 15 : i32
      %broadcast_in_dim3A_513 = vector.broadcast %broadcast_in_dim3A_512 : i32 to vector<16xi32>
      %gather3A_514 = tpu.vector_load_idx %arg10[%broadcast_in_dim3A_513] : memref<16xi32, #tpu.memory_space<vmem>>[vector<16xi32>], vector<16xi32>,
      %swap3A_515 = arith.constant 0 : index
      %swap3A_516 = tpu.vector_load %arg10[%swap3A_515] {strides = array<i32>} : memref<16xi32, #tpu.memory_space<vmem>>, vector<16xi32>,
      tpu.vector_store %arg10[%swap3A_515], %add3A_477 {strides = array<i32>} : memref<16xi32, #tpu.memory_space<vmem>>, vector<16xi32>,
      %broadcast_in_dim3A_517 = arith.constant 15 : i32
      %broadcast_in_dim3A_518 = vector.broadcast %broadcast_in_dim3A_517 : i32 to vector<16xi32>
      %gather3A_519 = tpu.vector_load_idx %arg10[%broadcast_in_dim3A_518] : memref<16xi32, #tpu.memory_space<vmem>>[vector<16xi32>], vector<16xi32>,
      %add3A_520 = arith.addi %scan3A_326, %gather3A_514 : vector<16xi32>
      %add3A_521 = arith.addi %scan3A_327, %gather3A_519 : vector<16xi32>
      scf.yield %add3A_520, %add3A_521 : vector<16xi32>, vector<16xi32>
    }
    %scan3A_320 = arith.constant 80 : i32
    "tpu.region"() ({
      %run_scoped3A = tpu.sem_alloc : memref<!tpu.dma_semaphore, #tpu.memory_space<semaphore_mem>>
      %dma_start3A = arith.constant 0 : i32
      %dma_start3A_325 = tpu.memref_slice %arg17[%arg1, %dma_start3A] : memref<16x128xi32, #tpu.memory_space<vmem_shared>> -> memref<1x128xi32, #tpu.memory_space<vmem_shared>>
      %dma_start3A_326 = tpu.memref_squeeze %dma_start3A_325 : memref<1x128xi32, #tpu.memory_space<vmem_shared>> -> memref<128xi32, #tpu.memory_space<vmem_shared>>
      %dma_start3A_327 = arith.constant 0 : i32
      %dma_start3A_328 = tpu.memref_slice %arg17[%arg1, %dma_start3A_327] : memref<16x128xi32, #tpu.memory_space<vmem_shared>> -> memref<1x128xi32, #tpu.memory_space<vmem_shared>>
      %dma_start3A_329 = tpu.memref_squeeze %dma_start3A_328 : memref<1x128xi32, #tpu.memory_space<vmem_shared>> -> memref<128xi32, #tpu.memory_space<vmem_shared>>
      tpu.enqueue_dma source(%arg8 : memref<128xi32, #tpu.memory_space<vmem>>) target(%dma_start3A_329 : memref<128xi32, #tpu.memory_space<vmem_shared>>) target_semaphore(%run_scoped3A : memref<!tpu.dma_semaphore, #tpu.memory_space<semaphore_mem>>)
      %dma_wait3A = arith.constant 0 : i32
      %dma_wait3A_330 = tpu.memref_slice %arg17[%arg1, %dma_wait3A] : memref<16x128xi32, #tpu.memory_space<vmem_shared>> -> memref<1x128xi32, #tpu.memory_space<vmem_shared>>
      %dma_wait3A_331 = tpu.memref_squeeze %dma_wait3A_330 : memref<1x128xi32, #tpu.memory_space<vmem_shared>> -> memref<128xi32, #tpu.memory_space<vmem_shared>>
      %dma_wait3A_332 = arith.constant 0 : i32
      %dma_wait3A_333 = tpu.memref_slice %arg17[%arg1, %dma_wait3A_332] : memref<16x128xi32, #tpu.memory_space<vmem_shared>> -> memref<1x128xi32, #tpu.memory_space<vmem_shared>>
      %dma_wait3A_334 = tpu.memref_squeeze %dma_wait3A_333 : memref<1x128xi32, #tpu.memory_space<vmem_shared>> -> memref<128xi32, #tpu.memory_space<vmem_shared>>
      tpu.wait_dma2 semaphore(%run_scoped3A : memref<!tpu.dma_semaphore, #tpu.memory_space<semaphore_mem>>) src(%arg8 : memref<128xi32, #tpu.memory_space<vmem>>) dst(%dma_wait3A_334 : memref<128xi32, #tpu.memory_space<vmem_shared>>)
      tpu.yield
    }) : () -> ()
    %barrier3A_321 = arith.constant 0 : index
    tpu.barrier barrier_id(%barrier3A_321)
    %eq3A_322 = arith.constant 0 : i32
    %eq3A_323 = arith.cmpi eq, %arg1, %eq3A_322 : i32
    %convert_element_type3A = arith.extui %eq3A_323 : i1 to i32
    %cond3A = arith.constant 0 : i32
    %cond3A_324 = arith.cmpi ne, %convert_element_type3A, %cond3A : i32
    scf.if %cond3A_324 {
      "tpu.region"() ({
        %run_scoped3A = tpu.sem_alloc : memref<!tpu.dma_semaphore, #tpu.memory_space<semaphore_mem>>
        tpu.enqueue_dma source(%arg17 : memref<16x128xi32, #tpu.memory_space<vmem_shared>>) target(%arg12 : memref<16x128xi32, #tpu.memory_space<vmem>>) target_semaphore(%run_scoped3A : memref<!tpu.dma_semaphore, #tpu.memory_space<semaphore_mem>>)
        tpu.wait_dma2 semaphore(%run_scoped3A : memref<!tpu.dma_semaphore, #tpu.memory_space<semaphore_mem>>) src(%arg17 : memref<16x128xi32, #tpu.memory_space<vmem_shared>>) dst(%arg12 : memref<16x128xi32, #tpu.memory_space<vmem>>)
        tpu.yield
      }) : () -> ()
      %get3A = arith.constant 0 : i32
      %get3A_325 = arith.index_cast %get3A : i32 to index
      %get3A_326 = arith.constant 0 : index
      %get3A_327 = tpu.vector_load %arg12[%get3A_325, %get3A_326] {strides = array<i32>} : memref<16x128xi32, #tpu.memory_space<vmem>>, vector<16xi32>,
      %add3A_328 = arith.addi %broadcast_in_dim3A_0, %get3A_327 : vector<16xi32>
      %get3A_329 = arith.constant 1 : i32
      %get3A_330 = arith.index_cast %get3A_329 : i32 to index
      %get3A_331 = arith.constant 0 : index
      %get3A_332 = tpu.vector_load %arg12[%get3A_330, %get3A_331] {strides = array<i32>} : memref<16x128xi32, #tpu.memory_space<vmem>>, vector<16xi32>,
      %add3A_333 = arith.addi %add3A_328, %get3A_332 : vector<16xi32>
      %get3A_334 = arith.constant 2 : i32
      %get3A_335 = arith.index_cast %get3A_334 : i32 to index
      %get3A_336 = arith.constant 0 : index
      %get3A_337 = tpu.vector_load %arg12[%get3A_335, %get3A_336] {strides = array<i32>} : memref<16x128xi32, #tpu.memory_space<vmem>>, vector<16xi32>,
      %add3A_338 = arith.addi %add3A_333, %get3A_337 : vector<16xi32>
      %get3A_339 = arith.constant 3 : i32
      %get3A_340 = arith.index_cast %get3A_339 : i32 to index
      %get3A_341 = arith.constant 0 : index
      %get3A_342 = tpu.vector_load %arg12[%get3A_340, %get3A_341] {strides = array<i32>} : memref<16x128xi32, #tpu.memory_space<vmem>>, vector<16xi32>,
      %add3A_343 = arith.addi %add3A_338, %get3A_342 : vector<16xi32>
      %get3A_344 = arith.constant 4 : i32
      %get3A_345 = arith.index_cast %get3A_344 : i32 to index
      %get3A_346 = arith.constant 0 : index
      %get3A_347 = tpu.vector_load %arg12[%get3A_345, %get3A_346] {strides = array<i32>} : memref<16x128xi32, #tpu.memory_space<vmem>>, vector<16xi32>,
      %add3A_348 = arith.addi %add3A_343, %get3A_347 : vector<16xi32>
      %get3A_349 = arith.constant 5 : i32
      %get3A_350 = arith.index_cast %get3A_349 : i32 to index
      %get3A_351 = arith.constant 0 : index
      %get3A_352 = tpu.vector_load %arg12[%get3A_350, %get3A_351] {strides = array<i32>} : memref<16x128xi32, #tpu.memory_space<vmem>>, vector<16xi32>,
      %add3A_353 = arith.addi %add3A_348, %get3A_352 : vector<16xi32>
      %get3A_354 = arith.constant 6 : i32
      %get3A_355 = arith.index_cast %get3A_354 : i32 to index
      %get3A_356 = arith.constant 0 : index
      %get3A_357 = tpu.vector_load %arg12[%get3A_355, %get3A_356] {strides = array<i32>} : memref<16x128xi32, #tpu.memory_space<vmem>>, vector<16xi32>,
      %add3A_358 = arith.addi %add3A_353, %get3A_357 : vector<16xi32>
      %get3A_359 = arith.constant 7 : i32
      %get3A_360 = arith.index_cast %get3A_359 : i32 to index
      %get3A_361 = arith.constant 0 : index
      %get3A_362 = tpu.vector_load %arg12[%get3A_360, %get3A_361] {strides = array<i32>} : memref<16x128xi32, #tpu.memory_space<vmem>>, vector<16xi32>,
      %add3A_363 = arith.addi %add3A_358, %get3A_362 : vector<16xi32>
      %get3A_364 = arith.constant 8 : i32
      %get3A_365 = arith.index_cast %get3A_364 : i32 to index
      %get3A_366 = arith.constant 0 : index
      %get3A_367 = tpu.vector_load %arg12[%get3A_365, %get3A_366] {strides = array<i32>} : memref<16x128xi32, #tpu.memory_space<vmem>>, vector<16xi32>,
      %add3A_368 = arith.addi %add3A_363, %get3A_367 : vector<16xi32>
      %get3A_369 = arith.constant 9 : i32
      %get3A_370 = arith.index_cast %get3A_369 : i32 to index
      %get3A_371 = arith.constant 0 : index
      %get3A_372 = tpu.vector_load %arg12[%get3A_370, %get3A_371] {strides = array<i32>} : memref<16x128xi32, #tpu.memory_space<vmem>>, vector<16xi32>,
      %add3A_373 = arith.addi %add3A_368, %get3A_372 : vector<16xi32>
      %get3A_374 = arith.constant 10 : i32
      %get3A_375 = arith.index_cast %get3A_374 : i32 to index
      %get3A_376 = arith.constant 0 : index
      %get3A_377 = tpu.vector_load %arg12[%get3A_375, %get3A_376] {strides = array<i32>} : memref<16x128xi32, #tpu.memory_space<vmem>>, vector<16xi32>,
      %add3A_378 = arith.addi %add3A_373, %get3A_377 : vector<16xi32>
      %get3A_379 = arith.constant 11 : i32
      %get3A_380 = arith.index_cast %get3A_379 : i32 to index
      %get3A_381 = arith.constant 0 : index
      %get3A_382 = tpu.vector_load %arg12[%get3A_380, %get3A_381] {strides = array<i32>} : memref<16x128xi32, #tpu.memory_space<vmem>>, vector<16xi32>,
      %add3A_383 = arith.addi %add3A_378, %get3A_382 : vector<16xi32>
      %get3A_384 = arith.constant 12 : i32
      %get3A_385 = arith.index_cast %get3A_384 : i32 to index
      %get3A_386 = arith.constant 0 : index
      %get3A_387 = tpu.vector_load %arg12[%get3A_385, %get3A_386] {strides = array<i32>} : memref<16x128xi32, #tpu.memory_space<vmem>>, vector<16xi32>,
      %add3A_388 = arith.addi %add3A_383, %get3A_387 : vector<16xi32>
      %get3A_389 = arith.constant 13 : i32
      %get3A_390 = arith.index_cast %get3A_389 : i32 to index
      %get3A_391 = arith.constant 0 : index
      %get3A_392 = tpu.vector_load %arg12[%get3A_390, %get3A_391] {strides = array<i32>} : memref<16x128xi32, #tpu.memory_space<vmem>>, vector<16xi32>,
      %add3A_393 = arith.addi %add3A_388, %get3A_392 : vector<16xi32>
      %get3A_394 = arith.constant 14 : i32
      %get3A_395 = arith.index_cast %get3A_394 : i32 to index
      %get3A_396 = arith.constant 0 : index
      %get3A_397 = tpu.vector_load %arg12[%get3A_395, %get3A_396] {strides = array<i32>} : memref<16x128xi32, #tpu.memory_space<vmem>>, vector<16xi32>,
      %add3A_398 = arith.addi %add3A_393, %get3A_397 : vector<16xi32>
      %get3A_399 = arith.constant 15 : i32
      %get3A_400 = arith.index_cast %get3A_399 : i32 to index
      %get3A_401 = arith.constant 0 : index
      %get3A_402 = tpu.vector_load %arg12[%get3A_400, %get3A_401] {strides = array<i32>} : memref<16x128xi32, #tpu.memory_space<vmem>>, vector<16xi32>,
      %add3A_403 = arith.addi %add3A_398, %get3A_402 : vector<16xi32>
      %swap3A_404 = arith.constant 0 : index
      %swap3A_405 = tpu.vector_load %arg8[%swap3A_404] {strides = array<i32>} : memref<128xi32, #tpu.memory_space<vmem>>, vector<16xi32>,
      tpu.vector_store %arg8[%swap3A_404], %add3A_403 {strides = array<i32>} : memref<128xi32, #tpu.memory_space<vmem>>, vector<16xi32>,
      %get3A_406 = arith.constant 0 : i32
      %get3A_407 = arith.index_cast %get3A_406 : i32 to index
      %get3A_408 = arith.constant 16 : index
      %get3A_409 = tpu.vector_load %arg12[%get3A_407, %get3A_408] {strides = array<i32>} : memref<16x128xi32, #tpu.memory_space<vmem>>, vector<16xi32>,
      %add3A_410 = arith.addi %broadcast_in_dim3A_0, %get3A_409 : vector<16xi32>
      %get3A_411 = arith.constant 1 : i32
      %get3A_412 = arith.index_cast %get3A_411 : i32 to index
      %get3A_413 = arith.constant 16 : index
      %get3A_414 = tpu.vector_load %arg12[%get3A_412, %get3A_413] {strides = array<i32>} : memref<16x128xi32, #tpu.memory_space<vmem>>, vector<16xi32>,
      %add3A_415 = arith.addi %add3A_410, %get3A_414 : vector<16xi32>
      %get3A_416 = arith.constant 2 : i32
      %get3A_417 = arith.index_cast %get3A_416 : i32 to index
      %get3A_418 = arith.constant 16 : index
      %get3A_419 = tpu.vector_load %arg12[%get3A_417, %get3A_418] {strides = array<i32>} : memref<16x128xi32, #tpu.memory_space<vmem>>, vector<16xi32>,
      %add3A_420 = arith.addi %add3A_415, %get3A_419 : vector<16xi32>
      %get3A_421 = arith.constant 3 : i32
      %get3A_422 = arith.index_cast %get3A_421 : i32 to index
      %get3A_423 = arith.constant 16 : index
      %get3A_424 = tpu.vector_load %arg12[%get3A_422, %get3A_423] {strides = array<i32>} : memref<16x128xi32, #tpu.memory_space<vmem>>, vector<16xi32>,
      %add3A_425 = arith.addi %add3A_420, %get3A_424 : vector<16xi32>
      %get3A_426 = arith.constant 4 : i32
      %get3A_427 = arith.index_cast %get3A_426 : i32 to index
      %get3A_428 = arith.constant 16 : index
      %get3A_429 = tpu.vector_load %arg12[%get3A_427, %get3A_428] {strides = array<i32>} : memref<16x128xi32, #tpu.memory_space<vmem>>, vector<16xi32>,
      %add3A_430 = arith.addi %add3A_425, %get3A_429 : vector<16xi32>
      %get3A_431 = arith.constant 5 : i32
      %get3A_432 = arith.index_cast %get3A_431 : i32 to index
      %get3A_433 = arith.constant 16 : index
      %get3A_434 = tpu.vector_load %arg12[%get3A_432, %get3A_433] {strides = array<i32>} : memref<16x128xi32, #tpu.memory_space<vmem>>, vector<16xi32>,
      %add3A_435 = arith.addi %add3A_430, %get3A_434 : vector<16xi32>
      %get3A_436 = arith.constant 6 : i32
      %get3A_437 = arith.index_cast %get3A_436 : i32 to index
      %get3A_438 = arith.constant 16 : index
      %get3A_439 = tpu.vector_load %arg12[%get3A_437, %get3A_438] {strides = array<i32>} : memref<16x128xi32, #tpu.memory_space<vmem>>, vector<16xi32>,
      %add3A_440 = arith.addi %add3A_435, %get3A_439 : vector<16xi32>
      %get3A_441 = arith.constant 7 : i32
      %get3A_442 = arith.index_cast %get3A_441 : i32 to index
      %get3A_443 = arith.constant 16 : index
      %get3A_444 = tpu.vector_load %arg12[%get3A_442, %get3A_443] {strides = array<i32>} : memref<16x128xi32, #tpu.memory_space<vmem>>, vector<16xi32>,
      %add3A_445 = arith.addi %add3A_440, %get3A_444 : vector<16xi32>
      %get3A_446 = arith.constant 8 : i32
      %get3A_447 = arith.index_cast %get3A_446 : i32 to index
      %get3A_448 = arith.constant 16 : index
      %get3A_449 = tpu.vector_load %arg12[%get3A_447, %get3A_448] {strides = array<i32>} : memref<16x128xi32, #tpu.memory_space<vmem>>, vector<16xi32>,
      %add3A_450 = arith.addi %add3A_445, %get3A_449 : vector<16xi32>
      %get3A_451 = arith.constant 9 : i32
      %get3A_452 = arith.index_cast %get3A_451 : i32 to index
      %get3A_453 = arith.constant 16 : index
      %get3A_454 = tpu.vector_load %arg12[%get3A_452, %get3A_453] {strides = array<i32>} : memref<16x128xi32, #tpu.memory_space<vmem>>, vector<16xi32>,
      %add3A_455 = arith.addi %add3A_450, %get3A_454 : vector<16xi32>
      %get3A_456 = arith.constant 10 : i32
      %get3A_457 = arith.index_cast %get3A_456 : i32 to index
      %get3A_458 = arith.constant 16 : index
      %get3A_459 = tpu.vector_load %arg12[%get3A_457, %get3A_458] {strides = array<i32>} : memref<16x128xi32, #tpu.memory_space<vmem>>, vector<16xi32>,
      %add3A_460 = arith.addi %add3A_455, %get3A_459 : vector<16xi32>
      %get3A_461 = arith.constant 11 : i32
      %get3A_462 = arith.index_cast %get3A_461 : i32 to index
      %get3A_463 = arith.constant 16 : index
      %get3A_464 = tpu.vector_load %arg12[%get3A_462, %get3A_463] {strides = array<i32>} : memref<16x128xi32, #tpu.memory_space<vmem>>, vector<16xi32>,
      %add3A_465 = arith.addi %add3A_460, %get3A_464 : vector<16xi32>
      %get3A_466 = arith.constant 12 : i32
      %get3A_467 = arith.index_cast %get3A_466 : i32 to index
      %get3A_468 = arith.constant 16 : index
      %get3A_469 = tpu.vector_load %arg12[%get3A_467, %get3A_468] {strides = array<i32>} : memref<16x128xi32, #tpu.memory_space<vmem>>, vector<16xi32>,
      %add3A_470 = arith.addi %add3A_465, %get3A_469 : vector<16xi32>
      %get3A_471 = arith.constant 13 : i32
      %get3A_472 = arith.index_cast %get3A_471 : i32 to index
      %get3A_473 = arith.constant 16 : index
      %get3A_474 = tpu.vector_load %arg12[%get3A_472, %get3A_473] {strides = array<i32>} : memref<16x128xi32, #tpu.memory_space<vmem>>, vector<16xi32>,
      %add3A_475 = arith.addi %add3A_470, %get3A_474 : vector<16xi32>
      %get3A_476 = arith.constant 14 : i32
      %get3A_477 = arith.index_cast %get3A_476 : i32 to index
      %get3A_478 = arith.constant 16 : index
      %get3A_479 = tpu.vector_load %arg12[%get3A_477, %get3A_478] {strides = array<i32>} : memref<16x128xi32, #tpu.memory_space<vmem>>, vector<16xi32>,
      %add3A_480 = arith.addi %add3A_475, %get3A_479 : vector<16xi32>
      %get3A_481 = arith.constant 15 : i32
      %get3A_482 = arith.index_cast %get3A_481 : i32 to index
      %get3A_483 = arith.constant 16 : index
      %get3A_484 = tpu.vector_load %arg12[%get3A_482, %get3A_483] {strides = array<i32>} : memref<16x128xi32, #tpu.memory_space<vmem>>, vector<16xi32>,
      %add3A_485 = arith.addi %add3A_480, %get3A_484 : vector<16xi32>
      %swap3A_486 = arith.constant 16 : index
      %swap3A_487 = tpu.vector_load %arg8[%swap3A_486] {strides = array<i32>} : memref<128xi32, #tpu.memory_space<vmem>>, vector<16xi32>,
      tpu.vector_store %arg8[%swap3A_486], %add3A_485 {strides = array<i32>} : memref<128xi32, #tpu.memory_space<vmem>>, vector<16xi32>,
      %get3A_488 = arith.constant 0 : i32
      %get3A_489 = arith.index_cast %get3A_488 : i32 to index
      %get3A_490 = arith.constant 32 : index
      %get3A_491 = tpu.vector_load %arg12[%get3A_489, %get3A_490] {strides = array<i32>} : memref<16x128xi32, #tpu.memory_space<vmem>>, vector<16xi32>,
      %add3A_492 = arith.addi %broadcast_in_dim3A_0, %get3A_491 : vector<16xi32>
      %get3A_493 = arith.constant 1 : i32
      %get3A_494 = arith.index_cast %get3A_493 : i32 to index
      %get3A_495 = arith.constant 32 : index
      %get3A_496 = tpu.vector_load %arg12[%get3A_494, %get3A_495] {strides = array<i32>} : memref<16x128xi32, #tpu.memory_space<vmem>>, vector<16xi32>,
      %add3A_497 = arith.addi %add3A_492, %get3A_496 : vector<16xi32>
      %get3A_498 = arith.constant 2 : i32
      %get3A_499 = arith.index_cast %get3A_498 : i32 to index
      %get3A_500 = arith.constant 32 : index
      %get3A_501 = tpu.vector_load %arg12[%get3A_499, %get3A_500] {strides = array<i32>} : memref<16x128xi32, #tpu.memory_space<vmem>>, vector<16xi32>,
      %add3A_502 = arith.addi %add3A_497, %get3A_501 : vector<16xi32>
      %get3A_503 = arith.constant 3 : i32
      %get3A_504 = arith.index_cast %get3A_503 : i32 to index
      %get3A_505 = arith.constant 32 : index
      %get3A_506 = tpu.vector_load %arg12[%get3A_504, %get3A_505] {strides = array<i32>} : memref<16x128xi32, #tpu.memory_space<vmem>>, vector<16xi32>,
      %add3A_507 = arith.addi %add3A_502, %get3A_506 : vector<16xi32>
      %get3A_508 = arith.constant 4 : i32
      %get3A_509 = arith.index_cast %get3A_508 : i32 to index
      %get3A_510 = arith.constant 32 : index
      %get3A_511 = tpu.vector_load %arg12[%get3A_509, %get3A_510] {strides = array<i32>} : memref<16x128xi32, #tpu.memory_space<vmem>>, vector<16xi32>,
      %add3A_512 = arith.addi %add3A_507, %get3A_511 : vector<16xi32>
      %get3A_513 = arith.constant 5 : i32
      %get3A_514 = arith.index_cast %get3A_513 : i32 to index
      %get3A_515 = arith.constant 32 : index
      %get3A_516 = tpu.vector_load %arg12[%get3A_514, %get3A_515] {strides = array<i32>} : memref<16x128xi32, #tpu.memory_space<vmem>>, vector<16xi32>,
      %add3A_517 = arith.addi %add3A_512, %get3A_516 : vector<16xi32>
      %get3A_518 = arith.constant 6 : i32
      %get3A_519 = arith.index_cast %get3A_518 : i32 to index
      %get3A_520 = arith.constant 32 : index
      %get3A_521 = tpu.vector_load %arg12[%get3A_519, %get3A_520] {strides = array<i32>} : memref<16x128xi32, #tpu.memory_space<vmem>>, vector<16xi32>,
      %add3A_522 = arith.addi %add3A_517, %get3A_521 : vector<16xi32>
      %get3A_523 = arith.constant 7 : i32
      %get3A_524 = arith.index_cast %get3A_523 : i32 to index
      %get3A_525 = arith.constant 32 : index
      %get3A_526 = tpu.vector_load %arg12[%get3A_524, %get3A_525] {strides = array<i32>} : memref<16x128xi32, #tpu.memory_space<vmem>>, vector<16xi32>,
      %add3A_527 = arith.addi %add3A_522, %get3A_526 : vector<16xi32>
      %get3A_528 = arith.constant 8 : i32
      %get3A_529 = arith.index_cast %get3A_528 : i32 to index
      %get3A_530 = arith.constant 32 : index
      %get3A_531 = tpu.vector_load %arg12[%get3A_529, %get3A_530] {strides = array<i32>} : memref<16x128xi32, #tpu.memory_space<vmem>>, vector<16xi32>,
      %add3A_532 = arith.addi %add3A_527, %get3A_531 : vector<16xi32>
      %get3A_533 = arith.constant 9 : i32
      %get3A_534 = arith.index_cast %get3A_533 : i32 to index
      %get3A_535 = arith.constant 32 : index
      %get3A_536 = tpu.vector_load %arg12[%get3A_534, %get3A_535] {strides = array<i32>} : memref<16x128xi32, #tpu.memory_space<vmem>>, vector<16xi32>,
      %add3A_537 = arith.addi %add3A_532, %get3A_536 : vector<16xi32>
      %get3A_538 = arith.constant 10 : i32
      %get3A_539 = arith.index_cast %get3A_538 : i32 to index
      %get3A_540 = arith.constant 32 : index
      %get3A_541 = tpu.vector_load %arg12[%get3A_539, %get3A_540] {strides = array<i32>} : memref<16x128xi32, #tpu.memory_space<vmem>>, vector<16xi32>,
      %add3A_542 = arith.addi %add3A_537, %get3A_541 : vector<16xi32>
      %get3A_543 = arith.constant 11 : i32
      %get3A_544 = arith.index_cast %get3A_543 : i32 to index
      %get3A_545 = arith.constant 32 : index
      %get3A_546 = tpu.vector_load %arg12[%get3A_544, %get3A_545] {strides = array<i32>} : memref<16x128xi32, #tpu.memory_space<vmem>>, vector<16xi32>,
      %add3A_547 = arith.addi %add3A_542, %get3A_546 : vector<16xi32>
      %get3A_548 = arith.constant 12 : i32
      %get3A_549 = arith.index_cast %get3A_548 : i32 to index
      %get3A_550 = arith.constant 32 : index
      %get3A_551 = tpu.vector_load %arg12[%get3A_549, %get3A_550] {strides = array<i32>} : memref<16x128xi32, #tpu.memory_space<vmem>>, vector<16xi32>,
      %add3A_552 = arith.addi %add3A_547, %get3A_551 : vector<16xi32>
      %get3A_553 = arith.constant 13 : i32
      %get3A_554 = arith.index_cast %get3A_553 : i32 to index
      %get3A_555 = arith.constant 32 : index
      %get3A_556 = tpu.vector_load %arg12[%get3A_554, %get3A_555] {strides = array<i32>} : memref<16x128xi32, #tpu.memory_space<vmem>>, vector<16xi32>,
      %add3A_557 = arith.addi %add3A_552, %get3A_556 : vector<16xi32>
      %get3A_558 = arith.constant 14 : i32
      %get3A_559 = arith.index_cast %get3A_558 : i32 to index
      %get3A_560 = arith.constant 32 : index
      %get3A_561 = tpu.vector_load %arg12[%get3A_559, %get3A_560] {strides = array<i32>} : memref<16x128xi32, #tpu.memory_space<vmem>>, vector<16xi32>,
      %add3A_562 = arith.addi %add3A_557, %get3A_561 : vector<16xi32>
      %get3A_563 = arith.constant 15 : i32
      %get3A_564 = arith.index_cast %get3A_563 : i32 to index
      %get3A_565 = arith.constant 32 : index
      %get3A_566 = tpu.vector_load %arg12[%get3A_564, %get3A_565] {strides = array<i32>} : memref<16x128xi32, #tpu.memory_space<vmem>>, vector<16xi32>,
      %add3A_567 = arith.addi %add3A_562, %get3A_566 : vector<16xi32>
      %swap3A_568 = arith.constant 32 : index
      %swap3A_569 = tpu.vector_load %arg8[%swap3A_568] {strides = array<i32>} : memref<128xi32, #tpu.memory_space<vmem>>, vector<16xi32>,
      tpu.vector_store %arg8[%swap3A_568], %add3A_567 {strides = array<i32>} : memref<128xi32, #tpu.memory_space<vmem>>, vector<16xi32>,
      %get3A_570 = arith.constant 0 : i32
      %get3A_571 = arith.index_cast %get3A_570 : i32 to index
      %get3A_572 = arith.constant 48 : index
      %get3A_573 = tpu.vector_load %arg12[%get3A_571, %get3A_572] {strides = array<i32>} : memref<16x128xi32, #tpu.memory_space<vmem>>, vector<16xi32>,
      %add3A_574 = arith.addi %broadcast_in_dim3A_0, %get3A_573 : vector<16xi32>
      %get3A_575 = arith.constant 1 : i32
      %get3A_576 = arith.index_cast %get3A_575 : i32 to index
      %get3A_577 = arith.constant 48 : index
      %get3A_578 = tpu.vector_load %arg12[%get3A_576, %get3A_577] {strides = array<i32>} : memref<16x128xi32, #tpu.memory_space<vmem>>, vector<16xi32>,
      %add3A_579 = arith.addi %add3A_574, %get3A_578 : vector<16xi32>
      %get3A_580 = arith.constant 2 : i32
      %get3A_581 = arith.index_cast %get3A_580 : i32 to index
      %get3A_582 = arith.constant 48 : index
      %get3A_583 = tpu.vector_load %arg12[%get3A_581, %get3A_582] {strides = array<i32>} : memref<16x128xi32, #tpu.memory_space<vmem>>, vector<16xi32>,
      %add3A_584 = arith.addi %add3A_579, %get3A_583 : vector<16xi32>
      %get3A_585 = arith.constant 3 : i32
      %get3A_586 = arith.index_cast %get3A_585 : i32 to index
      %get3A_587 = arith.constant 48 : index
      %get3A_588 = tpu.vector_load %arg12[%get3A_586, %get3A_587] {strides = array<i32>} : memref<16x128xi32, #tpu.memory_space<vmem>>, vector<16xi32>,
      %add3A_589 = arith.addi %add3A_584, %get3A_588 : vector<16xi32>
      %get3A_590 = arith.constant 4 : i32
      %get3A_591 = arith.index_cast %get3A_590 : i32 to index
      %get3A_592 = arith.constant 48 : index
      %get3A_593 = tpu.vector_load %arg12[%get3A_591, %get3A_592] {strides = array<i32>} : memref<16x128xi32, #tpu.memory_space<vmem>>, vector<16xi32>,
      %add3A_594 = arith.addi %add3A_589, %get3A_593 : vector<16xi32>
      %get3A_595 = arith.constant 5 : i32
      %get3A_596 = arith.index_cast %get3A_595 : i32 to index
      %get3A_597 = arith.constant 48 : index
      %get3A_598 = tpu.vector_load %arg12[%get3A_596, %get3A_597] {strides = array<i32>} : memref<16x128xi32, #tpu.memory_space<vmem>>, vector<16xi32>,
      %add3A_599 = arith.addi %add3A_594, %get3A_598 : vector<16xi32>
      %get3A_600 = arith.constant 6 : i32
      %get3A_601 = arith.index_cast %get3A_600 : i32 to index
      %get3A_602 = arith.constant 48 : index
      %get3A_603 = tpu.vector_load %arg12[%get3A_601, %get3A_602] {strides = array<i32>} : memref<16x128xi32, #tpu.memory_space<vmem>>, vector<16xi32>,
      %add3A_604 = arith.addi %add3A_599, %get3A_603 : vector<16xi32>
      %get3A_605 = arith.constant 7 : i32
      %get3A_606 = arith.index_cast %get3A_605 : i32 to index
      %get3A_607 = arith.constant 48 : index
      %get3A_608 = tpu.vector_load %arg12[%get3A_606, %get3A_607] {strides = array<i32>} : memref<16x128xi32, #tpu.memory_space<vmem>>, vector<16xi32>,
      %add3A_609 = arith.addi %add3A_604, %get3A_608 : vector<16xi32>
      %get3A_610 = arith.constant 8 : i32
      %get3A_611 = arith.index_cast %get3A_610 : i32 to index
      %get3A_612 = arith.constant 48 : index
      %get3A_613 = tpu.vector_load %arg12[%get3A_611, %get3A_612] {strides = array<i32>} : memref<16x128xi32, #tpu.memory_space<vmem>>, vector<16xi32>,
      %add3A_614 = arith.addi %add3A_609, %get3A_613 : vector<16xi32>
      %get3A_615 = arith.constant 9 : i32
      %get3A_616 = arith.index_cast %get3A_615 : i32 to index
      %get3A_617 = arith.constant 48 : index
      %get3A_618 = tpu.vector_load %arg12[%get3A_616, %get3A_617] {strides = array<i32>} : memref<16x128xi32, #tpu.memory_space<vmem>>, vector<16xi32>,
      %add3A_619 = arith.addi %add3A_614, %get3A_618 : vector<16xi32>
      %get3A_620 = arith.constant 10 : i32
      %get3A_621 = arith.index_cast %get3A_620 : i32 to index
      %get3A_622 = arith.constant 48 : index
      %get3A_623 = tpu.vector_load %arg12[%get3A_621, %get3A_622] {strides = array<i32>} : memref<16x128xi32, #tpu.memory_space<vmem>>, vector<16xi32>,
      %add3A_624 = arith.addi %add3A_619, %get3A_623 : vector<16xi32>
      %get3A_625 = arith.constant 11 : i32
      %get3A_626 = arith.index_cast %get3A_625 : i32 to index
      %get3A_627 = arith.constant 48 : index
      %get3A_628 = tpu.vector_load %arg12[%get3A_626, %get3A_627] {strides = array<i32>} : memref<16x128xi32, #tpu.memory_space<vmem>>, vector<16xi32>,
      %add3A_629 = arith.addi %add3A_624, %get3A_628 : vector<16xi32>
      %get3A_630 = arith.constant 12 : i32
      %get3A_631 = arith.index_cast %get3A_630 : i32 to index
      %get3A_632 = arith.constant 48 : index
      %get3A_633 = tpu.vector_load %arg12[%get3A_631, %get3A_632] {strides = array<i32>} : memref<16x128xi32, #tpu.memory_space<vmem>>, vector<16xi32>,
      %add3A_634 = arith.addi %add3A_629, %get3A_633 : vector<16xi32>
      %get3A_635 = arith.constant 13 : i32
      %get3A_636 = arith.index_cast %get3A_635 : i32 to index
      %get3A_637 = arith.constant 48 : index
      %get3A_638 = tpu.vector_load %arg12[%get3A_636, %get3A_637] {strides = array<i32>} : memref<16x128xi32, #tpu.memory_space<vmem>>, vector<16xi32>,
      %add3A_639 = arith.addi %add3A_634, %get3A_638 : vector<16xi32>
      %get3A_640 = arith.constant 14 : i32
      %get3A_641 = arith.index_cast %get3A_640 : i32 to index
      %get3A_642 = arith.constant 48 : index
      %get3A_643 = tpu.vector_load %arg12[%get3A_641, %get3A_642] {strides = array<i32>} : memref<16x128xi32, #tpu.memory_space<vmem>>, vector<16xi32>,
      %add3A_644 = arith.addi %add3A_639, %get3A_643 : vector<16xi32>
      %get3A_645 = arith.constant 15 : i32
      %get3A_646 = arith.index_cast %get3A_645 : i32 to index
      %get3A_647 = arith.constant 48 : index
      %get3A_648 = tpu.vector_load %arg12[%get3A_646, %get3A_647] {strides = array<i32>} : memref<16x128xi32, #tpu.memory_space<vmem>>, vector<16xi32>,
      %add3A_649 = arith.addi %add3A_644, %get3A_648 : vector<16xi32>
      %swap3A_650 = arith.constant 48 : index
      %swap3A_651 = tpu.vector_load %arg8[%swap3A_650] {strides = array<i32>} : memref<128xi32, #tpu.memory_space<vmem>>, vector<16xi32>,
      tpu.vector_store %arg8[%swap3A_650], %add3A_649 {strides = array<i32>} : memref<128xi32, #tpu.memory_space<vmem>>, vector<16xi32>,
      %get3A_652 = arith.constant 0 : i32
      %get3A_653 = arith.index_cast %get3A_652 : i32 to index
      %get3A_654 = arith.constant 64 : index
      %get3A_655 = tpu.vector_load %arg12[%get3A_653, %get3A_654] {strides = array<i32>} : memref<16x128xi32, #tpu.memory_space<vmem>>, vector<16xi32>,
      %add3A_656 = arith.addi %broadcast_in_dim3A_0, %get3A_655 : vector<16xi32>
      %get3A_657 = arith.constant 1 : i32
      %get3A_658 = arith.index_cast %get3A_657 : i32 to index
      %get3A_659 = arith.constant 64 : index
      %get3A_660 = tpu.vector_load %arg12[%get3A_658, %get3A_659] {strides = array<i32>} : memref<16x128xi32, #tpu.memory_space<vmem>>, vector<16xi32>,
      %add3A_661 = arith.addi %add3A_656, %get3A_660 : vector<16xi32>
      %get3A_662 = arith.constant 2 : i32
      %get3A_663 = arith.index_cast %get3A_662 : i32 to index
      %get3A_664 = arith.constant 64 : index
      %get3A_665 = tpu.vector_load %arg12[%get3A_663, %get3A_664] {strides = array<i32>} : memref<16x128xi32, #tpu.memory_space<vmem>>, vector<16xi32>,
      %add3A_666 = arith.addi %add3A_661, %get3A_665 : vector<16xi32>
      %get3A_667 = arith.constant 3 : i32
      %get3A_668 = arith.index_cast %get3A_667 : i32 to index
      %get3A_669 = arith.constant 64 : index
      %get3A_670 = tpu.vector_load %arg12[%get3A_668, %get3A_669] {strides = array<i32>} : memref<16x128xi32, #tpu.memory_space<vmem>>, vector<16xi32>,
      %add3A_671 = arith.addi %add3A_666, %get3A_670 : vector<16xi32>
      %get3A_672 = arith.constant 4 : i32
      %get3A_673 = arith.index_cast %get3A_672 : i32 to index
      %get3A_674 = arith.constant 64 : index
      %get3A_675 = tpu.vector_load %arg12[%get3A_673, %get3A_674] {strides = array<i32>} : memref<16x128xi32, #tpu.memory_space<vmem>>, vector<16xi32>,
      %add3A_676 = arith.addi %add3A_671, %get3A_675 : vector<16xi32>
      %get3A_677 = arith.constant 5 : i32
      %get3A_678 = arith.index_cast %get3A_677 : i32 to index
      %get3A_679 = arith.constant 64 : index
      %get3A_680 = tpu.vector_load %arg12[%get3A_678, %get3A_679] {strides = array<i32>} : memref<16x128xi32, #tpu.memory_space<vmem>>, vector<16xi32>,
      %add3A_681 = arith.addi %add3A_676, %get3A_680 : vector<16xi32>
      %get3A_682 = arith.constant 6 : i32
      %get3A_683 = arith.index_cast %get3A_682 : i32 to index
      %get3A_684 = arith.constant 64 : index
      %get3A_685 = tpu.vector_load %arg12[%get3A_683, %get3A_684] {strides = array<i32>} : memref<16x128xi32, #tpu.memory_space<vmem>>, vector<16xi32>,
      %add3A_686 = arith.addi %add3A_681, %get3A_685 : vector<16xi32>
      %get3A_687 = arith.constant 7 : i32
      %get3A_688 = arith.index_cast %get3A_687 : i32 to index
      %get3A_689 = arith.constant 64 : index
      %get3A_690 = tpu.vector_load %arg12[%get3A_688, %get3A_689] {strides = array<i32>} : memref<16x128xi32, #tpu.memory_space<vmem>>, vector<16xi32>,
      %add3A_691 = arith.addi %add3A_686, %get3A_690 : vector<16xi32>
      %get3A_692 = arith.constant 8 : i32
      %get3A_693 = arith.index_cast %get3A_692 : i32 to index
      %get3A_694 = arith.constant 64 : index
      %get3A_695 = tpu.vector_load %arg12[%get3A_693, %get3A_694] {strides = array<i32>} : memref<16x128xi32, #tpu.memory_space<vmem>>, vector<16xi32>,
      %add3A_696 = arith.addi %add3A_691, %get3A_695 : vector<16xi32>
      %get3A_697 = arith.constant 9 : i32
      %get3A_698 = arith.index_cast %get3A_697 : i32 to index
      %get3A_699 = arith.constant 64 : index
      %get3A_700 = tpu.vector_load %arg12[%get3A_698, %get3A_699] {strides = array<i32>} : memref<16x128xi32, #tpu.memory_space<vmem>>, vector<16xi32>,
      %add3A_701 = arith.addi %add3A_696, %get3A_700 : vector<16xi32>
      %get3A_702 = arith.constant 10 : i32
      %get3A_703 = arith.index_cast %get3A_702 : i32 to index
      %get3A_704 = arith.constant 64 : index
      %get3A_705 = tpu.vector_load %arg12[%get3A_703, %get3A_704] {strides = array<i32>} : memref<16x128xi32, #tpu.memory_space<vmem>>, vector<16xi32>,
      %add3A_706 = arith.addi %add3A_701, %get3A_705 : vector<16xi32>
      %get3A_707 = arith.constant 11 : i32
      %get3A_708 = arith.index_cast %get3A_707 : i32 to index
      %get3A_709 = arith.constant 64 : index
      %get3A_710 = tpu.vector_load %arg12[%get3A_708, %get3A_709] {strides = array<i32>} : memref<16x128xi32, #tpu.memory_space<vmem>>, vector<16xi32>,
      %add3A_711 = arith.addi %add3A_706, %get3A_710 : vector<16xi32>
      %get3A_712 = arith.constant 12 : i32
      %get3A_713 = arith.index_cast %get3A_712 : i32 to index
      %get3A_714 = arith.constant 64 : index
      %get3A_715 = tpu.vector_load %arg12[%get3A_713, %get3A_714] {strides = array<i32>} : memref<16x128xi32, #tpu.memory_space<vmem>>, vector<16xi32>,
      %add3A_716 = arith.addi %add3A_711, %get3A_715 : vector<16xi32>
      %get3A_717 = arith.constant 13 : i32
      %get3A_718 = arith.index_cast %get3A_717 : i32 to index
      %get3A_719 = arith.constant 64 : index
      %get3A_720 = tpu.vector_load %arg12[%get3A_718, %get3A_719] {strides = array<i32>} : memref<16x128xi32, #tpu.memory_space<vmem>>, vector<16xi32>,
      %add3A_721 = arith.addi %add3A_716, %get3A_720 : vector<16xi32>
      %get3A_722 = arith.constant 14 : i32
      %get3A_723 = arith.index_cast %get3A_722 : i32 to index
      %get3A_724 = arith.constant 64 : index
      %get3A_725 = tpu.vector_load %arg12[%get3A_723, %get3A_724] {strides = array<i32>} : memref<16x128xi32, #tpu.memory_space<vmem>>, vector<16xi32>,
      %add3A_726 = arith.addi %add3A_721, %get3A_725 : vector<16xi32>
      %get3A_727 = arith.constant 15 : i32
      %get3A_728 = arith.index_cast %get3A_727 : i32 to index
      %get3A_729 = arith.constant 64 : index
      %get3A_730 = tpu.vector_load %arg12[%get3A_728, %get3A_729] {strides = array<i32>} : memref<16x128xi32, #tpu.memory_space<vmem>>, vector<16xi32>,
      %add3A_731 = arith.addi %add3A_726, %get3A_730 : vector<16xi32>
      %swap3A_732 = arith.constant 64 : index
      %swap3A_733 = tpu.vector_load %arg8[%swap3A_732] {strides = array<i32>} : memref<128xi32, #tpu.memory_space<vmem>>, vector<16xi32>,
      tpu.vector_store %arg8[%swap3A_732], %add3A_731 {strides = array<i32>} : memref<128xi32, #tpu.memory_space<vmem>>, vector<16xi32>,
      %get3A_734 = arith.constant 0 : i32
      %get3A_735 = arith.index_cast %get3A_734 : i32 to index
      %get3A_736 = arith.constant 80 : index
      %get3A_737 = tpu.vector_load %arg12[%get3A_735, %get3A_736] {strides = array<i32>} : memref<16x128xi32, #tpu.memory_space<vmem>>, vector<16xi32>,
      %add3A_738 = arith.addi %broadcast_in_dim3A_0, %get3A_737 : vector<16xi32>
      %get3A_739 = arith.constant 1 : i32
      %get3A_740 = arith.index_cast %get3A_739 : i32 to index
      %get3A_741 = arith.constant 80 : index
      %get3A_742 = tpu.vector_load %arg12[%get3A_740, %get3A_741] {strides = array<i32>} : memref<16x128xi32, #tpu.memory_space<vmem>>, vector<16xi32>,
      %add3A_743 = arith.addi %add3A_738, %get3A_742 : vector<16xi32>
      %get3A_744 = arith.constant 2 : i32
      %get3A_745 = arith.index_cast %get3A_744 : i32 to index
      %get3A_746 = arith.constant 80 : index
      %get3A_747 = tpu.vector_load %arg12[%get3A_745, %get3A_746] {strides = array<i32>} : memref<16x128xi32, #tpu.memory_space<vmem>>, vector<16xi32>,
      %add3A_748 = arith.addi %add3A_743, %get3A_747 : vector<16xi32>
      %get3A_749 = arith.constant 3 : i32
      %get3A_750 = arith.index_cast %get3A_749 : i32 to index
      %get3A_751 = arith.constant 80 : index
      %get3A_752 = tpu.vector_load %arg12[%get3A_750, %get3A_751] {strides = array<i32>} : memref<16x128xi32, #tpu.memory_space<vmem>>, vector<16xi32>,
      %add3A_753 = arith.addi %add3A_748, %get3A_752 : vector<16xi32>
      %get3A_754 = arith.constant 4 : i32
      %get3A_755 = arith.index_cast %get3A_754 : i32 to index
      %get3A_756 = arith.constant 80 : index
      %get3A_757 = tpu.vector_load %arg12[%get3A_755, %get3A_756] {strides = array<i32>} : memref<16x128xi32, #tpu.memory_space<vmem>>, vector<16xi32>,
      %add3A_758 = arith.addi %add3A_753, %get3A_757 : vector<16xi32>
      %get3A_759 = arith.constant 5 : i32
      %get3A_760 = arith.index_cast %get3A_759 : i32 to index
      %get3A_761 = arith.constant 80 : index
      %get3A_762 = tpu.vector_load %arg12[%get3A_760, %get3A_761] {strides = array<i32>} : memref<16x128xi32, #tpu.memory_space<vmem>>, vector<16xi32>,
      %add3A_763 = arith.addi %add3A_758, %get3A_762 : vector<16xi32>
      %get3A_764 = arith.constant 6 : i32
      %get3A_765 = arith.index_cast %get3A_764 : i32 to index
      %get3A_766 = arith.constant 80 : index
      %get3A_767 = tpu.vector_load %arg12[%get3A_765, %get3A_766] {strides = array<i32>} : memref<16x128xi32, #tpu.memory_space<vmem>>, vector<16xi32>,
      %add3A_768 = arith.addi %add3A_763, %get3A_767 : vector<16xi32>
      %get3A_769 = arith.constant 7 : i32
      %get3A_770 = arith.index_cast %get3A_769 : i32 to index
      %get3A_771 = arith.constant 80 : index
      %get3A_772 = tpu.vector_load %arg12[%get3A_770, %get3A_771] {strides = array<i32>} : memref<16x128xi32, #tpu.memory_space<vmem>>, vector<16xi32>,
      %add3A_773 = arith.addi %add3A_768, %get3A_772 : vector<16xi32>
      %get3A_774 = arith.constant 8 : i32
      %get3A_775 = arith.index_cast %get3A_774 : i32 to index
      %get3A_776 = arith.constant 80 : index
      %get3A_777 = tpu.vector_load %arg12[%get3A_775, %get3A_776] {strides = array<i32>} : memref<16x128xi32, #tpu.memory_space<vmem>>, vector<16xi32>,
      %add3A_778 = arith.addi %add3A_773, %get3A_777 : vector<16xi32>
      %get3A_779 = arith.constant 9 : i32
      %get3A_780 = arith.index_cast %get3A_779 : i32 to index
      %get3A_781 = arith.constant 80 : index
      %get3A_782 = tpu.vector_load %arg12[%get3A_780, %get3A_781] {strides = array<i32>} : memref<16x128xi32, #tpu.memory_space<vmem>>, vector<16xi32>,
      %add3A_783 = arith.addi %add3A_778, %get3A_782 : vector<16xi32>
      %get3A_784 = arith.constant 10 : i32
      %get3A_785 = arith.index_cast %get3A_784 : i32 to index
      %get3A_786 = arith.constant 80 : index
      %get3A_787 = tpu.vector_load %arg12[%get3A_785, %get3A_786] {strides = array<i32>} : memref<16x128xi32, #tpu.memory_space<vmem>>, vector<16xi32>,
      %add3A_788 = arith.addi %add3A_783, %get3A_787 : vector<16xi32>
      %get3A_789 = arith.constant 11 : i32
      %get3A_790 = arith.index_cast %get3A_789 : i32 to index
      %get3A_791 = arith.constant 80 : index
      %get3A_792 = tpu.vector_load %arg12[%get3A_790, %get3A_791] {strides = array<i32>} : memref<16x128xi32, #tpu.memory_space<vmem>>, vector<16xi32>,
      %add3A_793 = arith.addi %add3A_788, %get3A_792 : vector<16xi32>
      %get3A_794 = arith.constant 12 : i32
      %get3A_795 = arith.index_cast %get3A_794 : i32 to index
      %get3A_796 = arith.constant 80 : index
      %get3A_797 = tpu.vector_load %arg12[%get3A_795, %get3A_796] {strides = array<i32>} : memref<16x128xi32, #tpu.memory_space<vmem>>, vector<16xi32>,
      %add3A_798 = arith.addi %add3A_793, %get3A_797 : vector<16xi32>
      %get3A_799 = arith.constant 13 : i32
      %get3A_800 = arith.index_cast %get3A_799 : i32 to index
      %get3A_801 = arith.constant 80 : index
      %get3A_802 = tpu.vector_load %arg12[%get3A_800, %get3A_801] {strides = array<i32>} : memref<16x128xi32, #tpu.memory_space<vmem>>, vector<16xi32>,
      %add3A_803 = arith.addi %add3A_798, %get3A_802 : vector<16xi32>
      %get3A_804 = arith.constant 14 : i32
      %get3A_805 = arith.index_cast %get3A_804 : i32 to index
      %get3A_806 = arith.constant 80 : index
      %get3A_807 = tpu.vector_load %arg12[%get3A_805, %get3A_806] {strides = array<i32>} : memref<16x128xi32, #tpu.memory_space<vmem>>, vector<16xi32>,
      %add3A_808 = arith.addi %add3A_803, %get3A_807 : vector<16xi32>
      %get3A_809 = arith.constant 15 : i32
      %get3A_810 = arith.index_cast %get3A_809 : i32 to index
      %get3A_811 = arith.constant 80 : index
      %get3A_812 = tpu.vector_load %arg12[%get3A_810, %get3A_811] {strides = array<i32>} : memref<16x128xi32, #tpu.memory_space<vmem>>, vector<16xi32>,
      %add3A_813 = arith.addi %add3A_808, %get3A_812 : vector<16xi32>
      %swap3A_814 = arith.constant 80 : index
      %swap3A_815 = tpu.vector_load %arg8[%swap3A_814] {strides = array<i32>} : memref<128xi32, #tpu.memory_space<vmem>>, vector<16xi32>,
      tpu.vector_store %arg8[%swap3A_814], %add3A_813 {strides = array<i32>} : memref<128xi32, #tpu.memory_space<vmem>>, vector<16xi32>,
      %get3A_816 = arith.constant 0 : i32
      %get3A_817 = arith.index_cast %get3A_816 : i32 to index
      %get3A_818 = arith.constant 96 : index
      %get3A_819 = tpu.vector_load %arg12[%get3A_817, %get3A_818] {strides = array<i32>} : memref<16x128xi32, #tpu.memory_space<vmem>>, vector<16xi32>,
      %add3A_820 = arith.addi %broadcast_in_dim3A_0, %get3A_819 : vector<16xi32>
      %get3A_821 = arith.constant 1 : i32
      %get3A_822 = arith.index_cast %get3A_821 : i32 to index
      %get3A_823 = arith.constant 96 : index
      %get3A_824 = tpu.vector_load %arg12[%get3A_822, %get3A_823] {strides = array<i32>} : memref<16x128xi32, #tpu.memory_space<vmem>>, vector<16xi32>,
      %add3A_825 = arith.addi %add3A_820, %get3A_824 : vector<16xi32>
      %get3A_826 = arith.constant 2 : i32
      %get3A_827 = arith.index_cast %get3A_826 : i32 to index
      %get3A_828 = arith.constant 96 : index
      %get3A_829 = tpu.vector_load %arg12[%get3A_827, %get3A_828] {strides = array<i32>} : memref<16x128xi32, #tpu.memory_space<vmem>>, vector<16xi32>,
      %add3A_830 = arith.addi %add3A_825, %get3A_829 : vector<16xi32>
      %get3A_831 = arith.constant 3 : i32
      %get3A_832 = arith.index_cast %get3A_831 : i32 to index
      %get3A_833 = arith.constant 96 : index
      %get3A_834 = tpu.vector_load %arg12[%get3A_832, %get3A_833] {strides = array<i32>} : memref<16x128xi32, #tpu.memory_space<vmem>>, vector<16xi32>,
      %add3A_835 = arith.addi %add3A_830, %get3A_834 : vector<16xi32>
      %get3A_836 = arith.constant 4 : i32
      %get3A_837 = arith.index_cast %get3A_836 : i32 to index
      %get3A_838 = arith.constant 96 : index
      %get3A_839 = tpu.vector_load %arg12[%get3A_837, %get3A_838] {strides = array<i32>} : memref<16x128xi32, #tpu.memory_space<vmem>>, vector<16xi32>,
      %add3A_840 = arith.addi %add3A_835, %get3A_839 : vector<16xi32>
      %get3A_841 = arith.constant 5 : i32
      %get3A_842 = arith.index_cast %get3A_841 : i32 to index
      %get3A_843 = arith.constant 96 : index
      %get3A_844 = tpu.vector_load %arg12[%get3A_842, %get3A_843] {strides = array<i32>} : memref<16x128xi32, #tpu.memory_space<vmem>>, vector<16xi32>,
      %add3A_845 = arith.addi %add3A_840, %get3A_844 : vector<16xi32>
      %get3A_846 = arith.constant 6 : i32
      %get3A_847 = arith.index_cast %get3A_846 : i32 to index
      %get3A_848 = arith.constant 96 : index
      %get3A_849 = tpu.vector_load %arg12[%get3A_847, %get3A_848] {strides = array<i32>} : memref<16x128xi32, #tpu.memory_space<vmem>>, vector<16xi32>,
      %add3A_850 = arith.addi %add3A_845, %get3A_849 : vector<16xi32>
      %get3A_851 = arith.constant 7 : i32
      %get3A_852 = arith.index_cast %get3A_851 : i32 to index
      %get3A_853 = arith.constant 96 : index
      %get3A_854 = tpu.vector_load %arg12[%get3A_852, %get3A_853] {strides = array<i32>} : memref<16x128xi32, #tpu.memory_space<vmem>>, vector<16xi32>,
      %add3A_855 = arith.addi %add3A_850, %get3A_854 : vector<16xi32>
      %get3A_856 = arith.constant 8 : i32
      %get3A_857 = arith.index_cast %get3A_856 : i32 to index
      %get3A_858 = arith.constant 96 : index
      %get3A_859 = tpu.vector_load %arg12[%get3A_857, %get3A_858] {strides = array<i32>} : memref<16x128xi32, #tpu.memory_space<vmem>>, vector<16xi32>,
      %add3A_860 = arith.addi %add3A_855, %get3A_859 : vector<16xi32>
      %get3A_861 = arith.constant 9 : i32
      %get3A_862 = arith.index_cast %get3A_861 : i32 to index
      %get3A_863 = arith.constant 96 : index
      %get3A_864 = tpu.vector_load %arg12[%get3A_862, %get3A_863] {strides = array<i32>} : memref<16x128xi32, #tpu.memory_space<vmem>>, vector<16xi32>,
      %add3A_865 = arith.addi %add3A_860, %get3A_864 : vector<16xi32>
      %get3A_866 = arith.constant 10 : i32
      %get3A_867 = arith.index_cast %get3A_866 : i32 to index
      %get3A_868 = arith.constant 96 : index
      %get3A_869 = tpu.vector_load %arg12[%get3A_867, %get3A_868] {strides = array<i32>} : memref<16x128xi32, #tpu.memory_space<vmem>>, vector<16xi32>,
      %add3A_870 = arith.addi %add3A_865, %get3A_869 : vector<16xi32>
      %get3A_871 = arith.constant 11 : i32
      %get3A_872 = arith.index_cast %get3A_871 : i32 to index
      %get3A_873 = arith.constant 96 : index
      %get3A_874 = tpu.vector_load %arg12[%get3A_872, %get3A_873] {strides = array<i32>} : memref<16x128xi32, #tpu.memory_space<vmem>>, vector<16xi32>,
      %add3A_875 = arith.addi %add3A_870, %get3A_874 : vector<16xi32>
      %get3A_876 = arith.constant 12 : i32
      %get3A_877 = arith.index_cast %get3A_876 : i32 to index
      %get3A_878 = arith.constant 96 : index
      %get3A_879 = tpu.vector_load %arg12[%get3A_877, %get3A_878] {strides = array<i32>} : memref<16x128xi32, #tpu.memory_space<vmem>>, vector<16xi32>,
      %add3A_880 = arith.addi %add3A_875, %get3A_879 : vector<16xi32>
      %get3A_881 = arith.constant 13 : i32
      %get3A_882 = arith.index_cast %get3A_881 : i32 to index
      %get3A_883 = arith.constant 96 : index
      %get3A_884 = tpu.vector_load %arg12[%get3A_882, %get3A_883] {strides = array<i32>} : memref<16x128xi32, #tpu.memory_space<vmem>>, vector<16xi32>,
      %add3A_885 = arith.addi %add3A_880, %get3A_884 : vector<16xi32>
      %get3A_886 = arith.constant 14 : i32
      %get3A_887 = arith.index_cast %get3A_886 : i32 to index
      %get3A_888 = arith.constant 96 : index
      %get3A_889 = tpu.vector_load %arg12[%get3A_887, %get3A_888] {strides = array<i32>} : memref<16x128xi32, #tpu.memory_space<vmem>>, vector<16xi32>,
      %add3A_890 = arith.addi %add3A_885, %get3A_889 : vector<16xi32>
      %get3A_891 = arith.constant 15 : i32
      %get3A_892 = arith.index_cast %get3A_891 : i32 to index
      %get3A_893 = arith.constant 96 : index
      %get3A_894 = tpu.vector_load %arg12[%get3A_892, %get3A_893] {strides = array<i32>} : memref<16x128xi32, #tpu.memory_space<vmem>>, vector<16xi32>,
      %add3A_895 = arith.addi %add3A_890, %get3A_894 : vector<16xi32>
      %swap3A_896 = arith.constant 96 : index
      %swap3A_897 = tpu.vector_load %arg8[%swap3A_896] {strides = array<i32>} : memref<128xi32, #tpu.memory_space<vmem>>, vector<16xi32>,
      tpu.vector_store %arg8[%swap3A_896], %add3A_895 {strides = array<i32>} : memref<128xi32, #tpu.memory_space<vmem>>, vector<16xi32>,
      %get3A_898 = arith.constant 0 : i32
      %get3A_899 = arith.index_cast %get3A_898 : i32 to index
      %get3A_900 = arith.constant 112 : index
      %get3A_901 = tpu.vector_load %arg12[%get3A_899, %get3A_900] {strides = array<i32>} : memref<16x128xi32, #tpu.memory_space<vmem>>, vector<16xi32>,
      %add3A_902 = arith.addi %broadcast_in_dim3A_0, %get3A_901 : vector<16xi32>
      %get3A_903 = arith.constant 1 : i32
      %get3A_904 = arith.index_cast %get3A_903 : i32 to index
      %get3A_905 = arith.constant 112 : index
      %get3A_906 = tpu.vector_load %arg12[%get3A_904, %get3A_905] {strides = array<i32>} : memref<16x128xi32, #tpu.memory_space<vmem>>, vector<16xi32>,
      %add3A_907 = arith.addi %add3A_902, %get3A_906 : vector<16xi32>
      %get3A_908 = arith.constant 2 : i32
      %get3A_909 = arith.index_cast %get3A_908 : i32 to index
      %get3A_910 = arith.constant 112 : index
      %get3A_911 = tpu.vector_load %arg12[%get3A_909, %get3A_910] {strides = array<i32>} : memref<16x128xi32, #tpu.memory_space<vmem>>, vector<16xi32>,
      %add3A_912 = arith.addi %add3A_907, %get3A_911 : vector<16xi32>
      %get3A_913 = arith.constant 3 : i32
      %get3A_914 = arith.index_cast %get3A_913 : i32 to index
      %get3A_915 = arith.constant 112 : index
      %get3A_916 = tpu.vector_load %arg12[%get3A_914, %get3A_915] {strides = array<i32>} : memref<16x128xi32, #tpu.memory_space<vmem>>, vector<16xi32>,
      %add3A_917 = arith.addi %add3A_912, %get3A_916 : vector<16xi32>
      %get3A_918 = arith.constant 4 : i32
      %get3A_919 = arith.index_cast %get3A_918 : i32 to index
      %get3A_920 = arith.constant 112 : index
      %get3A_921 = tpu.vector_load %arg12[%get3A_919, %get3A_920] {strides = array<i32>} : memref<16x128xi32, #tpu.memory_space<vmem>>, vector<16xi32>,
      %add3A_922 = arith.addi %add3A_917, %get3A_921 : vector<16xi32>
      %get3A_923 = arith.constant 5 : i32
      %get3A_924 = arith.index_cast %get3A_923 : i32 to index
      %get3A_925 = arith.constant 112 : index
      %get3A_926 = tpu.vector_load %arg12[%get3A_924, %get3A_925] {strides = array<i32>} : memref<16x128xi32, #tpu.memory_space<vmem>>, vector<16xi32>,
      %add3A_927 = arith.addi %add3A_922, %get3A_926 : vector<16xi32>
      %get3A_928 = arith.constant 6 : i32
      %get3A_929 = arith.index_cast %get3A_928 : i32 to index
      %get3A_930 = arith.constant 112 : index
      %get3A_931 = tpu.vector_load %arg12[%get3A_929, %get3A_930] {strides = array<i32>} : memref<16x128xi32, #tpu.memory_space<vmem>>, vector<16xi32>,
      %add3A_932 = arith.addi %add3A_927, %get3A_931 : vector<16xi32>
      %get3A_933 = arith.constant 7 : i32
      %get3A_934 = arith.index_cast %get3A_933 : i32 to index
      %get3A_935 = arith.constant 112 : index
      %get3A_936 = tpu.vector_load %arg12[%get3A_934, %get3A_935] {strides = array<i32>} : memref<16x128xi32, #tpu.memory_space<vmem>>, vector<16xi32>,
      %add3A_937 = arith.addi %add3A_932, %get3A_936 : vector<16xi32>
      %get3A_938 = arith.constant 8 : i32
      %get3A_939 = arith.index_cast %get3A_938 : i32 to index
      %get3A_940 = arith.constant 112 : index
      %get3A_941 = tpu.vector_load %arg12[%get3A_939, %get3A_940] {strides = array<i32>} : memref<16x128xi32, #tpu.memory_space<vmem>>, vector<16xi32>,
      %add3A_942 = arith.addi %add3A_937, %get3A_941 : vector<16xi32>
      %get3A_943 = arith.constant 9 : i32
      %get3A_944 = arith.index_cast %get3A_943 : i32 to index
      %get3A_945 = arith.constant 112 : index
      %get3A_946 = tpu.vector_load %arg12[%get3A_944, %get3A_945] {strides = array<i32>} : memref<16x128xi32, #tpu.memory_space<vmem>>, vector<16xi32>,
      %add3A_947 = arith.addi %add3A_942, %get3A_946 : vector<16xi32>
      %get3A_948 = arith.constant 10 : i32
      %get3A_949 = arith.index_cast %get3A_948 : i32 to index
      %get3A_950 = arith.constant 112 : index
      %get3A_951 = tpu.vector_load %arg12[%get3A_949, %get3A_950] {strides = array<i32>} : memref<16x128xi32, #tpu.memory_space<vmem>>, vector<16xi32>,
      %add3A_952 = arith.addi %add3A_947, %get3A_951 : vector<16xi32>
      %get3A_953 = arith.constant 11 : i32
      %get3A_954 = arith.index_cast %get3A_953 : i32 to index
      %get3A_955 = arith.constant 112 : index
      %get3A_956 = tpu.vector_load %arg12[%get3A_954, %get3A_955] {strides = array<i32>} : memref<16x128xi32, #tpu.memory_space<vmem>>, vector<16xi32>,
      %add3A_957 = arith.addi %add3A_952, %get3A_956 : vector<16xi32>
      %get3A_958 = arith.constant 12 : i32
      %get3A_959 = arith.index_cast %get3A_958 : i32 to index
      %get3A_960 = arith.constant 112 : index
      %get3A_961 = tpu.vector_load %arg12[%get3A_959, %get3A_960] {strides = array<i32>} : memref<16x128xi32, #tpu.memory_space<vmem>>, vector<16xi32>,
      %add3A_962 = arith.addi %add3A_957, %get3A_961 : vector<16xi32>
      %get3A_963 = arith.constant 13 : i32
      %get3A_964 = arith.index_cast %get3A_963 : i32 to index
      %get3A_965 = arith.constant 112 : index
      %get3A_966 = tpu.vector_load %arg12[%get3A_964, %get3A_965] {strides = array<i32>} : memref<16x128xi32, #tpu.memory_space<vmem>>, vector<16xi32>,
      %add3A_967 = arith.addi %add3A_962, %get3A_966 : vector<16xi32>
      %get3A_968 = arith.constant 14 : i32
      %get3A_969 = arith.index_cast %get3A_968 : i32 to index
      %get3A_970 = arith.constant 112 : index
      %get3A_971 = tpu.vector_load %arg12[%get3A_969, %get3A_970] {strides = array<i32>} : memref<16x128xi32, #tpu.memory_space<vmem>>, vector<16xi32>,
      %add3A_972 = arith.addi %add3A_967, %get3A_971 : vector<16xi32>
      %get3A_973 = arith.constant 15 : i32
      %get3A_974 = arith.index_cast %get3A_973 : i32 to index
      %get3A_975 = arith.constant 112 : index
      %get3A_976 = tpu.vector_load %arg12[%get3A_974, %get3A_975] {strides = array<i32>} : memref<16x128xi32, #tpu.memory_space<vmem>>, vector<16xi32>,
      %add3A_977 = arith.addi %add3A_972, %get3A_976 : vector<16xi32>
      %swap3A_978 = arith.constant 112 : index
      %swap3A_979 = tpu.vector_load %arg8[%swap3A_978] {strides = array<i32>} : memref<128xi32, #tpu.memory_space<vmem>>, vector<16xi32>,
      tpu.vector_store %arg8[%swap3A_978], %add3A_977 {strides = array<i32>} : memref<128xi32, #tpu.memory_space<vmem>>, vector<16xi32>,
      %dma_start3A = arith.constant 0 : i32
      %dma_start3A_980 = arith.constant 0 : i32
      %dma_start3A_981 = tpu.memref_slice %arg3[%dma_start3A, %dma_start3A_980] : memref<20480x16xf32, #tpu.memory_space<hbm>> -> memref<20480x16xf32, #tpu.memory_space<hbm>>
      tpu.enqueue_indirect_dma source(%dma_start3A_981 : memref<20480x16xf32, #tpu.memory_space<hbm>>) target(%arg14 : memref<128x16xf32, #tpu.memory_space<vmem>>) offsets(%arg8 : memref<128xi32, #tpu.memory_space<vmem>>) semaphore(%arg18 : memref<!tpu.dma_semaphore, #tpu.memory_space<semaphore_mem>>)
      %dma_wait3A = arith.constant 0 : i32
      %dma_wait3A_982 = arith.constant 0 : i32
      %dma_wait3A_983 = tpu.memref_slice %arg3[%dma_wait3A, %dma_wait3A_982] : memref<20480x16xf32, #tpu.memory_space<hbm>> -> memref<20480x16xf32, #tpu.memory_space<hbm>>
      tpu.wait_indirect_dma semaphore(%arg18 : memref<!tpu.dma_semaphore, #tpu.memory_space<semaphore_mem>>) src(%dma_wait3A_983 : memref<20480x16xf32, #tpu.memory_space<hbm>>) dst(%arg14 : memref<128x16xf32, #tpu.memory_space<vmem>>)
      %add3A_984 = arith.constant 0 : i32
      %add3A_985 = vector.broadcast %add3A_984 : i32 to vector<16xi32>
      %add3A_986 = arith.addi %add3A_985, %iota3A : vector<16xi32>
      %broadcast_in_dim3A_987 = arith.constant 8 : i32
      %broadcast_in_dim3A_988 = vector.broadcast %broadcast_in_dim3A_987 : i32 to vector<16xi32>
      %gather3A_989 = tpu.vector_load_idx %arg14[%add3A_986, %broadcast_in_dim3A_988] : memref<128x16xf32, #tpu.memory_space<vmem>>[vector<16xi32>, vector<16xi32>], vector<16xf32>,
      %convert_element_type3A_990 = arith.fptosi %gather3A_989 : vector<16xf32> to vector<16xi32>
      %swap3A_991 = arith.constant 0 : index
      %swap3A_992 = tpu.vector_load %arg13[%swap3A_991] {strides = array<i32>} : memref<128xi32, #tpu.memory_space<vmem>>, vector<16xi32>,
      tpu.vector_store %arg13[%swap3A_991], %convert_element_type3A_990 {strides = array<i32>} : memref<128xi32, #tpu.memory_space<vmem>>, vector<16xi32>,
      %add3A_993 = arith.constant 16 : i32
      %add3A_994 = vector.broadcast %add3A_993 : i32 to vector<16xi32>
      %add3A_995 = arith.addi %add3A_994, %iota3A : vector<16xi32>
      %broadcast_in_dim3A_996 = arith.constant 8 : i32
      %broadcast_in_dim3A_997 = vector.broadcast %broadcast_in_dim3A_996 : i32 to vector<16xi32>
      %gather3A_998 = tpu.vector_load_idx %arg14[%add3A_995, %broadcast_in_dim3A_997] : memref<128x16xf32, #tpu.memory_space<vmem>>[vector<16xi32>, vector<16xi32>], vector<16xf32>,
      %convert_element_type3A_999 = arith.fptosi %gather3A_998 : vector<16xf32> to vector<16xi32>
      %swap3A_1000 = arith.constant 16 : index
      %swap3A_1001 = tpu.vector_load %arg13[%swap3A_1000] {strides = array<i32>} : memref<128xi32, #tpu.memory_space<vmem>>, vector<16xi32>,
      tpu.vector_store %arg13[%swap3A_1000], %convert_element_type3A_999 {strides = array<i32>} : memref<128xi32, #tpu.memory_space<vmem>>, vector<16xi32>,
      %add3A_1002 = arith.constant 32 : i32
      %add3A_1003 = vector.broadcast %add3A_1002 : i32 to vector<16xi32>
      %add3A_1004 = arith.addi %add3A_1003, %iota3A : vector<16xi32>
      %broadcast_in_dim3A_1005 = arith.constant 8 : i32
      %broadcast_in_dim3A_1006 = vector.broadcast %broadcast_in_dim3A_1005 : i32 to vector<16xi32>
      %gather3A_1007 = tpu.vector_load_idx %arg14[%add3A_1004, %broadcast_in_dim3A_1006] : memref<128x16xf32, #tpu.memory_space<vmem>>[vector<16xi32>, vector<16xi32>], vector<16xf32>,
      %convert_element_type3A_1008 = arith.fptosi %gather3A_1007 : vector<16xf32> to vector<16xi32>
      %swap3A_1009 = arith.constant 32 : index
      %swap3A_1010 = tpu.vector_load %arg13[%swap3A_1009] {strides = array<i32>} : memref<128xi32, #tpu.memory_space<vmem>>, vector<16xi32>,
      tpu.vector_store %arg13[%swap3A_1009], %convert_element_type3A_1008 {strides = array<i32>} : memref<128xi32, #tpu.memory_space<vmem>>, vector<16xi32>,
      %add3A_1011 = arith.constant 48 : i32
      %add3A_1012 = vector.broadcast %add3A_1011 : i32 to vector<16xi32>
      %add3A_1013 = arith.addi %add3A_1012, %iota3A : vector<16xi32>
      %broadcast_in_dim3A_1014 = arith.constant 8 : i32
      %broadcast_in_dim3A_1015 = vector.broadcast %broadcast_in_dim3A_1014 : i32 to vector<16xi32>
      %gather3A_1016 = tpu.vector_load_idx %arg14[%add3A_1013, %broadcast_in_dim3A_1015] : memref<128x16xf32, #tpu.memory_space<vmem>>[vector<16xi32>, vector<16xi32>], vector<16xf32>,
      %convert_element_type3A_1017 = arith.fptosi %gather3A_1016 : vector<16xf32> to vector<16xi32>
      %swap3A_1018 = arith.constant 48 : index
      %swap3A_1019 = tpu.vector_load %arg13[%swap3A_1018] {strides = array<i32>} : memref<128xi32, #tpu.memory_space<vmem>>, vector<16xi32>,
      tpu.vector_store %arg13[%swap3A_1018], %convert_element_type3A_1017 {strides = array<i32>} : memref<128xi32, #tpu.memory_space<vmem>>, vector<16xi32>,
      %add3A_1020 = arith.constant 64 : i32
      %add3A_1021 = vector.broadcast %add3A_1020 : i32 to vector<16xi32>
      %add3A_1022 = arith.addi %add3A_1021, %iota3A : vector<16xi32>
      %broadcast_in_dim3A_1023 = arith.constant 8 : i32
      %broadcast_in_dim3A_1024 = vector.broadcast %broadcast_in_dim3A_1023 : i32 to vector<16xi32>
      %gather3A_1025 = tpu.vector_load_idx %arg14[%add3A_1022, %broadcast_in_dim3A_1024] : memref<128x16xf32, #tpu.memory_space<vmem>>[vector<16xi32>, vector<16xi32>], vector<16xf32>,
      %convert_element_type3A_1026 = arith.fptosi %gather3A_1025 : vector<16xf32> to vector<16xi32>
      %swap3A_1027 = arith.constant 64 : index
      %swap3A_1028 = tpu.vector_load %arg13[%swap3A_1027] {strides = array<i32>} : memref<128xi32, #tpu.memory_space<vmem>>, vector<16xi32>,
      tpu.vector_store %arg13[%swap3A_1027], %convert_element_type3A_1026 {strides = array<i32>} : memref<128xi32, #tpu.memory_space<vmem>>, vector<16xi32>,
      %add3A_1029 = arith.constant 80 : i32
      %add3A_1030 = vector.broadcast %add3A_1029 : i32 to vector<16xi32>
      %add3A_1031 = arith.addi %add3A_1030, %iota3A : vector<16xi32>
      %broadcast_in_dim3A_1032 = arith.constant 8 : i32
      %broadcast_in_dim3A_1033 = vector.broadcast %broadcast_in_dim3A_1032 : i32 to vector<16xi32>
      %gather3A_1034 = tpu.vector_load_idx %arg14[%add3A_1031, %broadcast_in_dim3A_1033] : memref<128x16xf32, #tpu.memory_space<vmem>>[vector<16xi32>, vector<16xi32>], vector<16xf32>,
      %convert_element_type3A_1035 = arith.fptosi %gather3A_1034 : vector<16xf32> to vector<16xi32>
      %swap3A_1036 = arith.constant 80 : index
      %swap3A_1037 = tpu.vector_load %arg13[%swap3A_1036] {strides = array<i32>} : memref<128xi32, #tpu.memory_space<vmem>>, vector<16xi32>,
      tpu.vector_store %arg13[%swap3A_1036], %convert_element_type3A_1035 {strides = array<i32>} : memref<128xi32, #tpu.memory_space<vmem>>, vector<16xi32>,
      %add3A_1038 = arith.constant 96 : i32
      %add3A_1039 = vector.broadcast %add3A_1038 : i32 to vector<16xi32>
      %add3A_1040 = arith.addi %add3A_1039, %iota3A : vector<16xi32>
      %broadcast_in_dim3A_1041 = arith.constant 8 : i32
      %broadcast_in_dim3A_1042 = vector.broadcast %broadcast_in_dim3A_1041 : i32 to vector<16xi32>
      %gather3A_1043 = tpu.vector_load_idx %arg14[%add3A_1040, %broadcast_in_dim3A_1042] : memref<128x16xf32, #tpu.memory_space<vmem>>[vector<16xi32>, vector<16xi32>], vector<16xf32>,
      %convert_element_type3A_1044 = arith.fptosi %gather3A_1043 : vector<16xf32> to vector<16xi32>
      %swap3A_1045 = arith.constant 96 : index
      %swap3A_1046 = tpu.vector_load %arg13[%swap3A_1045] {strides = array<i32>} : memref<128xi32, #tpu.memory_space<vmem>>, vector<16xi32>,
      tpu.vector_store %arg13[%swap3A_1045], %convert_element_type3A_1044 {strides = array<i32>} : memref<128xi32, #tpu.memory_space<vmem>>, vector<16xi32>,
      %add3A_1047 = arith.constant 112 : i32
      %add3A_1048 = vector.broadcast %add3A_1047 : i32 to vector<16xi32>
      %add3A_1049 = arith.addi %add3A_1048, %iota3A : vector<16xi32>
      %broadcast_in_dim3A_1050 = arith.constant 8 : i32
      %broadcast_in_dim3A_1051 = vector.broadcast %broadcast_in_dim3A_1050 : i32 to vector<16xi32>
      %gather3A_1052 = tpu.vector_load_idx %arg14[%add3A_1049, %broadcast_in_dim3A_1051] : memref<128x16xf32, #tpu.memory_space<vmem>>[vector<16xi32>, vector<16xi32>], vector<16xf32>,
      %convert_element_type3A_1053 = arith.fptosi %gather3A_1052 : vector<16xf32> to vector<16xi32>
      %swap3A_1054 = arith.constant 112 : index
      %swap3A_1055 = tpu.vector_load %arg13[%swap3A_1054] {strides = array<i32>} : memref<128xi32, #tpu.memory_space<vmem>>, vector<16xi32>,
      tpu.vector_store %arg13[%swap3A_1054], %convert_element_type3A_1053 {strides = array<i32>} : memref<128xi32, #tpu.memory_space<vmem>>, vector<16xi32>,
      %dma_start3A_1056 = arith.constant 0 : i32
      %dma_start3A_1057 = arith.constant 0 : i32
      %dma_start3A_1058 = tpu.memref_slice %arg4[%dma_start3A_1056, %dma_start3A_1057] : memref<128x8xf32, #tpu.memory_space<hbm>> -> memref<128x8xf32, #tpu.memory_space<hbm>>
      tpu.enqueue_indirect_dma source(%dma_start3A_1058 : memref<128x8xf32, #tpu.memory_space<hbm>>) target(%arg15 : memref<128x8xf32, #tpu.memory_space<vmem>>) offsets(%arg13 : memref<128xi32, #tpu.memory_space<vmem>>) semaphore(%arg18 : memref<!tpu.dma_semaphore, #tpu.memory_space<semaphore_mem>>)
      %dma_wait3A_1059 = arith.constant 0 : i32
      %dma_wait3A_1060 = arith.constant 0 : i32
      %dma_wait3A_1061 = tpu.memref_slice %arg4[%dma_wait3A_1059, %dma_wait3A_1060] : memref<128x8xf32, #tpu.memory_space<hbm>> -> memref<128x8xf32, #tpu.memory_space<hbm>>
      tpu.wait_indirect_dma semaphore(%arg18 : memref<!tpu.dma_semaphore, #tpu.memory_space<semaphore_mem>>) src(%dma_wait3A_1061 : memref<128x8xf32, #tpu.memory_space<hbm>>) dst(%arg15 : memref<128x8xf32, #tpu.memory_space<vmem>>)
      "tpu.region"() ({
        %run_scoped3A = tpu.sem_alloc : memref<!tpu.dma_semaphore, #tpu.memory_space<semaphore_mem>>
        tpu.enqueue_dma source(%arg14 : memref<128x16xf32, #tpu.memory_space<vmem>>) target(%arg5 : memref<128x16xf32, #tpu.memory_space<hbm>>) target_semaphore(%run_scoped3A : memref<!tpu.dma_semaphore, #tpu.memory_space<semaphore_mem>>)
        tpu.wait_dma2 semaphore(%run_scoped3A : memref<!tpu.dma_semaphore, #tpu.memory_space<semaphore_mem>>) src(%arg14 : memref<128x16xf32, #tpu.memory_space<vmem>>) dst(%arg5 : memref<128x16xf32, #tpu.memory_space<hbm>>)
        tpu.yield
      }) : () -> ()
      "tpu.region"() ({
        %run_scoped3A = tpu.sem_alloc : memref<!tpu.dma_semaphore, #tpu.memory_space<semaphore_mem>>
        tpu.enqueue_dma source(%arg15 : memref<128x8xf32, #tpu.memory_space<vmem>>) target(%arg6 : memref<128x8xf32, #tpu.memory_space<hbm>>) target_semaphore(%run_scoped3A : memref<!tpu.dma_semaphore, #tpu.memory_space<semaphore_mem>>)
        tpu.wait_dma2 semaphore(%run_scoped3A : memref<!tpu.dma_semaphore, #tpu.memory_space<semaphore_mem>>) src(%arg15 : memref<128x8xf32, #tpu.memory_space<vmem>>) dst(%arg6 : memref<128x8xf32, #tpu.memory_space<hbm>>)
        tpu.yield
      }) : () -> ()
    } else {
    }
    return
  }
}

module attributes {stable_mosaic.version = 14 : i64} {
  func.func @_iou_kern(%arg0: memref<8x20480xf32, #tpu.memory_space<vmem>>, %arg1: memref<128x6xf32, #tpu.memory_space<vmem>>, %arg2: memref<10x2048xf32, #tpu.memory_space<vmem>>, %arg3: memref<10x2048xf32, #tpu.memory_space<vmem>>) attributes {dimension_semantics = [], scalar_prefetch = 0 : i64, scratch_operands = 0 : i64, tpu.core_type = #tpu.core_type<tc>} {
    %get3A = arith.constant 0 : index
    %get3A_0 = arith.constant 0 : index
    %get3A_1 = vector.load %arg1[%get3A, %get3A_0] : memref<128x6xf32, #tpu.memory_space<vmem>>, vector<128x1xf32>
    %get3A_2 = arith.constant 0 : index
    %get3A_3 = arith.constant 1 : index
    %get3A_4 = vector.load %arg1[%get3A_2, %get3A_3] : memref<128x6xf32, #tpu.memory_space<vmem>>, vector<128x1xf32>
    %get3A_5 = arith.constant 0 : index
    %get3A_6 = arith.constant 2 : index
    %get3A_7 = vector.load %arg1[%get3A_5, %get3A_6] : memref<128x6xf32, #tpu.memory_space<vmem>>, vector<128x1xf32>
    %get3A_8 = arith.constant 0 : index
    %get3A_9 = arith.constant 3 : index
    %get3A_10 = vector.load %arg1[%get3A_8, %get3A_9] : memref<128x6xf32, #tpu.memory_space<vmem>>, vector<128x1xf32>
    %sub3A = arith.subf %get3A_7, %get3A_1 : vector<128x1xf32>
    %add3A = arith.constant 1.000000e+00 : f32
    %add3A_11 = vector.broadcast %add3A : f32 to vector<128x1xf32>
    %add3A_12 = arith.addf %sub3A, %add3A_11 : vector<128x1xf32>
    %sub3A_13 = arith.subf %get3A_10, %get3A_4 : vector<128x1xf32>
    %add3A_14 = arith.constant 1.000000e+00 : f32
    %add3A_15 = vector.broadcast %add3A_14 : f32 to vector<128x1xf32>
    %add3A_16 = arith.addf %sub3A_13, %add3A_15 : vector<128x1xf32>
    %mul3A = arith.mulf %add3A_12, %add3A_16 : vector<128x1xf32>
    %get3A_17 = arith.constant 1 : index
    %get3A_18 = arith.constant 0 : index
    %get3A_19 = vector.load %arg0[%get3A_17, %get3A_18] : memref<8x20480xf32, #tpu.memory_space<vmem>>, vector<1x2048xf32>
    %get3A_20 = arith.constant 2 : index
    %get3A_21 = arith.constant 0 : index
    %get3A_22 = vector.load %arg0[%get3A_20, %get3A_21] : memref<8x20480xf32, #tpu.memory_space<vmem>>, vector<1x2048xf32>
    %get3A_23 = arith.constant 3 : index
    %get3A_24 = arith.constant 0 : index
    %get3A_25 = vector.load %arg0[%get3A_23, %get3A_24] : memref<8x20480xf32, #tpu.memory_space<vmem>>, vector<1x2048xf32>
    %get3A_26 = arith.constant 4 : index
    %get3A_27 = arith.constant 0 : index
    %get3A_28 = vector.load %arg0[%get3A_26, %get3A_27] : memref<8x20480xf32, #tpu.memory_space<vmem>>, vector<1x2048xf32>
    %sub3A_29 = arith.subf %get3A_25, %get3A_19 : vector<1x2048xf32>
    %add3A_30 = arith.constant 1.000000e+00 : f32
    %add3A_31 = vector.broadcast %add3A_30 : f32 to vector<1x2048xf32>
    %add3A_32 = arith.addf %sub3A_29, %add3A_31 : vector<1x2048xf32>
    %sub3A_33 = arith.subf %get3A_28, %get3A_22 : vector<1x2048xf32>
    %add3A_34 = arith.constant 1.000000e+00 : f32
    %add3A_35 = vector.broadcast %add3A_34 : f32 to vector<1x2048xf32>
    %add3A_36 = arith.addf %sub3A_33, %add3A_35 : vector<1x2048xf32>
    %mul3A_37 = arith.mulf %add3A_32, %add3A_36 : vector<1x2048xf32>
    %min3A = vector.broadcast %get3A_25 : vector<1x2048xf32> to vector<128x2048xf32>
    %min3A_38 = vector.broadcast %get3A_7 : vector<128x1xf32> to vector<128x2048xf32>
    %min3A_39 = arith.minimumf %min3A, %min3A_38 : vector<128x2048xf32>
    %max3A = vector.broadcast %get3A_19 : vector<1x2048xf32> to vector<128x2048xf32>
    %max3A_40 = vector.broadcast %get3A_1 : vector<128x1xf32> to vector<128x2048xf32>
    %max3A_41 = arith.maximumf %max3A, %max3A_40 : vector<128x2048xf32>
    %sub3A_42 = arith.subf %min3A_39, %max3A_41 : vector<128x2048xf32>
    %add3A_43 = arith.constant 1.000000e+00 : f32
    %add3A_44 = vector.broadcast %add3A_43 : f32 to vector<128x2048xf32>
    %add3A_45 = arith.addf %sub3A_42, %add3A_44 : vector<128x2048xf32>
    %max3A_46 = arith.constant 0.000000e+00 : f32
    %max3A_47 = vector.broadcast %max3A_46 : f32 to vector<128x2048xf32>
    %max3A_48 = arith.maximumf %add3A_45, %max3A_47 : vector<128x2048xf32>
    %min3A_49 = vector.broadcast %get3A_28 : vector<1x2048xf32> to vector<128x2048xf32>
    %min3A_50 = vector.broadcast %get3A_10 : vector<128x1xf32> to vector<128x2048xf32>
    %min3A_51 = arith.minimumf %min3A_49, %min3A_50 : vector<128x2048xf32>
    %max3A_52 = vector.broadcast %get3A_22 : vector<1x2048xf32> to vector<128x2048xf32>
    %max3A_53 = vector.broadcast %get3A_4 : vector<128x1xf32> to vector<128x2048xf32>
    %max3A_54 = arith.maximumf %max3A_52, %max3A_53 : vector<128x2048xf32>
    %sub3A_55 = arith.subf %min3A_51, %max3A_54 : vector<128x2048xf32>
    %add3A_56 = arith.constant 1.000000e+00 : f32
    %add3A_57 = vector.broadcast %add3A_56 : f32 to vector<128x2048xf32>
    %add3A_58 = arith.addf %sub3A_55, %add3A_57 : vector<128x2048xf32>
    %max3A_59 = arith.constant 0.000000e+00 : f32
    %max3A_60 = vector.broadcast %max3A_59 : f32 to vector<128x2048xf32>
    %max3A_61 = arith.maximumf %add3A_58, %max3A_60 : vector<128x2048xf32>
    %mul3A_62 = arith.mulf %max3A_48, %max3A_61 : vector<128x2048xf32>
    %add3A_63 = vector.broadcast %mul3A_37 : vector<1x2048xf32> to vector<128x2048xf32>
    %add3A_64 = vector.broadcast %mul3A : vector<128x1xf32> to vector<128x2048xf32>
    %add3A_65 = arith.addf %add3A_63, %add3A_64 : vector<128x2048xf32>
    %sub3A_66 = arith.subf %add3A_65, %mul3A_62 : vector<128x2048xf32>
    %div3A = arith.divf %mul3A_62, %sub3A_66 : vector<128x2048xf32>
    %reduce_max3A = arith.constant dense<0xFF800000> : vector<2048xf32>
    %reduce_max3A_67 = vector.multi_reduction <maximumf>, %div3A, %reduce_max3A [0] : vector<128x2048xf32> to vector<2048xf32>
    %broadcast_in_dim3A = vector.shape_cast %reduce_max3A_67 : vector<2048xf32> to vector<1x2048xf32>
    %swap3A = arith.constant 0 : index
    %swap3A_68 = arith.constant 0 : index
    %swap3A_69 = vector.load %arg2[%swap3A, %swap3A_68] : memref<10x2048xf32, #tpu.memory_space<vmem>>, vector<1x2048xf32>
    tpu.vector_store %arg2[%swap3A, %swap3A_68], %broadcast_in_dim3A {strides = array<i32>} : memref<10x2048xf32, #tpu.memory_space<vmem>>, vector<1x2048xf32>,
    %argmax3A = tpu.reduce_index %div3A {axis = 0 : i32, kind = #tpu.reduction_kind<arg_max>} : vector<128x2048xf32> -> vector<2048xi32>
    %broadcast_in_dim3A_70 = vector.shape_cast %argmax3A : vector<2048xi32> to vector<1x2048xi32>
    %convert_element_type3A = arith.sitofp %broadcast_in_dim3A_70 : vector<1x2048xi32> to vector<1x2048xf32>
    %swap3A_71 = arith.constant 0 : index
    %swap3A_72 = arith.constant 0 : index
    %swap3A_73 = vector.load %arg3[%swap3A_71, %swap3A_72] : memref<10x2048xf32, #tpu.memory_space<vmem>>, vector<1x2048xf32>
    tpu.vector_store %arg3[%swap3A_71, %swap3A_72], %convert_element_type3A {strides = array<i32>} : memref<10x2048xf32, #tpu.memory_space<vmem>>, vector<1x2048xf32>,
    %get3A_74 = arith.constant 1 : index
    %get3A_75 = arith.constant 2048 : index
    %get3A_76 = vector.load %arg0[%get3A_74, %get3A_75] : memref<8x20480xf32, #tpu.memory_space<vmem>>, vector<1x2048xf32>
    %get3A_77 = arith.constant 2 : index
    %get3A_78 = arith.constant 2048 : index
    %get3A_79 = vector.load %arg0[%get3A_77, %get3A_78] : memref<8x20480xf32, #tpu.memory_space<vmem>>, vector<1x2048xf32>
    %get3A_80 = arith.constant 3 : index
    %get3A_81 = arith.constant 2048 : index
    %get3A_82 = vector.load %arg0[%get3A_80, %get3A_81] : memref<8x20480xf32, #tpu.memory_space<vmem>>, vector<1x2048xf32>
    %get3A_83 = arith.constant 4 : index
    %get3A_84 = arith.constant 2048 : index
    %get3A_85 = vector.load %arg0[%get3A_83, %get3A_84] : memref<8x20480xf32, #tpu.memory_space<vmem>>, vector<1x2048xf32>
    %sub3A_86 = arith.subf %get3A_82, %get3A_76 : vector<1x2048xf32>
    %add3A_87 = arith.constant 1.000000e+00 : f32
    %add3A_88 = vector.broadcast %add3A_87 : f32 to vector<1x2048xf32>
    %add3A_89 = arith.addf %sub3A_86, %add3A_88 : vector<1x2048xf32>
    %sub3A_90 = arith.subf %get3A_85, %get3A_79 : vector<1x2048xf32>
    %add3A_91 = arith.constant 1.000000e+00 : f32
    %add3A_92 = vector.broadcast %add3A_91 : f32 to vector<1x2048xf32>
    %add3A_93 = arith.addf %sub3A_90, %add3A_92 : vector<1x2048xf32>
    %mul3A_94 = arith.mulf %add3A_89, %add3A_93 : vector<1x2048xf32>
    %min3A_95 = vector.broadcast %get3A_82 : vector<1x2048xf32> to vector<128x2048xf32>
    %min3A_96 = vector.broadcast %get3A_7 : vector<128x1xf32> to vector<128x2048xf32>
    %min3A_97 = arith.minimumf %min3A_95, %min3A_96 : vector<128x2048xf32>
    %max3A_98 = vector.broadcast %get3A_76 : vector<1x2048xf32> to vector<128x2048xf32>
    %max3A_99 = vector.broadcast %get3A_1 : vector<128x1xf32> to vector<128x2048xf32>
    %max3A_100 = arith.maximumf %max3A_98, %max3A_99 : vector<128x2048xf32>
    %sub3A_101 = arith.subf %min3A_97, %max3A_100 : vector<128x2048xf32>
    %add3A_102 = arith.constant 1.000000e+00 : f32
    %add3A_103 = vector.broadcast %add3A_102 : f32 to vector<128x2048xf32>
    %add3A_104 = arith.addf %sub3A_101, %add3A_103 : vector<128x2048xf32>
    %max3A_105 = arith.constant 0.000000e+00 : f32
    %max3A_106 = vector.broadcast %max3A_105 : f32 to vector<128x2048xf32>
    %max3A_107 = arith.maximumf %add3A_104, %max3A_106 : vector<128x2048xf32>
    %min3A_108 = vector.broadcast %get3A_85 : vector<1x2048xf32> to vector<128x2048xf32>
    %min3A_109 = vector.broadcast %get3A_10 : vector<128x1xf32> to vector<128x2048xf32>
    %min3A_110 = arith.minimumf %min3A_108, %min3A_109 : vector<128x2048xf32>
    %max3A_111 = vector.broadcast %get3A_79 : vector<1x2048xf32> to vector<128x2048xf32>
    %max3A_112 = vector.broadcast %get3A_4 : vector<128x1xf32> to vector<128x2048xf32>
    %max3A_113 = arith.maximumf %max3A_111, %max3A_112 : vector<128x2048xf32>
    %sub3A_114 = arith.subf %min3A_110, %max3A_113 : vector<128x2048xf32>
    %add3A_115 = arith.constant 1.000000e+00 : f32
    %add3A_116 = vector.broadcast %add3A_115 : f32 to vector<128x2048xf32>
    %add3A_117 = arith.addf %sub3A_114, %add3A_116 : vector<128x2048xf32>
    %max3A_118 = arith.constant 0.000000e+00 : f32
    %max3A_119 = vector.broadcast %max3A_118 : f32 to vector<128x2048xf32>
    %max3A_120 = arith.maximumf %add3A_117, %max3A_119 : vector<128x2048xf32>
    %mul3A_121 = arith.mulf %max3A_107, %max3A_120 : vector<128x2048xf32>
    %add3A_122 = vector.broadcast %mul3A_94 : vector<1x2048xf32> to vector<128x2048xf32>
    %add3A_123 = vector.broadcast %mul3A : vector<128x1xf32> to vector<128x2048xf32>
    %add3A_124 = arith.addf %add3A_122, %add3A_123 : vector<128x2048xf32>
    %sub3A_125 = arith.subf %add3A_124, %mul3A_121 : vector<128x2048xf32>
    %div3A_126 = arith.divf %mul3A_121, %sub3A_125 : vector<128x2048xf32>
    %reduce_max3A_127 = arith.constant dense<0xFF800000> : vector<2048xf32>
    %reduce_max3A_128 = vector.multi_reduction <maximumf>, %div3A_126, %reduce_max3A_127 [0] : vector<128x2048xf32> to vector<2048xf32>
    %broadcast_in_dim3A_129 = vector.shape_cast %reduce_max3A_128 : vector<2048xf32> to vector<1x2048xf32>
    %swap3A_130 = arith.constant 1 : index
    %swap3A_131 = arith.constant 0 : index
    %swap3A_132 = vector.load %arg2[%swap3A_130, %swap3A_131] : memref<10x2048xf32, #tpu.memory_space<vmem>>, vector<1x2048xf32>
    tpu.vector_store %arg2[%swap3A_130, %swap3A_131], %broadcast_in_dim3A_129 {strides = array<i32>} : memref<10x2048xf32, #tpu.memory_space<vmem>>, vector<1x2048xf32>,
    %argmax3A_133 = tpu.reduce_index %div3A_126 {axis = 0 : i32, kind = #tpu.reduction_kind<arg_max>} : vector<128x2048xf32> -> vector<2048xi32>
    %broadcast_in_dim3A_134 = vector.shape_cast %argmax3A_133 : vector<2048xi32> to vector<1x2048xi32>
    %convert_element_type3A_135 = arith.sitofp %broadcast_in_dim3A_134 : vector<1x2048xi32> to vector<1x2048xf32>
    %swap3A_136 = arith.constant 1 : index
    %swap3A_137 = arith.constant 0 : index
    %swap3A_138 = vector.load %arg3[%swap3A_136, %swap3A_137] : memref<10x2048xf32, #tpu.memory_space<vmem>>, vector<1x2048xf32>
    tpu.vector_store %arg3[%swap3A_136, %swap3A_137], %convert_element_type3A_135 {strides = array<i32>} : memref<10x2048xf32, #tpu.memory_space<vmem>>, vector<1x2048xf32>,
    %get3A_139 = arith.constant 1 : index
    %get3A_140 = arith.constant 4096 : index
    %get3A_141 = vector.load %arg0[%get3A_139, %get3A_140] : memref<8x20480xf32, #tpu.memory_space<vmem>>, vector<1x2048xf32>
    %get3A_142 = arith.constant 2 : index
    %get3A_143 = arith.constant 4096 : index
    %get3A_144 = vector.load %arg0[%get3A_142, %get3A_143] : memref<8x20480xf32, #tpu.memory_space<vmem>>, vector<1x2048xf32>
    %get3A_145 = arith.constant 3 : index
    %get3A_146 = arith.constant 4096 : index
    %get3A_147 = vector.load %arg0[%get3A_145, %get3A_146] : memref<8x20480xf32, #tpu.memory_space<vmem>>, vector<1x2048xf32>
    %get3A_148 = arith.constant 4 : index
    %get3A_149 = arith.constant 4096 : index
    %get3A_150 = vector.load %arg0[%get3A_148, %get3A_149] : memref<8x20480xf32, #tpu.memory_space<vmem>>, vector<1x2048xf32>
    %sub3A_151 = arith.subf %get3A_147, %get3A_141 : vector<1x2048xf32>
    %add3A_152 = arith.constant 1.000000e+00 : f32
    %add3A_153 = vector.broadcast %add3A_152 : f32 to vector<1x2048xf32>
    %add3A_154 = arith.addf %sub3A_151, %add3A_153 : vector<1x2048xf32>
    %sub3A_155 = arith.subf %get3A_150, %get3A_144 : vector<1x2048xf32>
    %add3A_156 = arith.constant 1.000000e+00 : f32
    %add3A_157 = vector.broadcast %add3A_156 : f32 to vector<1x2048xf32>
    %add3A_158 = arith.addf %sub3A_155, %add3A_157 : vector<1x2048xf32>
    %mul3A_159 = arith.mulf %add3A_154, %add3A_158 : vector<1x2048xf32>
    %min3A_160 = vector.broadcast %get3A_147 : vector<1x2048xf32> to vector<128x2048xf32>
    %min3A_161 = vector.broadcast %get3A_7 : vector<128x1xf32> to vector<128x2048xf32>
    %min3A_162 = arith.minimumf %min3A_160, %min3A_161 : vector<128x2048xf32>
    %max3A_163 = vector.broadcast %get3A_141 : vector<1x2048xf32> to vector<128x2048xf32>
    %max3A_164 = vector.broadcast %get3A_1 : vector<128x1xf32> to vector<128x2048xf32>
    %max3A_165 = arith.maximumf %max3A_163, %max3A_164 : vector<128x2048xf32>
    %sub3A_166 = arith.subf %min3A_162, %max3A_165 : vector<128x2048xf32>
    %add3A_167 = arith.constant 1.000000e+00 : f32
    %add3A_168 = vector.broadcast %add3A_167 : f32 to vector<128x2048xf32>
    %add3A_169 = arith.addf %sub3A_166, %add3A_168 : vector<128x2048xf32>
    %max3A_170 = arith.constant 0.000000e+00 : f32
    %max3A_171 = vector.broadcast %max3A_170 : f32 to vector<128x2048xf32>
    %max3A_172 = arith.maximumf %add3A_169, %max3A_171 : vector<128x2048xf32>
    %min3A_173 = vector.broadcast %get3A_150 : vector<1x2048xf32> to vector<128x2048xf32>
    %min3A_174 = vector.broadcast %get3A_10 : vector<128x1xf32> to vector<128x2048xf32>
    %min3A_175 = arith.minimumf %min3A_173, %min3A_174 : vector<128x2048xf32>
    %max3A_176 = vector.broadcast %get3A_144 : vector<1x2048xf32> to vector<128x2048xf32>
    %max3A_177 = vector.broadcast %get3A_4 : vector<128x1xf32> to vector<128x2048xf32>
    %max3A_178 = arith.maximumf %max3A_176, %max3A_177 : vector<128x2048xf32>
    %sub3A_179 = arith.subf %min3A_175, %max3A_178 : vector<128x2048xf32>
    %add3A_180 = arith.constant 1.000000e+00 : f32
    %add3A_181 = vector.broadcast %add3A_180 : f32 to vector<128x2048xf32>
    %add3A_182 = arith.addf %sub3A_179, %add3A_181 : vector<128x2048xf32>
    %max3A_183 = arith.constant 0.000000e+00 : f32
    %max3A_184 = vector.broadcast %max3A_183 : f32 to vector<128x2048xf32>
    %max3A_185 = arith.maximumf %add3A_182, %max3A_184 : vector<128x2048xf32>
    %mul3A_186 = arith.mulf %max3A_172, %max3A_185 : vector<128x2048xf32>
    %add3A_187 = vector.broadcast %mul3A_159 : vector<1x2048xf32> to vector<128x2048xf32>
    %add3A_188 = vector.broadcast %mul3A : vector<128x1xf32> to vector<128x2048xf32>
    %add3A_189 = arith.addf %add3A_187, %add3A_188 : vector<128x2048xf32>
    %sub3A_190 = arith.subf %add3A_189, %mul3A_186 : vector<128x2048xf32>
    %div3A_191 = arith.divf %mul3A_186, %sub3A_190 : vector<128x2048xf32>
    %reduce_max3A_192 = arith.constant dense<0xFF800000> : vector<2048xf32>
    %reduce_max3A_193 = vector.multi_reduction <maximumf>, %div3A_191, %reduce_max3A_192 [0] : vector<128x2048xf32> to vector<2048xf32>
    %broadcast_in_dim3A_194 = vector.shape_cast %reduce_max3A_193 : vector<2048xf32> to vector<1x2048xf32>
    %swap3A_195 = arith.constant 2 : index
    %swap3A_196 = arith.constant 0 : index
    %swap3A_197 = vector.load %arg2[%swap3A_195, %swap3A_196] : memref<10x2048xf32, #tpu.memory_space<vmem>>, vector<1x2048xf32>
    tpu.vector_store %arg2[%swap3A_195, %swap3A_196], %broadcast_in_dim3A_194 {strides = array<i32>} : memref<10x2048xf32, #tpu.memory_space<vmem>>, vector<1x2048xf32>,
    %argmax3A_198 = tpu.reduce_index %div3A_191 {axis = 0 : i32, kind = #tpu.reduction_kind<arg_max>} : vector<128x2048xf32> -> vector<2048xi32>
    %broadcast_in_dim3A_199 = vector.shape_cast %argmax3A_198 : vector<2048xi32> to vector<1x2048xi32>
    %convert_element_type3A_200 = arith.sitofp %broadcast_in_dim3A_199 : vector<1x2048xi32> to vector<1x2048xf32>
    %swap3A_201 = arith.constant 2 : index
    %swap3A_202 = arith.constant 0 : index
    %swap3A_203 = vector.load %arg3[%swap3A_201, %swap3A_202] : memref<10x2048xf32, #tpu.memory_space<vmem>>, vector<1x2048xf32>
    tpu.vector_store %arg3[%swap3A_201, %swap3A_202], %convert_element_type3A_200 {strides = array<i32>} : memref<10x2048xf32, #tpu.memory_space<vmem>>, vector<1x2048xf32>,
    %get3A_204 = arith.constant 1 : index
    %get3A_205 = arith.constant 6144 : index
    %get3A_206 = vector.load %arg0[%get3A_204, %get3A_205] : memref<8x20480xf32, #tpu.memory_space<vmem>>, vector<1x2048xf32>
    %get3A_207 = arith.constant 2 : index
    %get3A_208 = arith.constant 6144 : index
    %get3A_209 = vector.load %arg0[%get3A_207, %get3A_208] : memref<8x20480xf32, #tpu.memory_space<vmem>>, vector<1x2048xf32>
    %get3A_210 = arith.constant 3 : index
    %get3A_211 = arith.constant 6144 : index
    %get3A_212 = vector.load %arg0[%get3A_210, %get3A_211] : memref<8x20480xf32, #tpu.memory_space<vmem>>, vector<1x2048xf32>
    %get3A_213 = arith.constant 4 : index
    %get3A_214 = arith.constant 6144 : index
    %get3A_215 = vector.load %arg0[%get3A_213, %get3A_214] : memref<8x20480xf32, #tpu.memory_space<vmem>>, vector<1x2048xf32>
    %sub3A_216 = arith.subf %get3A_212, %get3A_206 : vector<1x2048xf32>
    %add3A_217 = arith.constant 1.000000e+00 : f32
    %add3A_218 = vector.broadcast %add3A_217 : f32 to vector<1x2048xf32>
    %add3A_219 = arith.addf %sub3A_216, %add3A_218 : vector<1x2048xf32>
    %sub3A_220 = arith.subf %get3A_215, %get3A_209 : vector<1x2048xf32>
    %add3A_221 = arith.constant 1.000000e+00 : f32
    %add3A_222 = vector.broadcast %add3A_221 : f32 to vector<1x2048xf32>
    %add3A_223 = arith.addf %sub3A_220, %add3A_222 : vector<1x2048xf32>
    %mul3A_224 = arith.mulf %add3A_219, %add3A_223 : vector<1x2048xf32>
    %min3A_225 = vector.broadcast %get3A_212 : vector<1x2048xf32> to vector<128x2048xf32>
    %min3A_226 = vector.broadcast %get3A_7 : vector<128x1xf32> to vector<128x2048xf32>
    %min3A_227 = arith.minimumf %min3A_225, %min3A_226 : vector<128x2048xf32>
    %max3A_228 = vector.broadcast %get3A_206 : vector<1x2048xf32> to vector<128x2048xf32>
    %max3A_229 = vector.broadcast %get3A_1 : vector<128x1xf32> to vector<128x2048xf32>
    %max3A_230 = arith.maximumf %max3A_228, %max3A_229 : vector<128x2048xf32>
    %sub3A_231 = arith.subf %min3A_227, %max3A_230 : vector<128x2048xf32>
    %add3A_232 = arith.constant 1.000000e+00 : f32
    %add3A_233 = vector.broadcast %add3A_232 : f32 to vector<128x2048xf32>
    %add3A_234 = arith.addf %sub3A_231, %add3A_233 : vector<128x2048xf32>
    %max3A_235 = arith.constant 0.000000e+00 : f32
    %max3A_236 = vector.broadcast %max3A_235 : f32 to vector<128x2048xf32>
    %max3A_237 = arith.maximumf %add3A_234, %max3A_236 : vector<128x2048xf32>
    %min3A_238 = vector.broadcast %get3A_215 : vector<1x2048xf32> to vector<128x2048xf32>
    %min3A_239 = vector.broadcast %get3A_10 : vector<128x1xf32> to vector<128x2048xf32>
    %min3A_240 = arith.minimumf %min3A_238, %min3A_239 : vector<128x2048xf32>
    %max3A_241 = vector.broadcast %get3A_209 : vector<1x2048xf32> to vector<128x2048xf32>
    %max3A_242 = vector.broadcast %get3A_4 : vector<128x1xf32> to vector<128x2048xf32>
    %max3A_243 = arith.maximumf %max3A_241, %max3A_242 : vector<128x2048xf32>
    %sub3A_244 = arith.subf %min3A_240, %max3A_243 : vector<128x2048xf32>
    %add3A_245 = arith.constant 1.000000e+00 : f32
    %add3A_246 = vector.broadcast %add3A_245 : f32 to vector<128x2048xf32>
    %add3A_247 = arith.addf %sub3A_244, %add3A_246 : vector<128x2048xf32>
    %max3A_248 = arith.constant 0.000000e+00 : f32
    %max3A_249 = vector.broadcast %max3A_248 : f32 to vector<128x2048xf32>
    %max3A_250 = arith.maximumf %add3A_247, %max3A_249 : vector<128x2048xf32>
    %mul3A_251 = arith.mulf %max3A_237, %max3A_250 : vector<128x2048xf32>
    %add3A_252 = vector.broadcast %mul3A_224 : vector<1x2048xf32> to vector<128x2048xf32>
    %add3A_253 = vector.broadcast %mul3A : vector<128x1xf32> to vector<128x2048xf32>
    %add3A_254 = arith.addf %add3A_252, %add3A_253 : vector<128x2048xf32>
    %sub3A_255 = arith.subf %add3A_254, %mul3A_251 : vector<128x2048xf32>
    %div3A_256 = arith.divf %mul3A_251, %sub3A_255 : vector<128x2048xf32>
    %reduce_max3A_257 = arith.constant dense<0xFF800000> : vector<2048xf32>
    %reduce_max3A_258 = vector.multi_reduction <maximumf>, %div3A_256, %reduce_max3A_257 [0] : vector<128x2048xf32> to vector<2048xf32>
    %broadcast_in_dim3A_259 = vector.shape_cast %reduce_max3A_258 : vector<2048xf32> to vector<1x2048xf32>
    %swap3A_260 = arith.constant 3 : index
    %swap3A_261 = arith.constant 0 : index
    %swap3A_262 = vector.load %arg2[%swap3A_260, %swap3A_261] : memref<10x2048xf32, #tpu.memory_space<vmem>>, vector<1x2048xf32>
    tpu.vector_store %arg2[%swap3A_260, %swap3A_261], %broadcast_in_dim3A_259 {strides = array<i32>} : memref<10x2048xf32, #tpu.memory_space<vmem>>, vector<1x2048xf32>,
    %argmax3A_263 = tpu.reduce_index %div3A_256 {axis = 0 : i32, kind = #tpu.reduction_kind<arg_max>} : vector<128x2048xf32> -> vector<2048xi32>
    %broadcast_in_dim3A_264 = vector.shape_cast %argmax3A_263 : vector<2048xi32> to vector<1x2048xi32>
    %convert_element_type3A_265 = arith.sitofp %broadcast_in_dim3A_264 : vector<1x2048xi32> to vector<1x2048xf32>
    %swap3A_266 = arith.constant 3 : index
    %swap3A_267 = arith.constant 0 : index
    %swap3A_268 = vector.load %arg3[%swap3A_266, %swap3A_267] : memref<10x2048xf32, #tpu.memory_space<vmem>>, vector<1x2048xf32>
    tpu.vector_store %arg3[%swap3A_266, %swap3A_267], %convert_element_type3A_265 {strides = array<i32>} : memref<10x2048xf32, #tpu.memory_space<vmem>>, vector<1x2048xf32>,
    %get3A_269 = arith.constant 1 : index
    %get3A_270 = arith.constant 8192 : index
    %get3A_271 = vector.load %arg0[%get3A_269, %get3A_270] : memref<8x20480xf32, #tpu.memory_space<vmem>>, vector<1x2048xf32>
    %get3A_272 = arith.constant 2 : index
    %get3A_273 = arith.constant 8192 : index
    %get3A_274 = vector.load %arg0[%get3A_272, %get3A_273] : memref<8x20480xf32, #tpu.memory_space<vmem>>, vector<1x2048xf32>
    %get3A_275 = arith.constant 3 : index
    %get3A_276 = arith.constant 8192 : index
    %get3A_277 = vector.load %arg0[%get3A_275, %get3A_276] : memref<8x20480xf32, #tpu.memory_space<vmem>>, vector<1x2048xf32>
    %get3A_278 = arith.constant 4 : index
    %get3A_279 = arith.constant 8192 : index
    %get3A_280 = vector.load %arg0[%get3A_278, %get3A_279] : memref<8x20480xf32, #tpu.memory_space<vmem>>, vector<1x2048xf32>
    %sub3A_281 = arith.subf %get3A_277, %get3A_271 : vector<1x2048xf32>
    %add3A_282 = arith.constant 1.000000e+00 : f32
    %add3A_283 = vector.broadcast %add3A_282 : f32 to vector<1x2048xf32>
    %add3A_284 = arith.addf %sub3A_281, %add3A_283 : vector<1x2048xf32>
    %sub3A_285 = arith.subf %get3A_280, %get3A_274 : vector<1x2048xf32>
    %add3A_286 = arith.constant 1.000000e+00 : f32
    %add3A_287 = vector.broadcast %add3A_286 : f32 to vector<1x2048xf32>
    %add3A_288 = arith.addf %sub3A_285, %add3A_287 : vector<1x2048xf32>
    %mul3A_289 = arith.mulf %add3A_284, %add3A_288 : vector<1x2048xf32>
    %min3A_290 = vector.broadcast %get3A_277 : vector<1x2048xf32> to vector<128x2048xf32>
    %min3A_291 = vector.broadcast %get3A_7 : vector<128x1xf32> to vector<128x2048xf32>
    %min3A_292 = arith.minimumf %min3A_290, %min3A_291 : vector<128x2048xf32>
    %max3A_293 = vector.broadcast %get3A_271 : vector<1x2048xf32> to vector<128x2048xf32>
    %max3A_294 = vector.broadcast %get3A_1 : vector<128x1xf32> to vector<128x2048xf32>
    %max3A_295 = arith.maximumf %max3A_293, %max3A_294 : vector<128x2048xf32>
    %sub3A_296 = arith.subf %min3A_292, %max3A_295 : vector<128x2048xf32>
    %add3A_297 = arith.constant 1.000000e+00 : f32
    %add3A_298 = vector.broadcast %add3A_297 : f32 to vector<128x2048xf32>
    %add3A_299 = arith.addf %sub3A_296, %add3A_298 : vector<128x2048xf32>
    %max3A_300 = arith.constant 0.000000e+00 : f32
    %max3A_301 = vector.broadcast %max3A_300 : f32 to vector<128x2048xf32>
    %max3A_302 = arith.maximumf %add3A_299, %max3A_301 : vector<128x2048xf32>
    %min3A_303 = vector.broadcast %get3A_280 : vector<1x2048xf32> to vector<128x2048xf32>
    %min3A_304 = vector.broadcast %get3A_10 : vector<128x1xf32> to vector<128x2048xf32>
    %min3A_305 = arith.minimumf %min3A_303, %min3A_304 : vector<128x2048xf32>
    %max3A_306 = vector.broadcast %get3A_274 : vector<1x2048xf32> to vector<128x2048xf32>
    %max3A_307 = vector.broadcast %get3A_4 : vector<128x1xf32> to vector<128x2048xf32>
    %max3A_308 = arith.maximumf %max3A_306, %max3A_307 : vector<128x2048xf32>
    %sub3A_309 = arith.subf %min3A_305, %max3A_308 : vector<128x2048xf32>
    %add3A_310 = arith.constant 1.000000e+00 : f32
    %add3A_311 = vector.broadcast %add3A_310 : f32 to vector<128x2048xf32>
    %add3A_312 = arith.addf %sub3A_309, %add3A_311 : vector<128x2048xf32>
    %max3A_313 = arith.constant 0.000000e+00 : f32
    %max3A_314 = vector.broadcast %max3A_313 : f32 to vector<128x2048xf32>
    %max3A_315 = arith.maximumf %add3A_312, %max3A_314 : vector<128x2048xf32>
    %mul3A_316 = arith.mulf %max3A_302, %max3A_315 : vector<128x2048xf32>
    %add3A_317 = vector.broadcast %mul3A_289 : vector<1x2048xf32> to vector<128x2048xf32>
    %add3A_318 = vector.broadcast %mul3A : vector<128x1xf32> to vector<128x2048xf32>
    %add3A_319 = arith.addf %add3A_317, %add3A_318 : vector<128x2048xf32>
    %sub3A_320 = arith.subf %add3A_319, %mul3A_316 : vector<128x2048xf32>
    %div3A_321 = arith.divf %mul3A_316, %sub3A_320 : vector<128x2048xf32>
    %reduce_max3A_322 = arith.constant dense<0xFF800000> : vector<2048xf32>
    %reduce_max3A_323 = vector.multi_reduction <maximumf>, %div3A_321, %reduce_max3A_322 [0] : vector<128x2048xf32> to vector<2048xf32>
    %broadcast_in_dim3A_324 = vector.shape_cast %reduce_max3A_323 : vector<2048xf32> to vector<1x2048xf32>
    %swap3A_325 = arith.constant 4 : index
    %swap3A_326 = arith.constant 0 : index
    %swap3A_327 = vector.load %arg2[%swap3A_325, %swap3A_326] : memref<10x2048xf32, #tpu.memory_space<vmem>>, vector<1x2048xf32>
    tpu.vector_store %arg2[%swap3A_325, %swap3A_326], %broadcast_in_dim3A_324 {strides = array<i32>} : memref<10x2048xf32, #tpu.memory_space<vmem>>, vector<1x2048xf32>,
    %argmax3A_328 = tpu.reduce_index %div3A_321 {axis = 0 : i32, kind = #tpu.reduction_kind<arg_max>} : vector<128x2048xf32> -> vector<2048xi32>
    %broadcast_in_dim3A_329 = vector.shape_cast %argmax3A_328 : vector<2048xi32> to vector<1x2048xi32>
    %convert_element_type3A_330 = arith.sitofp %broadcast_in_dim3A_329 : vector<1x2048xi32> to vector<1x2048xf32>
    %swap3A_331 = arith.constant 4 : index
    %swap3A_332 = arith.constant 0 : index
    %swap3A_333 = vector.load %arg3[%swap3A_331, %swap3A_332] : memref<10x2048xf32, #tpu.memory_space<vmem>>, vector<1x2048xf32>
    tpu.vector_store %arg3[%swap3A_331, %swap3A_332], %convert_element_type3A_330 {strides = array<i32>} : memref<10x2048xf32, #tpu.memory_space<vmem>>, vector<1x2048xf32>,
    %get3A_334 = arith.constant 1 : index
    %get3A_335 = arith.constant 10240 : index
    %get3A_336 = vector.load %arg0[%get3A_334, %get3A_335] : memref<8x20480xf32, #tpu.memory_space<vmem>>, vector<1x2048xf32>
    %get3A_337 = arith.constant 2 : index
    %get3A_338 = arith.constant 10240 : index
    %get3A_339 = vector.load %arg0[%get3A_337, %get3A_338] : memref<8x20480xf32, #tpu.memory_space<vmem>>, vector<1x2048xf32>
    %get3A_340 = arith.constant 3 : index
    %get3A_341 = arith.constant 10240 : index
    %get3A_342 = vector.load %arg0[%get3A_340, %get3A_341] : memref<8x20480xf32, #tpu.memory_space<vmem>>, vector<1x2048xf32>
    %get3A_343 = arith.constant 4 : index
    %get3A_344 = arith.constant 10240 : index
    %get3A_345 = vector.load %arg0[%get3A_343, %get3A_344] : memref<8x20480xf32, #tpu.memory_space<vmem>>, vector<1x2048xf32>
    %sub3A_346 = arith.subf %get3A_342, %get3A_336 : vector<1x2048xf32>
    %add3A_347 = arith.constant 1.000000e+00 : f32
    %add3A_348 = vector.broadcast %add3A_347 : f32 to vector<1x2048xf32>
    %add3A_349 = arith.addf %sub3A_346, %add3A_348 : vector<1x2048xf32>
    %sub3A_350 = arith.subf %get3A_345, %get3A_339 : vector<1x2048xf32>
    %add3A_351 = arith.constant 1.000000e+00 : f32
    %add3A_352 = vector.broadcast %add3A_351 : f32 to vector<1x2048xf32>
    %add3A_353 = arith.addf %sub3A_350, %add3A_352 : vector<1x2048xf32>
    %mul3A_354 = arith.mulf %add3A_349, %add3A_353 : vector<1x2048xf32>
    %min3A_355 = vector.broadcast %get3A_342 : vector<1x2048xf32> to vector<128x2048xf32>
    %min3A_356 = vector.broadcast %get3A_7 : vector<128x1xf32> to vector<128x2048xf32>
    %min3A_357 = arith.minimumf %min3A_355, %min3A_356 : vector<128x2048xf32>
    %max3A_358 = vector.broadcast %get3A_336 : vector<1x2048xf32> to vector<128x2048xf32>
    %max3A_359 = vector.broadcast %get3A_1 : vector<128x1xf32> to vector<128x2048xf32>
    %max3A_360 = arith.maximumf %max3A_358, %max3A_359 : vector<128x2048xf32>
    %sub3A_361 = arith.subf %min3A_357, %max3A_360 : vector<128x2048xf32>
    %add3A_362 = arith.constant 1.000000e+00 : f32
    %add3A_363 = vector.broadcast %add3A_362 : f32 to vector<128x2048xf32>
    %add3A_364 = arith.addf %sub3A_361, %add3A_363 : vector<128x2048xf32>
    %max3A_365 = arith.constant 0.000000e+00 : f32
    %max3A_366 = vector.broadcast %max3A_365 : f32 to vector<128x2048xf32>
    %max3A_367 = arith.maximumf %add3A_364, %max3A_366 : vector<128x2048xf32>
    %min3A_368 = vector.broadcast %get3A_345 : vector<1x2048xf32> to vector<128x2048xf32>
    %min3A_369 = vector.broadcast %get3A_10 : vector<128x1xf32> to vector<128x2048xf32>
    %min3A_370 = arith.minimumf %min3A_368, %min3A_369 : vector<128x2048xf32>
    %max3A_371 = vector.broadcast %get3A_339 : vector<1x2048xf32> to vector<128x2048xf32>
    %max3A_372 = vector.broadcast %get3A_4 : vector<128x1xf32> to vector<128x2048xf32>
    %max3A_373 = arith.maximumf %max3A_371, %max3A_372 : vector<128x2048xf32>
    %sub3A_374 = arith.subf %min3A_370, %max3A_373 : vector<128x2048xf32>
    %add3A_375 = arith.constant 1.000000e+00 : f32
    %add3A_376 = vector.broadcast %add3A_375 : f32 to vector<128x2048xf32>
    %add3A_377 = arith.addf %sub3A_374, %add3A_376 : vector<128x2048xf32>
    %max3A_378 = arith.constant 0.000000e+00 : f32
    %max3A_379 = vector.broadcast %max3A_378 : f32 to vector<128x2048xf32>
    %max3A_380 = arith.maximumf %add3A_377, %max3A_379 : vector<128x2048xf32>
    %mul3A_381 = arith.mulf %max3A_367, %max3A_380 : vector<128x2048xf32>
    %add3A_382 = vector.broadcast %mul3A_354 : vector<1x2048xf32> to vector<128x2048xf32>
    %add3A_383 = vector.broadcast %mul3A : vector<128x1xf32> to vector<128x2048xf32>
    %add3A_384 = arith.addf %add3A_382, %add3A_383 : vector<128x2048xf32>
    %sub3A_385 = arith.subf %add3A_384, %mul3A_381 : vector<128x2048xf32>
    %div3A_386 = arith.divf %mul3A_381, %sub3A_385 : vector<128x2048xf32>
    %reduce_max3A_387 = arith.constant dense<0xFF800000> : vector<2048xf32>
    %reduce_max3A_388 = vector.multi_reduction <maximumf>, %div3A_386, %reduce_max3A_387 [0] : vector<128x2048xf32> to vector<2048xf32>
    %broadcast_in_dim3A_389 = vector.shape_cast %reduce_max3A_388 : vector<2048xf32> to vector<1x2048xf32>
    %swap3A_390 = arith.constant 5 : index
    %swap3A_391 = arith.constant 0 : index
    %swap3A_392 = vector.load %arg2[%swap3A_390, %swap3A_391] : memref<10x2048xf32, #tpu.memory_space<vmem>>, vector<1x2048xf32>
    tpu.vector_store %arg2[%swap3A_390, %swap3A_391], %broadcast_in_dim3A_389 {strides = array<i32>} : memref<10x2048xf32, #tpu.memory_space<vmem>>, vector<1x2048xf32>,
    %argmax3A_393 = tpu.reduce_index %div3A_386 {axis = 0 : i32, kind = #tpu.reduction_kind<arg_max>} : vector<128x2048xf32> -> vector<2048xi32>
    %broadcast_in_dim3A_394 = vector.shape_cast %argmax3A_393 : vector<2048xi32> to vector<1x2048xi32>
    %convert_element_type3A_395 = arith.sitofp %broadcast_in_dim3A_394 : vector<1x2048xi32> to vector<1x2048xf32>
    %swap3A_396 = arith.constant 5 : index
    %swap3A_397 = arith.constant 0 : index
    %swap3A_398 = vector.load %arg3[%swap3A_396, %swap3A_397] : memref<10x2048xf32, #tpu.memory_space<vmem>>, vector<1x2048xf32>
    tpu.vector_store %arg3[%swap3A_396, %swap3A_397], %convert_element_type3A_395 {strides = array<i32>} : memref<10x2048xf32, #tpu.memory_space<vmem>>, vector<1x2048xf32>,
    %get3A_399 = arith.constant 1 : index
    %get3A_400 = arith.constant 12288 : index
    %get3A_401 = vector.load %arg0[%get3A_399, %get3A_400] : memref<8x20480xf32, #tpu.memory_space<vmem>>, vector<1x2048xf32>
    %get3A_402 = arith.constant 2 : index
    %get3A_403 = arith.constant 12288 : index
    %get3A_404 = vector.load %arg0[%get3A_402, %get3A_403] : memref<8x20480xf32, #tpu.memory_space<vmem>>, vector<1x2048xf32>
    %get3A_405 = arith.constant 3 : index
    %get3A_406 = arith.constant 12288 : index
    %get3A_407 = vector.load %arg0[%get3A_405, %get3A_406] : memref<8x20480xf32, #tpu.memory_space<vmem>>, vector<1x2048xf32>
    %get3A_408 = arith.constant 4 : index
    %get3A_409 = arith.constant 12288 : index
    %get3A_410 = vector.load %arg0[%get3A_408, %get3A_409] : memref<8x20480xf32, #tpu.memory_space<vmem>>, vector<1x2048xf32>
    %sub3A_411 = arith.subf %get3A_407, %get3A_401 : vector<1x2048xf32>
    %add3A_412 = arith.constant 1.000000e+00 : f32
    %add3A_413 = vector.broadcast %add3A_412 : f32 to vector<1x2048xf32>
    %add3A_414 = arith.addf %sub3A_411, %add3A_413 : vector<1x2048xf32>
    %sub3A_415 = arith.subf %get3A_410, %get3A_404 : vector<1x2048xf32>
    %add3A_416 = arith.constant 1.000000e+00 : f32
    %add3A_417 = vector.broadcast %add3A_416 : f32 to vector<1x2048xf32>
    %add3A_418 = arith.addf %sub3A_415, %add3A_417 : vector<1x2048xf32>
    %mul3A_419 = arith.mulf %add3A_414, %add3A_418 : vector<1x2048xf32>
    %min3A_420 = vector.broadcast %get3A_407 : vector<1x2048xf32> to vector<128x2048xf32>
    %min3A_421 = vector.broadcast %get3A_7 : vector<128x1xf32> to vector<128x2048xf32>
    %min3A_422 = arith.minimumf %min3A_420, %min3A_421 : vector<128x2048xf32>
    %max3A_423 = vector.broadcast %get3A_401 : vector<1x2048xf32> to vector<128x2048xf32>
    %max3A_424 = vector.broadcast %get3A_1 : vector<128x1xf32> to vector<128x2048xf32>
    %max3A_425 = arith.maximumf %max3A_423, %max3A_424 : vector<128x2048xf32>
    %sub3A_426 = arith.subf %min3A_422, %max3A_425 : vector<128x2048xf32>
    %add3A_427 = arith.constant 1.000000e+00 : f32
    %add3A_428 = vector.broadcast %add3A_427 : f32 to vector<128x2048xf32>
    %add3A_429 = arith.addf %sub3A_426, %add3A_428 : vector<128x2048xf32>
    %max3A_430 = arith.constant 0.000000e+00 : f32
    %max3A_431 = vector.broadcast %max3A_430 : f32 to vector<128x2048xf32>
    %max3A_432 = arith.maximumf %add3A_429, %max3A_431 : vector<128x2048xf32>
    %min3A_433 = vector.broadcast %get3A_410 : vector<1x2048xf32> to vector<128x2048xf32>
    %min3A_434 = vector.broadcast %get3A_10 : vector<128x1xf32> to vector<128x2048xf32>
    %min3A_435 = arith.minimumf %min3A_433, %min3A_434 : vector<128x2048xf32>
    %max3A_436 = vector.broadcast %get3A_404 : vector<1x2048xf32> to vector<128x2048xf32>
    %max3A_437 = vector.broadcast %get3A_4 : vector<128x1xf32> to vector<128x2048xf32>
    %max3A_438 = arith.maximumf %max3A_436, %max3A_437 : vector<128x2048xf32>
    %sub3A_439 = arith.subf %min3A_435, %max3A_438 : vector<128x2048xf32>
    %add3A_440 = arith.constant 1.000000e+00 : f32
    %add3A_441 = vector.broadcast %add3A_440 : f32 to vector<128x2048xf32>
    %add3A_442 = arith.addf %sub3A_439, %add3A_441 : vector<128x2048xf32>
    %max3A_443 = arith.constant 0.000000e+00 : f32
    %max3A_444 = vector.broadcast %max3A_443 : f32 to vector<128x2048xf32>
    %max3A_445 = arith.maximumf %add3A_442, %max3A_444 : vector<128x2048xf32>
    %mul3A_446 = arith.mulf %max3A_432, %max3A_445 : vector<128x2048xf32>
    %add3A_447 = vector.broadcast %mul3A_419 : vector<1x2048xf32> to vector<128x2048xf32>
    %add3A_448 = vector.broadcast %mul3A : vector<128x1xf32> to vector<128x2048xf32>
    %add3A_449 = arith.addf %add3A_447, %add3A_448 : vector<128x2048xf32>
    %sub3A_450 = arith.subf %add3A_449, %mul3A_446 : vector<128x2048xf32>
    %div3A_451 = arith.divf %mul3A_446, %sub3A_450 : vector<128x2048xf32>
    %reduce_max3A_452 = arith.constant dense<0xFF800000> : vector<2048xf32>
    %reduce_max3A_453 = vector.multi_reduction <maximumf>, %div3A_451, %reduce_max3A_452 [0] : vector<128x2048xf32> to vector<2048xf32>
    %broadcast_in_dim3A_454 = vector.shape_cast %reduce_max3A_453 : vector<2048xf32> to vector<1x2048xf32>
    %swap3A_455 = arith.constant 6 : index
    %swap3A_456 = arith.constant 0 : index
    %swap3A_457 = vector.load %arg2[%swap3A_455, %swap3A_456] : memref<10x2048xf32, #tpu.memory_space<vmem>>, vector<1x2048xf32>
    tpu.vector_store %arg2[%swap3A_455, %swap3A_456], %broadcast_in_dim3A_454 {strides = array<i32>} : memref<10x2048xf32, #tpu.memory_space<vmem>>, vector<1x2048xf32>,
    %argmax3A_458 = tpu.reduce_index %div3A_451 {axis = 0 : i32, kind = #tpu.reduction_kind<arg_max>} : vector<128x2048xf32> -> vector<2048xi32>
    %broadcast_in_dim3A_459 = vector.shape_cast %argmax3A_458 : vector<2048xi32> to vector<1x2048xi32>
    %convert_element_type3A_460 = arith.sitofp %broadcast_in_dim3A_459 : vector<1x2048xi32> to vector<1x2048xf32>
    %swap3A_461 = arith.constant 6 : index
    %swap3A_462 = arith.constant 0 : index
    %swap3A_463 = vector.load %arg3[%swap3A_461, %swap3A_462] : memref<10x2048xf32, #tpu.memory_space<vmem>>, vector<1x2048xf32>
    tpu.vector_store %arg3[%swap3A_461, %swap3A_462], %convert_element_type3A_460 {strides = array<i32>} : memref<10x2048xf32, #tpu.memory_space<vmem>>, vector<1x2048xf32>,
    %get3A_464 = arith.constant 1 : index
    %get3A_465 = arith.constant 14336 : index
    %get3A_466 = vector.load %arg0[%get3A_464, %get3A_465] : memref<8x20480xf32, #tpu.memory_space<vmem>>, vector<1x2048xf32>
    %get3A_467 = arith.constant 2 : index
    %get3A_468 = arith.constant 14336 : index
    %get3A_469 = vector.load %arg0[%get3A_467, %get3A_468] : memref<8x20480xf32, #tpu.memory_space<vmem>>, vector<1x2048xf32>
    %get3A_470 = arith.constant 3 : index
    %get3A_471 = arith.constant 14336 : index
    %get3A_472 = vector.load %arg0[%get3A_470, %get3A_471] : memref<8x20480xf32, #tpu.memory_space<vmem>>, vector<1x2048xf32>
    %get3A_473 = arith.constant 4 : index
    %get3A_474 = arith.constant 14336 : index
    %get3A_475 = vector.load %arg0[%get3A_473, %get3A_474] : memref<8x20480xf32, #tpu.memory_space<vmem>>, vector<1x2048xf32>
    %sub3A_476 = arith.subf %get3A_472, %get3A_466 : vector<1x2048xf32>
    %add3A_477 = arith.constant 1.000000e+00 : f32
    %add3A_478 = vector.broadcast %add3A_477 : f32 to vector<1x2048xf32>
    %add3A_479 = arith.addf %sub3A_476, %add3A_478 : vector<1x2048xf32>
    %sub3A_480 = arith.subf %get3A_475, %get3A_469 : vector<1x2048xf32>
    %add3A_481 = arith.constant 1.000000e+00 : f32
    %add3A_482 = vector.broadcast %add3A_481 : f32 to vector<1x2048xf32>
    %add3A_483 = arith.addf %sub3A_480, %add3A_482 : vector<1x2048xf32>
    %mul3A_484 = arith.mulf %add3A_479, %add3A_483 : vector<1x2048xf32>
    %min3A_485 = vector.broadcast %get3A_472 : vector<1x2048xf32> to vector<128x2048xf32>
    %min3A_486 = vector.broadcast %get3A_7 : vector<128x1xf32> to vector<128x2048xf32>
    %min3A_487 = arith.minimumf %min3A_485, %min3A_486 : vector<128x2048xf32>
    %max3A_488 = vector.broadcast %get3A_466 : vector<1x2048xf32> to vector<128x2048xf32>
    %max3A_489 = vector.broadcast %get3A_1 : vector<128x1xf32> to vector<128x2048xf32>
    %max3A_490 = arith.maximumf %max3A_488, %max3A_489 : vector<128x2048xf32>
    %sub3A_491 = arith.subf %min3A_487, %max3A_490 : vector<128x2048xf32>
    %add3A_492 = arith.constant 1.000000e+00 : f32
    %add3A_493 = vector.broadcast %add3A_492 : f32 to vector<128x2048xf32>
    %add3A_494 = arith.addf %sub3A_491, %add3A_493 : vector<128x2048xf32>
    %max3A_495 = arith.constant 0.000000e+00 : f32
    %max3A_496 = vector.broadcast %max3A_495 : f32 to vector<128x2048xf32>
    %max3A_497 = arith.maximumf %add3A_494, %max3A_496 : vector<128x2048xf32>
    %min3A_498 = vector.broadcast %get3A_475 : vector<1x2048xf32> to vector<128x2048xf32>
    %min3A_499 = vector.broadcast %get3A_10 : vector<128x1xf32> to vector<128x2048xf32>
    %min3A_500 = arith.minimumf %min3A_498, %min3A_499 : vector<128x2048xf32>
    %max3A_501 = vector.broadcast %get3A_469 : vector<1x2048xf32> to vector<128x2048xf32>
    %max3A_502 = vector.broadcast %get3A_4 : vector<128x1xf32> to vector<128x2048xf32>
    %max3A_503 = arith.maximumf %max3A_501, %max3A_502 : vector<128x2048xf32>
    %sub3A_504 = arith.subf %min3A_500, %max3A_503 : vector<128x2048xf32>
    %add3A_505 = arith.constant 1.000000e+00 : f32
    %add3A_506 = vector.broadcast %add3A_505 : f32 to vector<128x2048xf32>
    %add3A_507 = arith.addf %sub3A_504, %add3A_506 : vector<128x2048xf32>
    %max3A_508 = arith.constant 0.000000e+00 : f32
    %max3A_509 = vector.broadcast %max3A_508 : f32 to vector<128x2048xf32>
    %max3A_510 = arith.maximumf %add3A_507, %max3A_509 : vector<128x2048xf32>
    %mul3A_511 = arith.mulf %max3A_497, %max3A_510 : vector<128x2048xf32>
    %add3A_512 = vector.broadcast %mul3A_484 : vector<1x2048xf32> to vector<128x2048xf32>
    %add3A_513 = vector.broadcast %mul3A : vector<128x1xf32> to vector<128x2048xf32>
    %add3A_514 = arith.addf %add3A_512, %add3A_513 : vector<128x2048xf32>
    %sub3A_515 = arith.subf %add3A_514, %mul3A_511 : vector<128x2048xf32>
    %div3A_516 = arith.divf %mul3A_511, %sub3A_515 : vector<128x2048xf32>
    %reduce_max3A_517 = arith.constant dense<0xFF800000> : vector<2048xf32>
    %reduce_max3A_518 = vector.multi_reduction <maximumf>, %div3A_516, %reduce_max3A_517 [0] : vector<128x2048xf32> to vector<2048xf32>
    %broadcast_in_dim3A_519 = vector.shape_cast %reduce_max3A_518 : vector<2048xf32> to vector<1x2048xf32>
    %swap3A_520 = arith.constant 7 : index
    %swap3A_521 = arith.constant 0 : index
    %swap3A_522 = vector.load %arg2[%swap3A_520, %swap3A_521] : memref<10x2048xf32, #tpu.memory_space<vmem>>, vector<1x2048xf32>
    tpu.vector_store %arg2[%swap3A_520, %swap3A_521], %broadcast_in_dim3A_519 {strides = array<i32>} : memref<10x2048xf32, #tpu.memory_space<vmem>>, vector<1x2048xf32>,
    %argmax3A_523 = tpu.reduce_index %div3A_516 {axis = 0 : i32, kind = #tpu.reduction_kind<arg_max>} : vector<128x2048xf32> -> vector<2048xi32>
    %broadcast_in_dim3A_524 = vector.shape_cast %argmax3A_523 : vector<2048xi32> to vector<1x2048xi32>
    %convert_element_type3A_525 = arith.sitofp %broadcast_in_dim3A_524 : vector<1x2048xi32> to vector<1x2048xf32>
    %swap3A_526 = arith.constant 7 : index
    %swap3A_527 = arith.constant 0 : index
    %swap3A_528 = vector.load %arg3[%swap3A_526, %swap3A_527] : memref<10x2048xf32, #tpu.memory_space<vmem>>, vector<1x2048xf32>
    tpu.vector_store %arg3[%swap3A_526, %swap3A_527], %convert_element_type3A_525 {strides = array<i32>} : memref<10x2048xf32, #tpu.memory_space<vmem>>, vector<1x2048xf32>,
    %get3A_529 = arith.constant 1 : index
    %get3A_530 = arith.constant 16384 : index
    %get3A_531 = vector.load %arg0[%get3A_529, %get3A_530] : memref<8x20480xf32, #tpu.memory_space<vmem>>, vector<1x2048xf32>
    %get3A_532 = arith.constant 2 : index
    %get3A_533 = arith.constant 16384 : index
    %get3A_534 = vector.load %arg0[%get3A_532, %get3A_533] : memref<8x20480xf32, #tpu.memory_space<vmem>>, vector<1x2048xf32>
    %get3A_535 = arith.constant 3 : index
    %get3A_536 = arith.constant 16384 : index
    %get3A_537 = vector.load %arg0[%get3A_535, %get3A_536] : memref<8x20480xf32, #tpu.memory_space<vmem>>, vector<1x2048xf32>
    %get3A_538 = arith.constant 4 : index
    %get3A_539 = arith.constant 16384 : index
    %get3A_540 = vector.load %arg0[%get3A_538, %get3A_539] : memref<8x20480xf32, #tpu.memory_space<vmem>>, vector<1x2048xf32>
    %sub3A_541 = arith.subf %get3A_537, %get3A_531 : vector<1x2048xf32>
    %add3A_542 = arith.constant 1.000000e+00 : f32
    %add3A_543 = vector.broadcast %add3A_542 : f32 to vector<1x2048xf32>
    %add3A_544 = arith.addf %sub3A_541, %add3A_543 : vector<1x2048xf32>
    %sub3A_545 = arith.subf %get3A_540, %get3A_534 : vector<1x2048xf32>
    %add3A_546 = arith.constant 1.000000e+00 : f32
    %add3A_547 = vector.broadcast %add3A_546 : f32 to vector<1x2048xf32>
    %add3A_548 = arith.addf %sub3A_545, %add3A_547 : vector<1x2048xf32>
    %mul3A_549 = arith.mulf %add3A_544, %add3A_548 : vector<1x2048xf32>
    %min3A_550 = vector.broadcast %get3A_537 : vector<1x2048xf32> to vector<128x2048xf32>
    %min3A_551 = vector.broadcast %get3A_7 : vector<128x1xf32> to vector<128x2048xf32>
    %min3A_552 = arith.minimumf %min3A_550, %min3A_551 : vector<128x2048xf32>
    %max3A_553 = vector.broadcast %get3A_531 : vector<1x2048xf32> to vector<128x2048xf32>
    %max3A_554 = vector.broadcast %get3A_1 : vector<128x1xf32> to vector<128x2048xf32>
    %max3A_555 = arith.maximumf %max3A_553, %max3A_554 : vector<128x2048xf32>
    %sub3A_556 = arith.subf %min3A_552, %max3A_555 : vector<128x2048xf32>
    %add3A_557 = arith.constant 1.000000e+00 : f32
    %add3A_558 = vector.broadcast %add3A_557 : f32 to vector<128x2048xf32>
    %add3A_559 = arith.addf %sub3A_556, %add3A_558 : vector<128x2048xf32>
    %max3A_560 = arith.constant 0.000000e+00 : f32
    %max3A_561 = vector.broadcast %max3A_560 : f32 to vector<128x2048xf32>
    %max3A_562 = arith.maximumf %add3A_559, %max3A_561 : vector<128x2048xf32>
    %min3A_563 = vector.broadcast %get3A_540 : vector<1x2048xf32> to vector<128x2048xf32>
    %min3A_564 = vector.broadcast %get3A_10 : vector<128x1xf32> to vector<128x2048xf32>
    %min3A_565 = arith.minimumf %min3A_563, %min3A_564 : vector<128x2048xf32>
    %max3A_566 = vector.broadcast %get3A_534 : vector<1x2048xf32> to vector<128x2048xf32>
    %max3A_567 = vector.broadcast %get3A_4 : vector<128x1xf32> to vector<128x2048xf32>
    %max3A_568 = arith.maximumf %max3A_566, %max3A_567 : vector<128x2048xf32>
    %sub3A_569 = arith.subf %min3A_565, %max3A_568 : vector<128x2048xf32>
    %add3A_570 = arith.constant 1.000000e+00 : f32
    %add3A_571 = vector.broadcast %add3A_570 : f32 to vector<128x2048xf32>
    %add3A_572 = arith.addf %sub3A_569, %add3A_571 : vector<128x2048xf32>
    %max3A_573 = arith.constant 0.000000e+00 : f32
    %max3A_574 = vector.broadcast %max3A_573 : f32 to vector<128x2048xf32>
    %max3A_575 = arith.maximumf %add3A_572, %max3A_574 : vector<128x2048xf32>
    %mul3A_576 = arith.mulf %max3A_562, %max3A_575 : vector<128x2048xf32>
    %add3A_577 = vector.broadcast %mul3A_549 : vector<1x2048xf32> to vector<128x2048xf32>
    %add3A_578 = vector.broadcast %mul3A : vector<128x1xf32> to vector<128x2048xf32>
    %add3A_579 = arith.addf %add3A_577, %add3A_578 : vector<128x2048xf32>
    %sub3A_580 = arith.subf %add3A_579, %mul3A_576 : vector<128x2048xf32>
    %div3A_581 = arith.divf %mul3A_576, %sub3A_580 : vector<128x2048xf32>
    %reduce_max3A_582 = arith.constant dense<0xFF800000> : vector<2048xf32>
    %reduce_max3A_583 = vector.multi_reduction <maximumf>, %div3A_581, %reduce_max3A_582 [0] : vector<128x2048xf32> to vector<2048xf32>
    %broadcast_in_dim3A_584 = vector.shape_cast %reduce_max3A_583 : vector<2048xf32> to vector<1x2048xf32>
    %swap3A_585 = arith.constant 8 : index
    %swap3A_586 = arith.constant 0 : index
    %swap3A_587 = vector.load %arg2[%swap3A_585, %swap3A_586] : memref<10x2048xf32, #tpu.memory_space<vmem>>, vector<1x2048xf32>
    tpu.vector_store %arg2[%swap3A_585, %swap3A_586], %broadcast_in_dim3A_584 {strides = array<i32>} : memref<10x2048xf32, #tpu.memory_space<vmem>>, vector<1x2048xf32>,
    %argmax3A_588 = tpu.reduce_index %div3A_581 {axis = 0 : i32, kind = #tpu.reduction_kind<arg_max>} : vector<128x2048xf32> -> vector<2048xi32>
    %broadcast_in_dim3A_589 = vector.shape_cast %argmax3A_588 : vector<2048xi32> to vector<1x2048xi32>
    %convert_element_type3A_590 = arith.sitofp %broadcast_in_dim3A_589 : vector<1x2048xi32> to vector<1x2048xf32>
    %swap3A_591 = arith.constant 8 : index
    %swap3A_592 = arith.constant 0 : index
    %swap3A_593 = vector.load %arg3[%swap3A_591, %swap3A_592] : memref<10x2048xf32, #tpu.memory_space<vmem>>, vector<1x2048xf32>
    tpu.vector_store %arg3[%swap3A_591, %swap3A_592], %convert_element_type3A_590 {strides = array<i32>} : memref<10x2048xf32, #tpu.memory_space<vmem>>, vector<1x2048xf32>,
    %get3A_594 = arith.constant 1 : index
    %get3A_595 = arith.constant 18432 : index
    %get3A_596 = vector.load %arg0[%get3A_594, %get3A_595] : memref<8x20480xf32, #tpu.memory_space<vmem>>, vector<1x2048xf32>
    %get3A_597 = arith.constant 2 : index
    %get3A_598 = arith.constant 18432 : index
    %get3A_599 = vector.load %arg0[%get3A_597, %get3A_598] : memref<8x20480xf32, #tpu.memory_space<vmem>>, vector<1x2048xf32>
    %get3A_600 = arith.constant 3 : index
    %get3A_601 = arith.constant 18432 : index
    %get3A_602 = vector.load %arg0[%get3A_600, %get3A_601] : memref<8x20480xf32, #tpu.memory_space<vmem>>, vector<1x2048xf32>
    %get3A_603 = arith.constant 4 : index
    %get3A_604 = arith.constant 18432 : index
    %get3A_605 = vector.load %arg0[%get3A_603, %get3A_604] : memref<8x20480xf32, #tpu.memory_space<vmem>>, vector<1x2048xf32>
    %sub3A_606 = arith.subf %get3A_602, %get3A_596 : vector<1x2048xf32>
    %add3A_607 = arith.constant 1.000000e+00 : f32
    %add3A_608 = vector.broadcast %add3A_607 : f32 to vector<1x2048xf32>
    %add3A_609 = arith.addf %sub3A_606, %add3A_608 : vector<1x2048xf32>
    %sub3A_610 = arith.subf %get3A_605, %get3A_599 : vector<1x2048xf32>
    %add3A_611 = arith.constant 1.000000e+00 : f32
    %add3A_612 = vector.broadcast %add3A_611 : f32 to vector<1x2048xf32>
    %add3A_613 = arith.addf %sub3A_610, %add3A_612 : vector<1x2048xf32>
    %mul3A_614 = arith.mulf %add3A_609, %add3A_613 : vector<1x2048xf32>
    %min3A_615 = vector.broadcast %get3A_602 : vector<1x2048xf32> to vector<128x2048xf32>
    %min3A_616 = vector.broadcast %get3A_7 : vector<128x1xf32> to vector<128x2048xf32>
    %min3A_617 = arith.minimumf %min3A_615, %min3A_616 : vector<128x2048xf32>
    %max3A_618 = vector.broadcast %get3A_596 : vector<1x2048xf32> to vector<128x2048xf32>
    %max3A_619 = vector.broadcast %get3A_1 : vector<128x1xf32> to vector<128x2048xf32>
    %max3A_620 = arith.maximumf %max3A_618, %max3A_619 : vector<128x2048xf32>
    %sub3A_621 = arith.subf %min3A_617, %max3A_620 : vector<128x2048xf32>
    %add3A_622 = arith.constant 1.000000e+00 : f32
    %add3A_623 = vector.broadcast %add3A_622 : f32 to vector<128x2048xf32>
    %add3A_624 = arith.addf %sub3A_621, %add3A_623 : vector<128x2048xf32>
    %max3A_625 = arith.constant 0.000000e+00 : f32
    %max3A_626 = vector.broadcast %max3A_625 : f32 to vector<128x2048xf32>
    %max3A_627 = arith.maximumf %add3A_624, %max3A_626 : vector<128x2048xf32>
    %min3A_628 = vector.broadcast %get3A_605 : vector<1x2048xf32> to vector<128x2048xf32>
    %min3A_629 = vector.broadcast %get3A_10 : vector<128x1xf32> to vector<128x2048xf32>
    %min3A_630 = arith.minimumf %min3A_628, %min3A_629 : vector<128x2048xf32>
    %max3A_631 = vector.broadcast %get3A_599 : vector<1x2048xf32> to vector<128x2048xf32>
    %max3A_632 = vector.broadcast %get3A_4 : vector<128x1xf32> to vector<128x2048xf32>
    %max3A_633 = arith.maximumf %max3A_631, %max3A_632 : vector<128x2048xf32>
    %sub3A_634 = arith.subf %min3A_630, %max3A_633 : vector<128x2048xf32>
    %add3A_635 = arith.constant 1.000000e+00 : f32
    %add3A_636 = vector.broadcast %add3A_635 : f32 to vector<128x2048xf32>
    %add3A_637 = arith.addf %sub3A_634, %add3A_636 : vector<128x2048xf32>
    %max3A_638 = arith.constant 0.000000e+00 : f32
    %max3A_639 = vector.broadcast %max3A_638 : f32 to vector<128x2048xf32>
    %max3A_640 = arith.maximumf %add3A_637, %max3A_639 : vector<128x2048xf32>
    %mul3A_641 = arith.mulf %max3A_627, %max3A_640 : vector<128x2048xf32>
    %add3A_642 = vector.broadcast %mul3A_614 : vector<1x2048xf32> to vector<128x2048xf32>
    %add3A_643 = vector.broadcast %mul3A : vector<128x1xf32> to vector<128x2048xf32>
    %add3A_644 = arith.addf %add3A_642, %add3A_643 : vector<128x2048xf32>
    %sub3A_645 = arith.subf %add3A_644, %mul3A_641 : vector<128x2048xf32>
    %div3A_646 = arith.divf %mul3A_641, %sub3A_645 : vector<128x2048xf32>
    %reduce_max3A_647 = arith.constant dense<0xFF800000> : vector<2048xf32>
    %reduce_max3A_648 = vector.multi_reduction <maximumf>, %div3A_646, %reduce_max3A_647 [0] : vector<128x2048xf32> to vector<2048xf32>
    %broadcast_in_dim3A_649 = vector.shape_cast %reduce_max3A_648 : vector<2048xf32> to vector<1x2048xf32>
    %swap3A_650 = arith.constant 9 : index
    %swap3A_651 = arith.constant 0 : index
    %swap3A_652 = vector.load %arg2[%swap3A_650, %swap3A_651] : memref<10x2048xf32, #tpu.memory_space<vmem>>, vector<1x2048xf32>
    tpu.vector_store %arg2[%swap3A_650, %swap3A_651], %broadcast_in_dim3A_649 {strides = array<i32>} : memref<10x2048xf32, #tpu.memory_space<vmem>>, vector<1x2048xf32>,
    %argmax3A_653 = tpu.reduce_index %div3A_646 {axis = 0 : i32, kind = #tpu.reduction_kind<arg_max>} : vector<128x2048xf32> -> vector<2048xi32>
    %broadcast_in_dim3A_654 = vector.shape_cast %argmax3A_653 : vector<2048xi32> to vector<1x2048xi32>
    %convert_element_type3A_655 = arith.sitofp %broadcast_in_dim3A_654 : vector<1x2048xi32> to vector<1x2048xf32>
    %swap3A_656 = arith.constant 9 : index
    %swap3A_657 = arith.constant 0 : index
    %swap3A_658 = vector.load %arg3[%swap3A_656, %swap3A_657] : memref<10x2048xf32, #tpu.memory_space<vmem>>, vector<1x2048xf32>
    tpu.vector_store %arg3[%swap3A_656, %swap3A_657], %convert_element_type3A_655 {strides = array<i32>} : memref<10x2048xf32, #tpu.memory_space<vmem>>, vector<1x2048xf32>,
    return
  }
}

module attributes {stable_mosaic.version = 14 : i64} {
  func.func @_final_kern(%arg0: memref<128x16xf32, #tpu.memory_space<vmem>>, %arg1: memref<128x8xf32, #tpu.memory_space<vmem>>, %arg2: memref<128x5xf32, #tpu.memory_space<vmem>>, %arg3: memref<128x1xi32, #tpu.memory_space<vmem>>, %arg4: memref<128x1xi32, #tpu.memory_space<vmem>>, %arg5: memref<128x8xf32, #tpu.memory_space<vmem>>, %arg6: memref<128x8xf32, #tpu.memory_space<vmem>>, %arg7: memref<128x8xf32, #tpu.memory_space<vmem>>) attributes {dimension_semantics = [], scalar_prefetch = 0 : i64, scratch_operands = 0 : i64, tpu.core_type = #tpu.core_type<tc>} {
    %get3A = arith.constant 0 : index
    %get3A_0 = arith.constant 0 : index
    %get3A_1 = vector.load %arg0[%get3A, %get3A_0] : memref<128x16xf32, #tpu.memory_space<vmem>>, vector<128x16xf32>
    %get3A_2 = arith.constant 0 : index
    %get3A_3 = arith.constant 0 : index
    %get3A_4 = vector.load %arg1[%get3A_2, %get3A_3] : memref<128x8xf32, #tpu.memory_space<vmem>>, vector<128x8xf32>
    %slice3A = vector.extract_strided_slice %get3A_1 {offsets = [0, 1], sizes = [128, 1], strides = [1, 1]} : vector<128x16xf32> to vector<128x1xf32>
    %slice3A_5 = vector.extract_strided_slice %get3A_1 {offsets = [0, 2], sizes = [128, 1], strides = [1, 1]} : vector<128x16xf32> to vector<128x1xf32>
    %slice3A_6 = vector.extract_strided_slice %get3A_1 {offsets = [0, 3], sizes = [128, 1], strides = [1, 1]} : vector<128x16xf32> to vector<128x1xf32>
    %slice3A_7 = vector.extract_strided_slice %get3A_1 {offsets = [0, 4], sizes = [128, 1], strides = [1, 1]} : vector<128x16xf32> to vector<128x1xf32>
    %slice3A_8 = vector.extract_strided_slice %get3A_4 {offsets = [0, 0], sizes = [128, 1], strides = [1, 1]} : vector<128x8xf32> to vector<128x1xf32>
    %slice3A_9 = vector.extract_strided_slice %get3A_4 {offsets = [0, 1], sizes = [128, 1], strides = [1, 1]} : vector<128x8xf32> to vector<128x1xf32>
    %slice3A_10 = vector.extract_strided_slice %get3A_4 {offsets = [0, 2], sizes = [128, 1], strides = [1, 1]} : vector<128x8xf32> to vector<128x1xf32>
    %slice3A_11 = vector.extract_strided_slice %get3A_4 {offsets = [0, 3], sizes = [128, 1], strides = [1, 1]} : vector<128x8xf32> to vector<128x1xf32>
    %sub3A = arith.subf %slice3A_6, %slice3A : vector<128x1xf32>
    %add3A = arith.constant 1.000000e+00 : f32
    %add3A_12 = vector.broadcast %add3A : f32 to vector<128x1xf32>
    %add3A_13 = arith.addf %sub3A, %add3A_12 : vector<128x1xf32>
    %sub3A_14 = arith.subf %slice3A_7, %slice3A_5 : vector<128x1xf32>
    %add3A_15 = arith.constant 1.000000e+00 : f32
    %add3A_16 = vector.broadcast %add3A_15 : f32 to vector<128x1xf32>
    %add3A_17 = arith.addf %sub3A_14, %add3A_16 : vector<128x1xf32>
    %mul3A = arith.constant 5.000000e-01 : f32
    %mul3A_18 = vector.broadcast %mul3A : f32 to vector<128x1xf32>
    %mul3A_19 = arith.mulf %mul3A_18, %add3A_13 : vector<128x1xf32>
    %add3A_20 = arith.addf %slice3A, %mul3A_19 : vector<128x1xf32>
    %mul3A_21 = arith.constant 5.000000e-01 : f32
    %mul3A_22 = vector.broadcast %mul3A_21 : f32 to vector<128x1xf32>
    %mul3A_23 = arith.mulf %mul3A_22, %add3A_17 : vector<128x1xf32>
    %add3A_24 = arith.addf %slice3A_5, %mul3A_23 : vector<128x1xf32>
    %sub3A_25 = arith.subf %slice3A_10, %slice3A_8 : vector<128x1xf32>
    %add3A_26 = arith.constant 1.000000e+00 : f32
    %add3A_27 = vector.broadcast %add3A_26 : f32 to vector<128x1xf32>
    %add3A_28 = arith.addf %sub3A_25, %add3A_27 : vector<128x1xf32>
    %sub3A_29 = arith.subf %slice3A_11, %slice3A_9 : vector<128x1xf32>
    %add3A_30 = arith.constant 1.000000e+00 : f32
    %add3A_31 = vector.broadcast %add3A_30 : f32 to vector<128x1xf32>
    %add3A_32 = arith.addf %sub3A_29, %add3A_31 : vector<128x1xf32>
    %mul3A_33 = arith.constant 5.000000e-01 : f32
    %mul3A_34 = vector.broadcast %mul3A_33 : f32 to vector<128x1xf32>
    %mul3A_35 = arith.mulf %mul3A_34, %add3A_28 : vector<128x1xf32>
    %add3A_36 = arith.addf %slice3A_8, %mul3A_35 : vector<128x1xf32>
    %mul3A_37 = arith.constant 5.000000e-01 : f32
    %mul3A_38 = vector.broadcast %mul3A_37 : f32 to vector<128x1xf32>
    %mul3A_39 = arith.mulf %mul3A_38, %add3A_32 : vector<128x1xf32>
    %add3A_40 = arith.addf %slice3A_9, %mul3A_39 : vector<128x1xf32>
    %sub3A_41 = arith.subf %add3A_36, %add3A_20 : vector<128x1xf32>
    %div3A = arith.divf %sub3A_41, %add3A_13 : vector<128x1xf32>
    %div3A_42 = arith.constant 1.000000e-01 : f32
    %div3A_43 = vector.broadcast %div3A_42 : f32 to vector<128x1xf32>
    %div3A_44 = arith.divf %div3A, %div3A_43 : vector<128x1xf32>
    %sub3A_45 = arith.subf %add3A_40, %add3A_24 : vector<128x1xf32>
    %div3A_46 = arith.divf %sub3A_45, %add3A_17 : vector<128x1xf32>
    %div3A_47 = arith.constant 1.000000e-01 : f32
    %div3A_48 = vector.broadcast %div3A_47 : f32 to vector<128x1xf32>
    %div3A_49 = arith.divf %div3A_46, %div3A_48 : vector<128x1xf32>
    %div3A_50 = arith.divf %add3A_28, %add3A_13 : vector<128x1xf32>
    %log3A = math.log %div3A_50 : vector<128x1xf32>
    %div3A_51 = arith.constant 2.000000e-01 : f32
    %div3A_52 = vector.broadcast %div3A_51 : f32 to vector<128x1xf32>
    %div3A_53 = arith.divf %log3A, %div3A_52 : vector<128x1xf32>
    %div3A_54 = arith.divf %add3A_32, %add3A_17 : vector<128x1xf32>
    %log3A_55 = math.log %div3A_54 : vector<128x1xf32>
    %div3A_56 = arith.constant 2.000000e-01 : f32
    %div3A_57 = vector.broadcast %div3A_56 : f32 to vector<128x1xf32>
    %div3A_58 = arith.divf %log3A_55, %div3A_57 : vector<128x1xf32>
    %concatenate3A = tpu.concatenate %div3A_44, %div3A_49, %div3A_53, %div3A_58 in 1 : vector<128x1xf32>, vector<128x1xf32>, vector<128x1xf32>, vector<128x1xf32> -> vector<128x4xf32>
    %iota3A = tpu.iota {dimensions = array<i32: 0>} : vector<128x1xi32>
    %convert_element_type3A = arith.sitofp %iota3A : vector<128x1xi32> to vector<128x1xf32>
    %lt3A = arith.constant 3.200000e+01 : f32
    %lt3A_59 = vector.broadcast %lt3A : f32 to vector<128x1xf32>
    %lt3A_60 = arith.cmpf olt, %convert_element_type3A, %lt3A_59 : vector<128x1xf32>
    %slice3A_61 = vector.extract_strided_slice %get3A_4 {offsets = [0, 4], sizes = [128, 1], strides = [1, 1]} : vector<128x8xf32> to vector<128x1xf32>
    %jit3A = arith.constant 0.000000e+00 : f32
    %broadcast_in_dim3A = vector.broadcast %jit3A : f32 to vector<128x1xf32>
    %select_n3A = arith.select %lt3A_60, %slice3A_61, %broadcast_in_dim3A : vector<128x1xi1>, vector<128x1xf32>
    %slice3A_62 = vector.extract_strided_slice %get3A_4 {offsets = [0, 5], sizes = [128, 1], strides = [1, 1]} : vector<128x8xf32> to vector<128x1xf32>
    %jit3A_63 = arith.constant 5.532000e+03 : f32
    %broadcast_in_dim3A_64 = vector.broadcast %jit3A_63 : f32 to vector<128x1xf32>
    %select_n3A_65 = arith.select %lt3A_60, %slice3A_62, %broadcast_in_dim3A_64 : vector<128x1xi1>, vector<128x1xf32>
    %gt3A = arith.constant 0.000000e+00 : f32
    %gt3A_66 = vector.broadcast %gt3A : f32 to vector<128x1xf32>
    %gt3A_67 = arith.cmpf ogt, %select_n3A, %gt3A_66 : vector<128x1xf32>
    %convert_element_type3A_68 = arith.extui %gt3A_67 : vector<128x1xi1> to vector<128x1xi32>
    %convert_element_type3A_69 = arith.sitofp %convert_element_type3A_68 : vector<128x1xi32> to vector<128x1xf32>
    %round3A = math.roundeven %select_n3A : vector<128x1xf32>
    %eq3A = arith.constant 0.000000e+00 : f32
    %eq3A_70 = vector.broadcast %eq3A : f32 to vector<128x1xf32>
    %eq3A_71 = arith.cmpf oeq, %round3A, %eq3A_70 : vector<128x1xf32>
    %convert_element_type3A_72 = arith.extui %eq3A_71 : vector<128x1xi1> to vector<128x1xi32>
    %convert_element_type3A_73 = arith.sitofp %convert_element_type3A_72 : vector<128x1xi32> to vector<128x1xf32>
    %eq3A_74 = arith.constant 1.000000e+00 : f32
    %eq3A_75 = vector.broadcast %eq3A_74 : f32 to vector<128x1xf32>
    %eq3A_76 = arith.cmpf oeq, %round3A, %eq3A_75 : vector<128x1xf32>
    %convert_element_type3A_77 = arith.extui %eq3A_76 : vector<128x1xi1> to vector<128x1xi32>
    %convert_element_type3A_78 = arith.sitofp %convert_element_type3A_77 : vector<128x1xi32> to vector<128x1xf32>
    %mul3A_79 = vector.broadcast %convert_element_type3A_69 : vector<128x1xf32> to vector<128x4xf32>
    %mul3A_80 = arith.mulf %concatenate3A, %mul3A_79 : vector<128x4xf32>
    %broadcast_in_dim3A_81 = arith.constant 1.000000e+00 : f32
    %broadcast_in_dim3A_82 = vector.broadcast %broadcast_in_dim3A_81 : f32 to vector<128x4xf32>
    %mul3A_83 = vector.broadcast %convert_element_type3A_73 : vector<128x1xf32> to vector<128x4xf32>
    %mul3A_84 = arith.mulf %mul3A_80, %mul3A_83 : vector<128x4xf32>
    %mul3A_85 = vector.broadcast %convert_element_type3A_78 : vector<128x1xf32> to vector<128x4xf32>
    %mul3A_86 = arith.mulf %mul3A_80, %mul3A_85 : vector<128x4xf32>
    %concatenate3A_87 = tpu.concatenate %mul3A_84, %mul3A_86 in 1 : vector<128x4xf32>, vector<128x4xf32> -> vector<128x8xf32>
    %swap3A = arith.constant 0 : index
    %swap3A_88 = arith.constant 0 : index
    %swap3A_89 = vector.load %arg5[%swap3A, %swap3A_88] : memref<128x8xf32, #tpu.memory_space<vmem>>, vector<128x8xf32>
    tpu.vector_store %arg5[%swap3A, %swap3A_88], %concatenate3A_87 {strides = array<i32>} : memref<128x8xf32, #tpu.memory_space<vmem>>, vector<128x8xf32>,
    %mul3A_90 = arith.mulf %convert_element_type3A_69, %convert_element_type3A_73 : vector<128x1xf32>
    %mul3A_91 = vector.broadcast %mul3A_90 : vector<128x1xf32> to vector<128x4xf32>
    %mul3A_92 = arith.mulf %broadcast_in_dim3A_82, %mul3A_91 : vector<128x4xf32>
    %mul3A_93 = arith.mulf %convert_element_type3A_69, %convert_element_type3A_78 : vector<128x1xf32>
    %mul3A_94 = vector.broadcast %mul3A_93 : vector<128x1xf32> to vector<128x4xf32>
    %mul3A_95 = arith.mulf %broadcast_in_dim3A_82, %mul3A_94 : vector<128x4xf32>
    %concatenate3A_96 = tpu.concatenate %mul3A_92, %mul3A_95 in 1 : vector<128x4xf32>, vector<128x4xf32> -> vector<128x8xf32>
    %swap3A_97 = arith.constant 0 : index
    %swap3A_98 = arith.constant 0 : index
    %swap3A_99 = vector.load %arg6[%swap3A_97, %swap3A_98] : memref<128x8xf32, #tpu.memory_space<vmem>>, vector<128x8xf32>
    tpu.vector_store %arg6[%swap3A_97, %swap3A_98], %concatenate3A_96 {strides = array<i32>} : memref<128x8xf32, #tpu.memory_space<vmem>>, vector<128x8xf32>,
    %mul3A_100 = arith.mulf %convert_element_type3A_69, %convert_element_type3A_73 : vector<128x1xf32>
    %mul3A_101 = vector.broadcast %mul3A_100 : vector<128x1xf32> to vector<128x4xf32>
    %mul3A_102 = arith.mulf %broadcast_in_dim3A_82, %mul3A_101 : vector<128x4xf32>
    %mul3A_103 = arith.mulf %convert_element_type3A_69, %convert_element_type3A_78 : vector<128x1xf32>
    %mul3A_104 = vector.broadcast %mul3A_103 : vector<128x1xf32> to vector<128x4xf32>
    %mul3A_105 = arith.mulf %broadcast_in_dim3A_82, %mul3A_104 : vector<128x4xf32>
    %concatenate3A_106 = tpu.concatenate %mul3A_102, %mul3A_105 in 1 : vector<128x4xf32>, vector<128x4xf32> -> vector<128x8xf32>
    %swap3A_107 = arith.constant 0 : index
    %swap3A_108 = arith.constant 0 : index
    %swap3A_109 = vector.load %arg7[%swap3A_107, %swap3A_108] : memref<128x8xf32, #tpu.memory_space<vmem>>, vector<128x8xf32>
    tpu.vector_store %arg7[%swap3A_107, %swap3A_108], %concatenate3A_106 {strides = array<i32>} : memref<128x8xf32, #tpu.memory_space<vmem>>, vector<128x8xf32>,
    %slice3A_110 = vector.extract_strided_slice %get3A_1 {offsets = [0, 0], sizes = [128, 5], strides = [1, 1]} : vector<128x16xf32> to vector<128x5xf32>
    %swap3A_111 = arith.constant 0 : index
    %swap3A_112 = arith.constant 0 : index
    %swap3A_113 = vector.load %arg2[%swap3A_111, %swap3A_112] : memref<128x5xf32, #tpu.memory_space<vmem>>, vector<128x5xf32>
    tpu.vector_store %arg2[%swap3A_111, %swap3A_112], %slice3A_110 {strides = array<i32>} : memref<128x5xf32, #tpu.memory_space<vmem>>, vector<128x5xf32>,
    %convert_element_type3A_114 = arith.fptosi %select_n3A : vector<128x1xf32> to vector<128x1xi32>
    %swap3A_115 = arith.constant 0 : index
    %swap3A_116 = arith.constant 0 : index
    %swap3A_117 = vector.load %arg3[%swap3A_115, %swap3A_116] : memref<128x1xi32, #tpu.memory_space<vmem>>, vector<128x1xi32>
    tpu.vector_store %arg3[%swap3A_115, %swap3A_116], %convert_element_type3A_114 {strides = array<i32>} : memref<128x1xi32, #tpu.memory_space<vmem>>, vector<128x1xi32>,
    %convert_element_type3A_118 = arith.fptosi %select_n3A_65 : vector<128x1xf32> to vector<128x1xi32>
    %swap3A_119 = arith.constant 0 : index
    %swap3A_120 = arith.constant 0 : index
    %swap3A_121 = vector.load %arg4[%swap3A_119, %swap3A_120] : memref<128x1xi32, #tpu.memory_space<vmem>>, vector<128x1xi32>
    tpu.vector_store %arg4[%swap3A_119, %swap3A_120], %convert_element_type3A_118 {strides = array<i32>} : memref<128x1xi32, #tpu.memory_space<vmem>>, vector<128x1xi32>,
    return
  }
}

</mosaic_0001>

<sc_bundles>
// kernel: kernel.5.cloned.1.call-start
scs
__scs_entry_jumppad:
0x0: {  	(pc) =	sbr.rel $0x88, $3  }
0x1: {  	(tag) =	ssettag $0x0;
	lr =	simm.s32 $0x1  }
0x2: {  	[smem:$0x3F9F] =	sst lr;
	_ =	strace $0xD0000000  }
0x3: {  	_ = 	snop  }
0x4: {  	_ = 	snop  }
0x5: {  	_ = 	snop  }
0x6: {  	_ = 	snop  }
0x7: {  	_ = 	snop  }
__scs_overlays_trampoline_lowered:
0x8: {  	[smem:$0x3FAE] =	sst s0  }
0x9: {  	[smem:$0x3FAF] =	sst s1  }
0xa: {  	[smem:$0x3FB0] =	sst s2  }
0xb: {  	[smem:$0x3FB1] =	sst s3  }
0xc: {  	[smem:$0x3FB2] =	sst s4  }
0xd: {  	[smem:$0x3FB3] =	sst s5  }
0xe: {  	[smem:$0x3FB4] =	sst s6  }
0xf: {  	[smem:$0x3FB5] =	sst s7  }
0x10: {  	[smem:$0x3FB6] =	sst s8  }
0x11: {  	[smem:$0x3FB7] =	sst s9;
	s0 =	simm.s32 @!p0 $0x0  }
0x12: {  	s1 =	sld [smem:$0x3F9D];
	s0 =	simm.s32 @p0 $0x1  }
0x13: {  	[smem:$0x3FB8] =	sst s0;
	s0 =	simm.s32 @!p1 $0x0  }
0x14: {  	s2 =	sld [smem:$0x3F9C];
	s0 =	simm.s32 @p1 $0x1  }
0x15: {  	[smem:$0x3FB9] =	sst s0;
	s0 =	simm.s32 @!p2 $0x0  }
0x16: {  	s3 =	sld [smem:$0x3FDB];
	s0 =	simm.s32 @p2 $0x1  }
0x17: {  	s4 =	simm.s32 $0x1BF5;
	[smem:$0x3FBB] =	sst s0  }
0x18: {  	s0 =	sld [smem:$0x3F9E];
	_ =	swait.ge [sflag:s4], $0x0  }
0x19: {  	s7 =	sld [smem:$0x3F9F]  }
0x1a: {  	s8 =	sadd.s32 $0xFFFFE003, lr  }
0x1b: {  	s9 =	sadd.s32 $0xFFFFFEF7, lr;
	s5 =	simm.s32 $0xFFFFFFFF;
	p2 =	slt.u32 s8, $0xFFFFF086  }
0x1c: {  	p1 =	slt.u32 s9, $0xF7A;
	s5 =	simm.s32 @!p2 $0x0  }
0x1d: {  	s5 =	simm.s32 @p1 $0x1;
	p0 =	seq.s32 s7, s2  }
0x1e: {  	s7 =	smul.u32 @!p0 $0xF7A, s2;
	p2 =	seq.s32 @!p0 s5, $0x0  }
0x1f: {  	s9 =	smul.u32 $0xF7A, s1;
	s8 =	simm.s32 @!p0 $0x1BF5;
	p2 =	por !p2, p0  }
0x20: {  	[sflag:s8] =	ssyncset.s32 @!p0 $0xFFFFF086;
	s6 =	sadd.s32 @!p0 s3, s7;
	s7 =	simm.s32 @!p0 $0x108  }
0x21: {  	s3 =	sadd.s32 s3, s9;
	s6 =	sadd.s32 @!p0 $0x88, s6;
	s7 =	simm.s32 @p2 $0x1082  }
0x22: {  	[simem:s7], [sflag:s8] =	dma.local @!p0 [hbm:s6], $0xF7A  }
0x23: {  	s9 =	sor.u32 $0xD0000000, s2;
	s6 =	simm.s32 $0x108;
	_ =	swait.ge @!p0 [sflag:s8], $0x0  }
0x24: {  	s3 =	sadd.s32 $0x88, s3;
	s6 =	simm.s32 @!p1 $0x1082;
	[sflag:s4] =	ssyncset.s32 $0xFFFFF086  }
0x25: {  	[simem:s6], [sflag:s4] =	dma.local [hbm:s3], $0xF7A  }
0x26: {  	[smem:$0x3F9F] =	sst s1;
	(tag) =	ssettag s2;
	_ =	strace s9  }
0x27: {  	s1 =	sld [smem:$0x3FAF]  }
0x28: {  	s2 =	sld [smem:$0x3FB0]  }
0x29: {  	s4 =	sld [smem:$0x3FB2]  }
0x2a: {  	p0 =	seq.s32 s5, $0x0;
	s5 =	sld [smem:$0x3FB3]  }
0x2b: {  	s6 =	sld [smem:$0x3FB4]  }
0x2c: {  	s7 =	sld [smem:$0x3FB5]  }
0x2d: {  	s3 =	simm.s32 $0x108;
	s8 =	sld [smem:$0x3FB6]  }
0x2e: {  	s3 =	simm.s32 @!p0 $0x1082;
	s9 =	sld [smem:$0x3FB7]  }
0x2f: {  	lr =	sadd.s32 s0, s3;
	s0 =	sld [smem:$0x3FAE]  }
0x30: {  	s3 =	sld [smem:$0x3FB1]  }
0x31: {  	[smem:$0x3FBA] =	sst s10  }
0x32: {  	s10 =	sld [smem:$0x3FB8];
	_ =	sdelay $0x3  }
0x33: {  	p0 =	seq.s32 s10, $0x1;
	s10 =	sld [smem:$0x3FBA];
	_ =	sdelay $0x3  }
0x34: {  	[smem:$0x3FBA] =	sst s10  }
0x35: {  	s10 =	sld [smem:$0x3FB9];
	_ =	sdelay $0x3  }
0x36: {  	p1 =	seq.s32 s10, $0x1;
	s10 =	sld [smem:$0x3FBA];
	_ =	sdelay $0x3  }
0x37: {  	[smem:$0x3FBA] =	sst s10  }
0x38: {  	s10 =	sld [smem:$0x3FBB]  }
0x39: {  	_ = 	snop;
	(pc) =	sbr.ind lr, $3  }
0x3a: {  	_ = 	snop  }
0x3b: {  	_ = 	snop  }
0x3c: {  	p2 =	seq.s32 s10, $0x1;
	s10 =	sld [smem:$0x3FBA]  }
0x3d: {  	_ =	shalt  }
0x3e: {  	_ =	shalt  }
0x3f: {  	_ =	shalt  }
0x40: {  	_ =	shalt  }
0x41: {  	_ =	shalt  }
0x42: {  	_ =	shalt  }
0x43: {  	_ =	shalt  }
0x44: {  	_ =	shalt  }
0x45: {  	_ =	shalt  }
0x46: {  	_ =	shalt  }
0x47: {  	_ =	shalt  }
0x48: {  	_ =	shalt  }
0x49: {  	_ =	shalt  }
0x4a: {  	_ =	shalt  }
0x4b: {  	_ =	shalt  }
0x4c: {  	_ =	shalt  }
0x4d: {  	_ =	shalt  }
0x4e: {  	_ =	shalt  }
0x4f: {  	_ =	shalt  }
0x50: {  	_ =	shalt  }
0x51: {  	_ =	shalt  }
0x52: {  	_ =	shalt  }
0x53: {  	_ =	shalt  }
0x54: {  	_ =	shalt  }
0x55: {  	_ =	shalt  }
0x56: {  	_ =	shalt  }
0x57: {  	_ =	shalt  }
0x58: {  	_ =	shalt  }
0x59: {  	_ =	shalt  }
0x5a: {  	_ =	shalt  }
0x5b: {  	_ =	shalt  }
0x5c: {  	_ =	shalt  }
0x5d: {  	_ =	shalt  }
0x5e: {  	_ =	shalt  }
0x5f: {  	_ =	shalt  }
0x60: {  	_ =	shalt  }
0x61: {  	_ =	shalt  }
0x62: {  	_ =	shalt  }
0x63: {  	_ =	shalt  }
0x64: {  	_ =	shalt  }
0x65: {  	_ =	shalt  }
0x66: {  	_ =	shalt  }
0x67: {  	_ =	shalt  }
0x68: {  	_ =	shalt  }
0x69: {  	_ =	shalt  }
0x6a: {  	_ =	shalt  }
0x6b: {  	_ =	shalt  }
0x6c: {  	_ =	shalt  }
0x6d: {  	_ =	shalt  }
0x6e: {  	_ =	shalt  }
0x6f: {  	_ =	shalt  }
0x70: {  	_ =	shalt  }
0x71: {  	_ =	shalt  }
0x72: {  	_ =	shalt  }
0x73: {  	_ =	shalt  }
0x74: {  	_ =	shalt  }
0x75: {  	_ =	shalt  }
0x76: {  	_ =	shalt  }
0x77: {  	_ =	shalt  }
0x78: {  	_ =	shalt  }
0x79: {  	_ =	shalt  }
0x7a: {  	_ =	shalt  }
0x7b: {  	_ =	shalt  }
0x7c: {  	_ =	shalt  }
0x7d: {  	_ =	shalt  }
0x7e: {  	_ =	shalt  }
0x7f: {  	_ =	shalt  }
0x80: {  	_ =	shalt  }
0x81: {  	_ =	shalt  }
0x82: {  	_ =	shalt  }
0x83: {  	_ =	shalt  }
0x84: {  	_ =	shalt  }
0x85: {  	_ =	shalt  }
0x86: {  	_ =	shalt  }
0x87: {  	_ =	shalt  }
.Lfunc_end0:
.L_simem_size_0:
called_computation_lowered:
.L_overlay_start_0:
0x88: {  	s0 =	sld [smem:$0x3FD9]  }
0x89: {  	s1 =	sld [smem:$0x3FFE];
	_ =	sdelay $0x3  }
0x8a: {  	s0 =	sadd.s32 s1, s0  }
0x8b: {  	[smem:$0x3FC6] =	sst s0  }
0x8c: {  	_ = 	snop  }
0x8d: {  	s0 =	sld [smem:$0x3FD0];
	_ =	sdelay $0x2  }
0x8e: {  	s13 =	simm.s32 $0xA;
	s2 =	simm.s32 $0x10  }
0x8f: {  	[smem:s2], [sflag:s13] =	dma.local [hbm:s0], $0x1  }
0x90: {  	_ =	swait.eq [sflag:s13], $0x1  }
0x91: {  	[sflag:s13] =	ssyncset.done $0x0  }
0x92: {  	s14 =	sld [smem:$0x14];
	[sflag:s13] =	ssyncadd.s32 $0xFFFFFFFF  }
0x93: {  	s15 =	sld [smem:$0x15];
	(tm) =	ssettm $0x1  }
0x94: {  	s16 =	sld [smem:$0x3FFB];
	_ =	sdelay $0x3  }
0x95: {  	_ =	strace s16  }
0x96: {  	s2 =	sld [smem:$0x3FFC];
	_ =	sdelay $0x3  }
0x97: {  	_ =	strace s2  }
0x98: {  	s2 =	sld [smem:$0x3FFD];
	_ =	sdelay $0x3  }
0x99: {  	_ =	strace s2  }
0x9a: {  	_ =	strace $0x8FFFFFFF  }
0x9b: {  	s17 =	sld [smem:$0x3FDB];
	_ =	sdelay $0x1  }
0x9c: {  	s3 =	simm.s32 $_scs_section_size  }
0x9d: {  	s4 =	simm.s32 $_size__tile_overlayer_lowered;
	s5 =	simm.s32 $_tile_overlayer_lowered  }
0x9e: {  	s20 =	simm.s32 $0x1BFF;
	s19 =	sshll.u32 s5, $0x1;
	s2 =	sadd.s32 s3, s17  }
0x9f: {  	s6 =	simm.s32 $0x0;
	s18 =	sshll.u32 s4, $0x1;
	s4 =	sadd.s32 s19, s2  }
0xa0: {  	[timem:s6], [sflag:s20] =	dma.local [hbm:s4], s18  }
0xa1: {  	_ =	swait.ge [sflag:s20], s18  }
0xa2: {  	s3 =	ssub.s32 $0x0, s18;
	[sflag:s20] =	ssyncset.done $0x0  }
0xa3: {  	[sflag:s20] =	ssyncadd.s32 s3;
	_ =	sdelay $0x1  }
0xa4: {  	s21 =	simm.s32 $0x1B8B  }
0xa5: {  	_ =	swait.ge [sflag:s21], $0x1  }
0xa6: {  	[sflag:s21] =	ssyncset.done $0x0  }
0xa7: {  	s23 =	simm.s32 $0x1B8E;
	s22 =	sld [smem:$0x3FFE];
	[sflag:s21] =	ssyncadd.s32 $0xFFFFFFFF  }
0xa8: {  	s24 =	simm.s32 $execute0_lowered;
	[smem:$0x3FD2] =	sst s23  }
0xa9: {  	s4 =	sshll.u32 s24, $0x1;
	_ =	strace $0x80000046;
	[dreg:$0x1] =	wrdreg $0xFFFFFFFF  }
0xaa: {  	s25 =	simm.s32 $_size_execute0_lowered;
	s2 =	sadd.s32 s2, s4;
	[dreg:$0x0] =	wrdreg $0x0  }
0xab: {  	s4 =	sshll.u32 s25, $0x1;
	[dreg:$0x2] =	wrdreg s2  }
0xac: {  	[dreg:$0x3] =	wrdreg s4  }
0xad: {  	[dreg:$0x4] =	wrdreg $0xC0  }
0xae: {  	_ =	task [dreg:s6], $0x5FFFF  }
0xaf: {  	[dreg:$0x1] =	wrdreg $0xFFFFFFFF  }
0xb0: {  	[dreg:$0x0] =	wrdreg $0x60  }
0xb1: {  	[dreg:$0x2] =	wrdreg s22  }
0xb2: {  	[dreg:$0x3] =	wrdreg s15  }
0xb3: {  	[dreg:$0x4] =	wrdreg s14  }
0xb4: {  	[dreg:$0x5] =	wrdreg $0x1B200  }
0xb5: {  	[dreg:$0x6] =	wrdreg $0x1B300  }
0xb6: {  	[dreg:$0x7] =	wrdreg $0x9  }
0xb7: {  	_ =	task.clear_ibuf [dreg:s6], $0x8FFFF;
	_ =	strace $0x90000046  }
0xb8: {  	s26 =	simm.s32 $0x9;
	_ =	strace $0x80000048  }
0xb9: {  	_ =	swait.ge [sflag:s26], $0x1  }
0xba: {  	[sflag:s26] =	ssyncadd.s32 $0xFFFFFFFF  }
0xbb: {  	_ =	strace $0x90000048  }
0xbc: {  	_ =	sfence  }
0xbd: {  	s28 =	sld [smem:$0x0];
	_ =	sdelay $0x1  }
0xbe: {  	s29 =	srdreg.scid  }
0xbf: {  	s30 =	sshll.u32 s29, $0xD;
	s31 =	sshrl.u32 s29, $0x2  }
0xc0: {  	s1 =	sand.u32 $0x1, s29;
	s2 =	sand.u32 $0x4000, s30;
	s0 =	sadd.s32 s31, s28  }
0xc1: {  	s1 =	sor.u32 s2, s1;
	s0 =	sshll.u32 s0, $0x11  }
0xc2: {  	s0 =	sor.u32 s0, s1  }
0xc3: {  	s0 =	sadd.s32 $0x8F2B, s0  }
0xc4: {  	[sflag:s0] =	ssyncadd.remote.s32 $0x1  }
0xc5: {  	_ =	sfence.sel $0xFFFF  }
0xc6: {  	[dreg:$0x0] =	wrdreg $0xFFFFFFFF;
	(pc) =	sbr.abs _section_cstart, $3  }
0xc7: {  	[dreg:$0x1] =	wrdreg $0xFFFFFFFF  }
0xc8: {  	_ =	task.clear_ibuf [dreg:s6], $0x2FFFF;
	_ =	strace $0x9FFFFFFF  }
0xc9: {  	(tm) =	ssettm $0x7FFFFFFF  }
tec
execute0_lowered:
.L_overlay_start_1:
0x0: {  	(tag) =	ssettag $0x1  }
0x1: {  	s3 =	rddreg [dreg:$0x0]  }
0x2: {  	s2 =	rddreg [dreg:$0x1]  }
0x3: {  	s1 =	rddreg [dreg:$0x2];
	s6 =	stileid.u32  }
0x4: {  	s9 =	rddreg [dreg:$0x3];
	s7 =	smul.u32 $0x500, s6  }
0x5: {  	s5 =	rddreg [dreg:$0x4]  }
0x6: {  	s0 =	rddreg [dreg:$0x5];
	s4 =	simm.s32 $0x0;
	s8 =	sshrl.u32 s7, $0x3  }
0x7: {  	[smem:$0x7FF] =	sst s4;
	s8 =	sadd.s32 s8, s3  }
0x8: {  	s31 =	simm.s32 $0x2;
	_ =	strace $0x80000047;
	s8 =	sadd.s32 $0x200, s8  }
0x9: {  	[tilespmem:s4], [sflag:$0x2] =	stream.linear.gather [hbm4b:s8+s4], $0x500, $0x38;
	[tilespmem:$0x1BB0] =	vst v63  }
0xa: {  	_ =	swait.ge [sflag:s31], $0x500  }
0xb: {  	[sflag:s31] =	ssyncset.done $0x0  }
0xc: {  	s10 =	simm.s32 $0x0;
	[sflag:s31] =	ssyncadd.s32 $0xFFFFFB00  }
0xd: {  	v6 =	vimm.s32 $0x0;
	v0 =	vimm.s32 $0x0;
	v7 =	vimm.s32 $0x0;
	s4 =	sadd.s32 $0xC00, s3;
	s3 =	sadd.s32 $0xAC00, s3;
	s8 =	simm.s32 $0x40;
	v8 =	vld [tilespmem:s10+$0x0]  }
.LBB2_1:
0xe: {  	_ =	sdelay $0x1  }
0xf: {  	p0 =	sne.s32 s8, $0x13C0  }
.Ltmp0:
0x10: {  	_ = 	snop;
	(pc) =	sbr.rel @p0 .LBB2_1-.Ltmp0, $4  }
0x11: {  	vm0 =	vge.f32 v8, $5.000000000e-01;
	vm1 =	vge.f32 v8, $1.000000010e-01;
	vm2 =	vlt.f32 v8, $5.000000000e-01  }
0x12: {  	vm1 =	vmand vm1, vm2;
	v1 =	vsel vm0, $0x1, v6  }
0x13: {  	s10 =	sshra.s32 s8, $0x2;
	v0 =	vadd.s32 v1, v0;
	v1 =	vsel vm1, $0x1, v6  }
0x14: {  	s8 =	sadd.s32 $0x40, s8;
	v8 =	vld [tilespmem:s10+$0x0];
	v7 =	vadd.s32 v1, v7  }
0x15: {  	v1 =	vimm.s32 $0xEDCBA987  }
0x16: {  	v2 =	vimm.s32 $0x65432100;
	v1 =	vunpack.c.l.s4.s8 v1  }
0x17: {  	v2 =	vunpack.c.l.s4.s8 v2  }
0x18: {  	v1 =	vunpack.c.0.s8.s32 v1  }
0x19: {  	v2 =	vunpack.c.0.s8.s32 v2  }
0x1a: {  	v1 =	vand.u32 $0xF, v1  }
0x1b: {  	v1 =	vcombine.low v2, v1;
	_ =	sdelay $0x1  }
0x1c: {  	vm0 =	vge.f32 v8, $5.000000000e-01;
	v2 =	vimm.s32 $0xDCBA9876  }
0x1d: {  	v4 =	vimm.s32 $0x54321000;
	v3 =	vsel vm0, $0x1, v6;
	v2 =	vunpack.c.l.s4.s8 v2  }
0x1e: {  	v3 =	vadd.s32 v3, v0;
	v0 =	vunpack.c.l.s4.s8 v4  }
0x1f: {  	s8 =	simm.s32 $0x590;
	[tilespmem:$0x590] =	vst v3;
	v2 =	vunpack.c.0.s8.s32 v2  }
0x20: {  	v0 =	vunpack.c.0.s8.s32 v0;
	v4 =	vld.idx.msk [tilespmem:v1+s8+$0x0], $0xffff  }
0x21: {  	v2 =	vand.u32 $0xF, v2  }
0x22: {  	v2 =	vcombine.low v0, v2  }
0x23: {  	v0 =	vlaneseq.u32  }
0x24: {  	v5 =	vimm.s32 $0xBA987654;
	vm0 =	veq.s32 v0, $0x0  }
0x25: {  	v9 =	vimm.s32 $0x32100000;
	v5 =	vunpack.c.l.s4.s8 v5;
	v4 =	vsel vm0, $0x0, v4  }
0x26: {  	v4 =	vadd.s32 v3, v4;
	v3 =	vunpack.c.l.s4.s8 v9  }
0x27: {  	v5 =	vunpack.c.0.s8.s32 v5;
	[tilespmem:$0x590] =	vst v4  }
0x28: {  	v9 =	vld.idx.msk [tilespmem:v2+s8+$0x0], $0xffff;
	v3 =	vunpack.c.0.s8.s32 v3  }
0x29: {  	v5 =	vand.u32 $0xF, v5  }
0x2a: {  	v3 =	vcombine.low v3, v5  }
0x2b: {  	v5 =	vimm.s32 $0xE40000  }
0x2c: {  	vm1 =	vmmov $0x3;
	v5 =	vunpack.c.l.s2.s4 v5  }
0x2d: {  	v9 =	vsel vm1, $0x0, v9  }
0x2e: {  	v9 =	vadd.s32 v4, v9;
	v4 =	vunpack.c.l.s4.s8 v5  }
0x2f: {  	[tilespmem:$0x590] =	vst v9  }
0x30: {  	v10 =	vimm.s32 $0x7060504;
	v5 =	vld.idx.msk [tilespmem:v3+s8+$0x0], $0xffff;
	v4 =	vunpack.c.0.s8.s32 v4  }
0x31: {  	v10 =	vunpack.c.0.s8.s32 v10  }
0x32: {  	vm2 =	vcmask $0x3F30;
	v4 =	vand.u32 $0x3, v4  }
0x33: {  	v4 =	vsel vm2, v10, v4  }
0x34: {  	vm2 =	vmmov $0xf  }
0x35: {  	v5 =	vsel vm2, $0x0, v5  }
0x36: {  	v9 =	vadd.s32 v9, v5  }
0x37: {  	[tilespmem:$0x590] =	vst v9  }
0x38: {  	v10 =	vld.idx.msk [tilespmem:v4+s8+$0x0], $0xffff;
	_ =	sdelay $0x2  }
0x39: {  	v5 =	vimm.s32 $0xF  }
0x3a: {  	vm3 =	vmmov $0xff;
	vm4 =	vge.f32 v8, $1.000000010e-01;
	vm5 =	vlt.f32 v8, $5.000000000e-01  }
0x3b: {  	vm4 =	vmand vm4, vm5;
	v8 =	vsel vm3, $0x0, v10  }
0x3c: {  	v6 =	vsel vm4, $0x1, v6;
	v8 =	vadd.s32 v9, v8  }
0x3d: {  	v6 =	vadd.s32 v6, v7;
	[tilespmem:$0x590] =	vst v8  }
0x3e: {  	v7 =	vld.idx.msk [tilespmem:v5+s8+$0x0], $0xffff;
	[tilespmem:$0x590] =	vst v6  }
0x3f: {  	v8 =	vld.idx.msk [tilespmem:v1+s8+$0x0], $0xffff;
	_ =	sdelay $0x4  }
0x40: {  	v8 =	vsel vm0, $0x0, v8  }
0x41: {  	v6 =	vadd.s32 v6, v8  }
0x42: {  	[tilespmem:$0x590] =	vst v6  }
0x43: {  	v8 =	vld.idx.msk [tilespmem:v2+s8+$0x0], $0xffff;
	_ =	sdelay $0x4  }
0x44: {  	v8 =	vsel vm1, $0x0, v8  }
0x45: {  	v6 =	vadd.s32 v6, v8  }
0x46: {  	[tilespmem:$0x590] =	vst v6  }
0x47: {  	v8 =	vld.idx.msk [tilespmem:v3+s8+$0x0], $0xffff;
	_ =	sdelay $0x4  }
0x48: {  	v8 =	vsel vm2, $0x0, v8  }
0x49: {  	v6 =	vadd.s32 v6, v8  }
0x4a: {  	[tilespmem:$0x590] =	vst v6  }
0x4b: {  	v8 =	vld.idx.msk [tilespmem:v4+s8+$0x0], $0xffff;
	_ =	sdelay $0x4  }
0x4c: {  	v8 =	vsel vm3, $0x0, v8  }
0x4d: {  	v6 =	vadd.s32 v6, v8  }
0x4e: {  	[tilespmem:$0x590] =	vst v6  }
0x4f: {  	v6 =	vld.idx.msk [tilespmem:v5+s8+$0x0], $0xffff;
	_ =	sdelay $0x3  }
0x50: {  	vm4 =	vcmask $0x3F08  }
0x51: {  	v6 =	vsel vm4, $0x0, v6;
	vm4 =	vmmov $0x1  }
0x52: {  	s10 =	sshll.u32 s6, $0x4;
	v6 =	vsel vm4, v7, v6  }
0x53: {  	s11 =	simm.s32 $0x580;
	s28 =	simm.s32 $0x2;
	s10 =	sadd.s32 s10, s9;
	[tilespmem:$0x580] =	vst v6  }
0x54: {  	[spmem:s10] =	stream.linear.scatter [tilespmem:s11], [sflag:$0x2], $0x10, $0x38;
	[tilespmem:$0x1BB0] =	vst v63  }
0x55: {  	_ =	swait.ge [sflag:s28], $0x10  }
0x56: {  	[sflag:s28] =	ssyncset.done $0x0  }
0x57: {  	v6 =	vmul.u32 $0x10, v0;
	[sflag:s28] =	ssyncadd.s32 $0xFFFFFFF0  }
0x58: {  	s29 =	simm.s32 $0x5A0;
	[bflag:$0x0] =	sbarrier.arrive $0xFFFF  }
0x59: {  	[tilespmem:s29], [sflag:$0x2] =	stream.linear.gather [spmem:s9], $0x100, $0x38;
	[tilespmem:$0x1BB0] =	vst v63  }
0x5a: {  	_ =	swait.ge [sflag:s28], $0x100  }
0x5b: {  	[sflag:s28] =	ssyncset.done $0x0  }
0x5c: {  	[sflag:s28] =	ssyncadd.s32 $0xFFFFFF00  }
0x5d: {  	v7 =	vld.idx.msk [tilespmem:v6+s29+$0x0], $0xffff  }
0x5e: {  	v6 =	vor.u32 $0x1, v6;
	_ =	sdelay $0x1  }
0x5f: {  	v8 =	vmov s6  }
0x60: {  	vm4 =	vgt.u32 v8, v0  }
0x61: {  	v7 =	vnsel vm4, $0x0, v7  }
0x62: {  	v6 =	vld.idx.msk [tilespmem:v6+s29+$0x0], $0xffff;
	[tilespmem:$0x590] =	vst v7  }
0x63: {  	v8 =	vld.idx.msk [tilespmem:v1+s8+$0x0], $0xffff;
	_ =	sdelay $0x4  }
0x64: {  	v8 =	vsel vm0, $0x0, v8  }
0x65: {  	v7 =	vadd.s32 v7, v8  }
0x66: {  	[tilespmem:$0x590] =	vst v7  }
0x67: {  	v8 =	vld.idx.msk [tilespmem:v2+s8+$0x0], $0xffff;
	_ =	sdelay $0x4  }
0x68: {  	v8 =	vsel vm1, $0x0, v8  }
0x69: {  	v7 =	vadd.s32 v7, v8  }
0x6a: {  	[tilespmem:$0x590] =	vst v7  }
0x6b: {  	v8 =	vld.idx.msk [tilespmem:v3+s8+$0x0], $0xffff;
	_ =	sdelay $0x4  }
0x6c: {  	v8 =	vsel vm2, $0x0, v8  }
0x6d: {  	v7 =	vadd.s32 v7, v8  }
0x6e: {  	[tilespmem:$0x590] =	vst v7  }
0x6f: {  	v8 =	vld.idx.msk [tilespmem:v4+s8+$0x0], $0xffff;
	_ =	sdelay $0x4  }
0x70: {  	v8 =	vsel vm3, $0x0, v8  }
0x71: {  	v7 =	vadd.s32 v7, v8  }
0x72: {  	v6 =	vnsel vm4, $0x0, v6;
	[tilespmem:$0x590] =	vst v7  }
0x73: {  	v8 =	vld.idx.msk [tilespmem:v5+s8+$0x0], $0xffff;
	[tilespmem:$0x590] =	vst v6  }
0x74: {  	v7 =	vld.idx.msk [tilespmem:v1+s8+$0x0], $0xffff;
	_ =	sdelay $0x4  }
0x75: {  	v7 =	vsel vm0, $0x0, v7  }
0x76: {  	v6 =	vadd.s32 v6, v7  }
0x77: {  	[tilespmem:$0x590] =	vst v6  }
0x78: {  	v7 =	vld.idx.msk [tilespmem:v2+s8+$0x0], $0xffff;
	_ =	sdelay $0x4  }
0x79: {  	v7 =	vsel vm1, $0x0, v7  }
0x7a: {  	v6 =	vadd.s32 v6, v7  }
0x7b: {  	[tilespmem:$0x590] =	vst v6  }
0x7c: {  	v7 =	vld.idx.msk [tilespmem:v3+s8+$0x0], $0xffff;
	_ =	sdelay $0x4  }
0x7d: {  	v7 =	vsel vm2, $0x0, v7  }
0x7e: {  	v6 =	vadd.s32 v6, v7  }
0x7f: {  	[tilespmem:$0x590] =	vst v6  }
0x80: {  	v7 =	vld.idx.msk [tilespmem:v4+s8+$0x0], $0xffff;
	_ =	sdelay $0x4  }
0x81: {  	v7 =	vsel vm3, $0x0, v7  }
0x82: {  	v6 =	vadd.s32 v6, v7  }
0x83: {  	v7 =	vimm.s32 $0x0;
	[tilespmem:$0x590] =	vst v6  }
0x84: {  	v6 =	vld.idx.msk [tilespmem:v5+s8+$0x0], $0xffff;
	[tilespmem:$0x500] =	vst v7  }
0x85: {  	[tilespmem:$0x510] =	vst v7  }
0x86: {  	[tilespmem:$0x520] =	vst v7  }
0x87: {  	[tilespmem:$0x530] =	vst v7  }
0x88: {  	[tilespmem:$0x540] =	vst v7  }
0x89: {  	[tilespmem:$0x550] =	vst v7  }
0x8a: {  	[tilespmem:$0x560] =	vst v7  }
0x8b: {  	s30 =	simm.s32 $0x0;
	[tilespmem:$0x570] =	vst v7  }
0x8c: {  	v9 =	vld [tilespmem:s30+$0x0];
	_ =	sdelay $0x4  }
0x8d: {  	vm4 =	vge.f32 v9, $5.000000000e-01  }
0x8e: {  	v10 =	vsel vm4, $0x1, v7  }
0x8f: {  	[tilespmem:$0x590] =	vst v10  }
0x90: {  	v11 =	vld.idx.msk [tilespmem:v1+s8+$0x0], $0xffff;
	_ =	sdelay $0x4  }
0x91: {  	v11 =	vsel vm0, $0x0, v11  }
0x92: {  	v10 =	vadd.s32 v10, v11  }
0x93: {  	[tilespmem:$0x590] =	vst v10  }
0x94: {  	v11 =	vld.idx.msk [tilespmem:v2+s8+$0x0], $0xffff;
	_ =	sdelay $0x4  }
0x95: {  	v11 =	vsel vm1, $0x0, v11  }
0x96: {  	v10 =	vadd.s32 v10, v11  }
0x97: {  	[tilespmem:$0x590] =	vst v10  }
0x98: {  	v11 =	vld.idx.msk [tilespmem:v3+s8+$0x0], $0xffff;
	_ =	sdelay $0x4  }
0x99: {  	vm5 =	vge.f32 v9, $1.000000010e-01;
	vm6 =	vlt.f32 v9, $5.000000000e-01;
	v11 =	vsel vm2, $0x0, v11  }
0x9a: {  	vm5 =	vmand vm5, vm6;
	v9 =	vadd.s32 v10, v11  }
0x9b: {  	v11 =	vsel vm5, $0x1, v7;
	[tilespmem:$0x590] =	vst v9  }
0x9c: {  	v10 =	vld.idx.msk [tilespmem:v4+s8+$0x0], $0xffff;
	[tilespmem:$0x590] =	vst v11  }
0x9d: {  	v12 =	vld.idx.msk [tilespmem:v1+s8+$0x0], $0xffff;
	_ =	sdelay $0x4  }
0x9e: {  	v12 =	vsel vm0, $0x0, v12  }
0x9f: {  	v11 =	vadd.s32 v11, v12  }
0xa0: {  	[tilespmem:$0x590] =	vst v11  }
0xa1: {  	v59 =	vld.idx.msk [tilespmem:v2+s8+$0x0], $0xffff;
	_ =	sdelay $0x4  }
0xa2: {  	v12 =	vsel vm1, $0x0, v59  }
0xa3: {  	v11 =	vadd.s32 v11, v12  }
0xa4: {  	[tilespmem:$0x590] =	vst v11  }
0xa5: {  	v60 =	vld.idx.msk [tilespmem:v3+s8+$0x0], $0xffff;
	_ =	sdelay $0x4  }
0xa6: {  	v12 =	vsel vm2, $0x0, v60  }
0xa7: {  	v11 =	vadd.s32 v11, v12  }
0xa8: {  	[tilespmem:$0x590] =	vst v11  }
0xa9: {  	v61 =	vld.idx.msk [tilespmem:v4+s8+$0x0], $0xffff;
	_ =	sdelay $0x4  }
0xaa: {  	v8 =	vadd.s32 $0xFFFFFFFF, v8;
	v12 =	vsel vm3, $0x0, v61  }
0xab: {  	v62 =	vadd.s32 v6, v7;
	v10 =	vsel vm3, $0x0, v10;
	v11 =	vadd.s32 v11, v12  }
0xac: {  	v9 =	vadd.s32 v9, v10;
	v10 =	vadd.s32 v7, v8;
	v12 =	vadd.s32 v11, v62  }
0xad: {  	v10 =	vadd.s32 v9, v10;
	v13 =	vadd.s32 $0xFFFFFFFF, v12  }
0xae: {  	vm6 =	vlt.s32 v10, $0x20;
	vm7 =	vlt.s32 v13, $0x60  }
0xaf: {  	vm4 =	vmand vm4, vm6;
	v12 =	vadd.s32 $0x1F, v12;
	vm5 =	vmand vm5, vm7  }
0xb0: {  	v12 =	vnsel vm5, $0x0, v12;
	vm5 =	vmor vm4, vm5  }
0xb1: {  	v10 =	vsel vm4, v10, v12;
	_ =	sdelay $0x3  }
0xb2: {  	v63 =	vor.u32 s7, v0;
	s9 =	simm.s32 $0x500  }
0xb3: {  	[tilespmem:v10+s9+$0x0] =	vst.idx.msk vm5, v63  }
0xb4: {  	[tilespmem:$0x590] =	vst v9  }
0xb5: {  	s31 =	simm.s32 $0x10;
	v9 =	vld.idx.msk [tilespmem:v5+s8+$0x0], $0xffff;
	[tilespmem:$0x590] =	vst v11  }
0xb6: {  	v10 =	vld [tilespmem:s31+$0x0];
	_ =	sdelay $0x3  }
0xb7: {  	v11 =	vld.idx.msk [tilespmem:v5+s8+$0x0], $0xffff  }
0xb8: {  	v9 =	vadd.s32 v7, v9;
	vm4 =	vge.f32 v10, $5.000000000e-01  }
0xb9: {  	s10 =	simm.s32 $0x80;
	vm5 =	vge.f32 v10, $1.000000010e-01;
	vm6 =	vlt.f32 v10, $5.000000000e-01;
	v10 =	vimm.s32 $0x0  }
.LBB2_3:
0xba: {  	p0 =	sne.s32 s10, $0x13C0  }
0xbb: {  	v12 =	vsel vm4, $0x1, v7;
	s7 =	sadd.s32 $0x10, s7;
	s11 =	smov.u32 s10;
	s10 =	sadd.s32 $0x40, s10  }
0xbc: {  	v10 =	vadd.s32 v10, v11;
	[tilespmem:$0x590] =	vst v12  }
0xbd: {  	v11 =	vld.idx.msk [tilespmem:v1+s8+$0x0], $0xffff;
	_ =	sdelay $0x5  }
0xbe: {  	v11 =	vsel vm0, $0x0, v11  }
0xbf: {  	v11 =	vadd.s32 v12, v11  }
0xc0: {  	[tilespmem:$0x590] =	vst v11  }
0xc1: {  	v12 =	vld.idx.msk [tilespmem:v2+s8+$0x0], $0xffff;
	_ =	sdelay $0x5  }
0xc2: {  	v12 =	vsel vm1, $0x0, v12  }
0xc3: {  	v11 =	vadd.s32 v11, v12  }
0xc4: {  	[tilespmem:$0x590] =	vst v11  }
0xc5: {  	v12 =	vld.idx.msk [tilespmem:v3+s8+$0x0], $0xffff;
	_ =	sdelay $0x5  }
0xc6: {  	v12 =	vsel vm2, $0x0, v12  }
0xc7: {  	v11 =	vadd.s32 v11, v12  }
0xc8: {  	vm5 =	vmand vm5, vm6;
	[tilespmem:$0x590] =	vst v11  }
0xc9: {  	v13 =	vsel vm5, $0x1, v7;
	v12 =	vld.idx.msk [tilespmem:v4+s8+$0x0], $0xffff  }
0xca: {  	[tilespmem:$0x590] =	vst v13  }
0xcb: {  	v14 =	vld.idx.msk [tilespmem:v1+s8+$0x0], $0xffff;
	_ =	sdelay $0x3  }
0xcc: {  	v12 =	vsel vm3, $0x0, v12  }
0xcd: {  	v11 =	vadd.s32 v11, v12  }
0xce: {  	v12 =	vsel vm0, $0x0, v14  }
0xcf: {  	v12 =	vadd.s32 v13, v12  }
0xd0: {  	[tilespmem:$0x590] =	vst v12  }
0xd1: {  	v13 =	vld.idx.msk [tilespmem:v2+s8+$0x0], $0xffff;
	_ =	sdelay $0x5  }
0xd2: {  	v13 =	vsel vm1, $0x0, v13  }
0xd3: {  	v12 =	vadd.s32 v12, v13  }
0xd4: {  	[tilespmem:$0x590] =	vst v12  }
0xd5: {  	v13 =	vld.idx.msk [tilespmem:v3+s8+$0x0], $0xffff;
	_ =	sdelay $0x5  }
0xd6: {  	v13 =	vsel vm2, $0x0, v13  }
0xd7: {  	v12 =	vadd.s32 v12, v13  }
0xd8: {  	[tilespmem:$0x590] =	vst v12  }
0xd9: {  	v13 =	vld.idx.msk [tilespmem:v4+s8+$0x0], $0xffff;
	_ =	sdelay $0x5  }
0xda: {  	v13 =	vsel vm3, $0x0, v13  }
0xdb: {  	v12 =	vadd.s32 v12, v13;
	v13 =	vadd.s32 v6, v10  }
0xdc: {  	v14 =	vadd.s32 v9, v8;
	v13 =	vadd.s32 v12, v13  }
0xdd: {  	v14 =	vadd.s32 v11, v14;
	v15 =	vadd.s32 $0xFFFFFFFF, v13  }
0xde: {  	vm6 =	vlt.s32 v14, $0x20;
	vm7 =	vlt.s32 v15, $0x60  }
0xdf: {  	vm4 =	vmand vm4, vm6;
	v13 =	vadd.s32 $0x1F, v13;
	vm5 =	vmand vm5, vm7  }
0xe0: {  	v13 =	vnsel vm5, $0x0, v13;
	vm5 =	vmor vm4, vm5  }
0xe1: {  	v13 =	vsel vm4, v14, v13;
	_ =	sdelay $0x3  }
0xe2: {  	v14 =	vor.u32 s7, v0  }
0xe3: {  	[tilespmem:v13+s9+$0x0] =	vst.idx.msk vm5, v14  }
0xe4: {  	[tilespmem:$0x590] =	vst v11  }
0xe5: {  	v13 =	vld.idx.msk [tilespmem:v5+s8+$0x0], $0xffff  }
0xe6: {  	s11 =	sshra.s32 s11, $0x2;
	[tilespmem:$0x590] =	vst v12  }
0xe7: {  	v12 =	vld [tilespmem:s11+$0x0]  }
.Ltmp1:
0xe8: {  	v11 =	vld.idx.msk [tilespmem:v5+s8+$0x0], $0xffff;
	(pc) =	sbr.rel @p0 .LBB2_3-.Ltmp1, $3  }
0xe9: {  	_ =	sdelay $0x1  }
0xea: {  	v9 =	vadd.s32 v9, v13  }
0xeb: {  	vm4 =	vge.f32 v12, $5.000000000e-01;
	vm5 =	vge.f32 v12, $1.000000010e-01;
	vm6 =	vlt.f32 v12, $5.000000000e-01  }
0xec: {  	_ =	sdelay $0x1  }
0xed: {  	v5 =	vsel vm4, $0x1, v7  }
0xee: {  	[tilespmem:$0x590] =	vst v5  }
0xef: {  	v12 =	vld.idx.msk [tilespmem:v1+s8+$0x0], $0xffff;
	_ =	sdelay $0x4  }
0xf0: {  	v12 =	vsel vm0, $0x0, v12  }
0xf1: {  	v5 =	vadd.s32 v5, v12  }
0xf2: {  	[tilespmem:$0x590] =	vst v5  }
0xf3: {  	v50 =	vld.idx.msk [tilespmem:v2+s8+$0x0], $0xffff;
	_ =	sdelay $0x4  }
0xf4: {  	v12 =	vsel vm1, $0x0, v50  }
0xf5: {  	v5 =	vadd.s32 v5, v12  }
0xf6: {  	[tilespmem:$0x590] =	vst v5  }
0xf7: {  	v51 =	vld.idx.msk [tilespmem:v3+s8+$0x0], $0xffff;
	_ =	sdelay $0x4  }
0xf8: {  	v12 =	vsel vm2, $0x0, v51  }
0xf9: {  	vm5 =	vmand vm5, vm6;
	v5 =	vadd.s32 v5, v12  }
0xfa: {  	v53 =	vsel vm5, $0x1, v7;
	[tilespmem:$0x590] =	vst v5  }
0xfb: {  	v52 =	vld.idx.msk [tilespmem:v4+s8+$0x0], $0xffff;
	[tilespmem:$0x590] =	vst v53  }
0xfc: {  	v54 =	vld.idx.msk [tilespmem:v1+s8+$0x0], $0xffff;
	_ =	sdelay $0x4  }
0xfd: {  	v1 =	vsel vm0, $0x0, v54  }
0xfe: {  	v1 =	vadd.s32 v53, v1  }
0xff: {  	[tilespmem:$0x590] =	vst v1  }
0x100: {  	v55 =	vld.idx.msk [tilespmem:v2+s8+$0x0], $0xffff;
	_ =	sdelay $0x4  }
0x101: {  	v2 =	vsel vm1, $0x0, v55  }
0x102: {  	v1 =	vadd.s32 v1, v2  }
0x103: {  	[tilespmem:$0x590] =	vst v1  }
0x104: {  	v56 =	vld.idx.msk [tilespmem:v3+s8+$0x0], $0xffff;
	_ =	sdelay $0x4  }
0x105: {  	v2 =	vsel vm2, $0x0, v56  }
0x106: {  	v1 =	vadd.s32 v1, v2  }
0x107: {  	[tilespmem:$0x590] =	vst v1  }
0x108: {  	v57 =	vld.idx.msk [tilespmem:v4+s8+$0x0], $0xffff;
	_ =	sdelay $0x4  }
0x109: {  	v58 =	vadd.s32 v10, v11;
	v2 =	vsel vm3, $0x0, v57  }
0x10a: {  	v60 =	vadd.s32 v6, v58;
	v59 =	vsel vm3, $0x0, v52;
	v1 =	vadd.s32 v1, v2  }
0x10b: {  	v62 =	vadd.s32 v9, v8;
	v61 =	vadd.s32 v5, v59;
	v2 =	vadd.s32 v1, v60  }
0x10c: {  	v4 =	vadd.s32 v61, v62;
	v63 =	vadd.s32 $0xFFFFFFFF, v2  }
0x10d: {  	vm14 =	vlt.s32 v4, $0x20;
	vm15 =	vlt.s32 v63, $0x60  }
0x10e: {  	vm0 =	vmand vm4, vm14;
	v2 =	vadd.s32 $0x1F, v2;
	vm1 =	vmand vm5, vm15  }
0x10f: {  	v2 =	vnsel vm1, $0x0, v2;
	vm1 =	vmor vm0, vm1  }
0x110: {  	v2 =	vsel vm0, v4, v2;
	_ =	sdelay $0x2  }
0x111: {  	s7 =	sadd.s32 $0x10, s7  }
0x112: {  	v0 =	vor.u32 s7, v0  }
0x113: {  	[tilespmem:v2+s9+$0x0] =	vst.idx.msk vm1, v0  }
0x114: {  	s31 =	sshll.u32 s6, $0x7;
	[tilespmem:$0x590] =	vst v61  }
0x115: {  	s7 =	sadd.s32 s31, s5;
	s8 =	simm.s32 $0x500;
	[tilespmem:$0x590] =	vst v1  }
0x116: {  	[spmem:s7] =	stream.linear.scatter [tilespmem:s8], [sflag:$0x2], $0x80, $0x38;
	[tilespmem:$0x1BB0] =	vst v63  }
0x117: {  	s7 =	simm.s32 $0x2  }
0x118: {  	_ =	swait.ge [sflag:s7], $0x80  }
0x119: {  	[sflag:s7] =	ssyncset.done $0x0  }
0x11a: {  	[sflag:s7] =	ssyncadd.s32 $0xFFFFFF80  }
0x11b: {  	p0 =	sne.s32 s6, $0x0;
	[bflag:$0x0] =	sbarrier.arrive $0xFFFF  }
0x11c: {  	_ =	sfence.sel @p0 $0x180000  }
0x11d: {  	[bflag:$0x0] =	sbarrier.arrive @p0 $0xFFFF  }
0x11e: {  	_ =	strace @p0 $0x90000047  }
0x11f: {  	[bflag:$0x2] =	sbarrier.arrive @p0 $0xFFFF  }
0x120: {  	_ =	shalt @p0  }
.LBB2_5:
0x121: {  	s6 =	simm.s32 $0x6A0  }
0x122: {  	[tilespmem:s6], [sflag:$0x2] =	stream.linear.gather [spmem:s5], $0x800, $0x38;
	[tilespmem:$0x1BB0] =	vst v63  }
0x123: {  	_ =	swait.ge [sflag:s7], $0x800  }
0x124: {  	[sflag:s7] =	ssyncset.done $0x0  }
0x125: {  	[sflag:s7] =	ssyncadd.s32 $0xFFFFF800  }
0x126: {  	v7 =	vld [tilespmem:$0x6A0]  }
0x127: {  	v6 =	vld [tilespmem:$0x720]  }
0x128: {  	v8 =	vld [tilespmem:$0x7A0]  }
0x129: {  	v10 =	vld [tilespmem:$0x820]  }
0x12a: {  	v11 =	vld [tilespmem:$0x8A0]  }
0x12b: {  	v13 =	vld [tilespmem:$0x920]  }
0x12c: {  	v15 =	vld [tilespmem:$0x9A0]  }
0x12d: {  	v16 =	vld [tilespmem:$0xA20]  }
0x12e: {  	v18 =	vld [tilespmem:$0xAA0]  }
0x12f: {  	v39 =	vld [tilespmem:$0xB20]  }
0x130: {  	v41 =	vld [tilespmem:$0xBA0]  }
0x131: {  	v44 =	vld [tilespmem:$0xC20]  }
0x132: {  	v47 =	vld [tilespmem:$0xCA0]  }
0x133: {  	v58 =	vld [tilespmem:$0xD20]  }
0x134: {  	v0 =	vld [tilespmem:$0xDA0]  }
0x135: {  	v59 =	vld [tilespmem:$0xE20]  }
0x136: {  	v19 =	vld [tilespmem:$0x6B0]  }
0x137: {  	v20 =	vld [tilespmem:$0x730]  }
0x138: {  	v21 =	vld [tilespmem:$0x7B0]  }
0x139: {  	v22 =	vld [tilespmem:$0x830]  }
0x13a: {  	v23 =	vld [tilespmem:$0x8B0]  }
0x13b: {  	v24 =	vld [tilespmem:$0x930]  }
0x13c: {  	v25 =	vld [tilespmem:$0x9B0]  }
0x13d: {  	v26 =	vld [tilespmem:$0xA30]  }
0x13e: {  	v27 =	vld [tilespmem:$0xAB0]  }
0x13f: {  	v28 =	vld [tilespmem:$0xB30]  }
0x140: {  	v29 =	vld [tilespmem:$0xBB0]  }
0x141: {  	v30 =	vld [tilespmem:$0xC30]  }
0x142: {  	v31 =	vld [tilespmem:$0xCB0]  }
0x143: {  	v32 =	vld [tilespmem:$0xD30]  }
0x144: {  	v33 =	vld [tilespmem:$0xDB0]  }
0x145: {  	v40 =	vld [tilespmem:$0xE30]  }
0x146: {  	v35 =	vld [tilespmem:$0x6C0]  }
0x147: {  	v36 =	vld [tilespmem:$0x740]  }
0x148: {  	v37 =	vld [tilespmem:$0x7C0]  }
0x149: {  	v38 =	vld [tilespmem:$0x840]  }
0x14a: {  	v43 =	vld [tilespmem:$0x8C0]  }
0x14b: {  	v46 =	vld [tilespmem:$0x940]  }
0x14c: {  	v62 =	vld [tilespmem:$0x9C0]  }
0x14d: {  	v60 =	vld [tilespmem:$0xA40]  }
0x14e: {  	v61 =	vld [tilespmem:$0xAC0]  }
0x14f: {  	v63 =	vld [tilespmem:$0xB40]  }
0x150: {  	v4 =	vld [tilespmem:$0xBC0]  }
0x151: {  	v5 =	vld [tilespmem:$0xC40]  }
0x152: {  	v9 =	vld [tilespmem:$0xCC0]  }
0x153: {  	v12 =	vld [tilespmem:$0xD40]  }
0x154: {  	v14 =	vld [tilespmem:$0xDC0]  }
0x155: {  	v17 =	vld [tilespmem:$0xE40]  }
0x156: {  	v48 =	vld [tilespmem:$0x6D0]  }
0x157: {  	v49 =	vld [tilespmem:$0x750]  }
0x158: {  	v50 =	vld [tilespmem:$0x7D0]  }
0x159: {  	v51 =	vld [tilespmem:$0x850]  }
0x15a: {  	v52 =	vld [tilespmem:$0x8D0]  }
0x15b: {  	v53 =	vld [tilespmem:$0x950]  }
0x15c: {  	v54 =	vld [tilespmem:$0x9D0]  }
0x15d: {  	v55 =	vld [tilespmem:$0xA50]  }
0x15e: {  	v56 =	vld [tilespmem:$0xAD0]  }
0x15f: {  	v57 =	vld [tilespmem:$0xB50]  }
0x160: {  	v34 =	vld [tilespmem:$0xBD0]  }
0x161: {  	v42 =	vld [tilespmem:$0xC50]  }
0x162: {  	v45 =	vld [tilespmem:$0xCD0]  }
0x163: {  	v1 =	vld [tilespmem:$0x6E0]  }
0x164: {  	v2 =	vld [tilespmem:$0x7E0]  }
0x165: {  	v3 =	vld [tilespmem:$0x860]  }
0x166: {  	[tilespmem:$0x1FE90] =	vst v59;
	v59 =	vld [tilespmem:$0xD50]  }
0x167: {  	[tilespmem:$0x1FEA0] =	vst v60;
	v60 =	vld [tilespmem:$0xDD0]  }
0x168: {  	[tilespmem:$0x1FEB0] =	vst v61;
	v61 =	vld [tilespmem:$0xE50]  }
0x169: {  	[tilespmem:$0x1FE80] =	vst v0;
	v0 =	vld [tilespmem:$0x760]  }
0x16a: {  	[tilespmem:$0x1FED0] =	vst v4;
	v4 =	vld [tilespmem:$0x8E0]  }
0x16b: {  	[tilespmem:$0x1FEE0] =	vst v5;
	v5 =	vld [tilespmem:$0x960]  }
0x16c: {  	[tilespmem:$0x1FF00] =	vst v9;
	v9 =	vld [tilespmem:$0x9E0]  }
0x16d: {  	[tilespmem:$0x1FF20] =	vst v12;
	v12 =	vld [tilespmem:$0xA60]  }
0x16e: {  	[tilespmem:$0x1FF40] =	vst v14;
	v14 =	vld [tilespmem:$0xAE0]  }
0x16f: {  	[tilespmem:$0x1FF60] =	vst v17;
	v17 =	vld [tilespmem:$0xB60]  }
0x170: {  	[tilespmem:$0x1FEF0] =	vst v34;
	v34 =	vld [tilespmem:$0xBE0]  }
0x171: {  	[tilespmem:$0x1FEC0] =	vst v63;
	v63 =	vld [tilespmem:$0x7F0]  }
0x172: {  	[tilespmem:$0x1FF10] =	vst v42;
	v42 =	vld [tilespmem:$0xC60];
	v6 =	vadd.s32 v7, v6  }
0x173: {  	[tilespmem:$0x1FF30] =	vst v45;
	v45 =	vld [tilespmem:$0xCE0];
	v6 =	vadd.s32 v8, v6  }
0x174: {  	v7 =	vld [tilespmem:$0xA70];
	v6 =	vadd.s32 v10, v6  }
0x175: {  	v6 =	vadd.s32 v11, v6;
	v11 =	vld [tilespmem:$0xD70]  }
0x176: {  	[tilespmem:$0x1FFB0] =	vst v63;
	v63 =	vld [tilespmem:$0x870]  }
0x177: {  	v6 =	vadd.s32 v13, v6;
	v13 =	vld [tilespmem:$0xC70]  }
0x178: {  	[tilespmem:$0x1FF50] =	vst v59;
	v59 =	vld [tilespmem:$0xD60]  }
0x179: {  	[tilespmem:$0x1FF70] =	vst v60;
	v60 =	vld [tilespmem:$0xDE0]  }
0x17a: {  	[tilespmem:$0x1FF80] =	vst v61;
	v61 =	vld [tilespmem:$0x6F0]  }
0x17b: {  	[tilespmem:$0x1FFC0] =	vst v63;
	v63 =	vld [tilespmem:$0x8F0]  }
0x17c: {  	v0 =	vadd.s32 v1, v0;
	v1 =	vld [tilespmem:$0xA80]  }
0x17d: {  	v0 =	vadd.s32 v2, v0;
	v2 =	vld [tilespmem:$0xB00]  }
0x17e: {  	v0 =	vadd.s32 v3, v0;
	v3 =	vld [tilespmem:$0xB80]  }
0x17f: {  	v0 =	vadd.s32 v4, v0;
	v4 =	vld [tilespmem:$0xC00]  }
0x180: {  	[tilespmem:$0x1FFD0] =	vst v63;
	v63 =	vld [tilespmem:$0x970]  }
0x181: {  	v0 =	vadd.s32 v5, v0;
	v5 =	vld [tilespmem:$0xC80]  }
0x182: {  	[tilespmem:$0x1FF90] =	vst v60;
	v60 =	vld [tilespmem:$0xE60];
	v0 =	vadd.s32 v9, v0  }
0x183: {  	v9 =	vld [tilespmem:$0xD00];
	v0 =	vadd.s32 v12, v0  }
0x184: {  	v12 =	vld [tilespmem:$0xD80];
	v0 =	vadd.s32 v14, v0  }
0x185: {  	v0 =	vadd.s32 v17, v0;
	[tilespmem:$0x1FFE0] =	vst v63;
	v63 =	vld [tilespmem:$0x9F0]  }
0x186: {  	v14 =	vld [tilespmem:$0xE00];
	v0 =	vadd.s32 v34, v0  }
0x187: {  	v17 =	vld [tilespmem:$0xE80];
	v0 =	vadd.s32 v42, v0  }
0x188: {  	[tilespmem:$0x1FFA0] =	vst v60;
	v60 =	vld [tilespmem:$0x770];
	v0 =	vadd.s32 v45, v0  }
0x189: {  	v0 =	vadd.s32 v59, v0;
	v59 =	vld [tilespmem:$0x910]  }
0x18a: {  	[tilespmem:$0x1FFF0] =	vst v63;
	v63 =	vadd.s32 v19, v20;
	v19 =	vld [tilespmem:$0xAF0]  }
0x18b: {  	v20 =	vld [tilespmem:$0xB70]  }
0x18c: {  	v8 =	vadd.s32 v21, v63;
	v21 =	vld [tilespmem:$0xBF0]  }
0x18d: {  	v63 =	vld [tilespmem:$0x780]  }
0x18e: {  	v42 =	vld [tilespmem:$0x1FFF0];
	v8 =	vadd.s32 v22, v8  }
0x18f: {  	v8 =	vadd.s32 v23, v8;
	v23 =	vadd.s32 v15, v6;
	v6 =	vld [tilespmem:$0xCF0]  }
0x190: {  	v10 =	vadd.s32 v16, v23;
	v23 =	vld [tilespmem:$0x800]  }
0x191: {  	v8 =	vadd.s32 v24, v8;
	v24 =	vld [tilespmem:$0x880]  }
0x192: {  	v8 =	vadd.s32 v25, v8;
	v25 =	vadd.s32 v18, v10;
	v10 =	vld [tilespmem:$0xDF0]  }
0x193: {  	v18 =	vld [tilespmem:$0x700]  }
0x194: {  	v8 =	vadd.s32 v26, v8;
	v15 =	vadd.s32 v39, v25;
	v25 =	vld [tilespmem:$0x900]  }
0x195: {  	v39 =	vadd.s32 v27, v8;
	v27 =	vld [tilespmem:$0x980]  }
0x196: {  	v15 =	vadd.s32 v41, v15;
	v41 =	vld [tilespmem:$0x1FEF0]  }
0x197: {  	v16 =	vadd.s32 v28, v39;
	v39 =	vld [tilespmem:$0x1FED0]  }
0x198: {  	v15 =	vadd.s32 v44, v15;
	v44 =	vld [tilespmem:$0x1FF10]  }
0x199: {  	v16 =	vadd.s32 v29, v16;
	v29 =	vld [tilespmem:$0xA00]  }
0x19a: {  	v15 =	vadd.s32 v47, v15;
	v47 =	vld [tilespmem:$0x1FF20]  }
0x19b: {  	v15 =	vadd.s32 v58, v15;
	v58 =	vadd.s32 v61, v60;
	v60 =	vld [tilespmem:$0x1FFA0]  }
0x19c: {  	v61 =	vld [tilespmem:$0x1FFB0]  }
0x19d: {  	v16 =	vadd.s32 v30, v16;
	v18 =	vadd.s32 v18, v63;
	v63 =	vld [tilespmem:$0x1FFC0]  }
0x19e: {  	v16 =	vadd.s32 v31, v16;
	v31 =	vld [tilespmem:$0x1FE80]  }
0x19f: {  	v16 =	vadd.s32 v32, v16;
	v32 =	vld [tilespmem:$0x1FE90]  }
0x1a0: {  	v16 =	vadd.s32 v33, v16;
	v33 =	vadd.s32 v35, v36;
	v36 =	vld [tilespmem:$0x1FEA0]  }
0x1a1: {  	v35 =	vadd.s32 v48, v49;
	v48 =	vld [tilespmem:$0x1FF30]  }
0x1a2: {  	v49 =	vld [tilespmem:$0x790]  }
0x1a3: {  	v26 =	vadd.s32 v37, v33;
	v37 =	vld [tilespmem:$0x1FEB0]  }
0x1a4: {  	v16 =	vadd.s32 v40, v16;
	v40 =	vld [tilespmem:$0x1FEE0]  }
0x1a5: {  	v28 =	vadd.s32 v50, v35;
	v50 =	vld [tilespmem:$0x1FF40]  }
0x1a6: {  	v26 =	vadd.s32 v38, v26;
	v38 =	vld [tilespmem:$0x1FEC0]  }
0x1a7: {  	v28 =	vadd.s32 v51, v28;
	v51 =	vld [tilespmem:$0x1FF50]  }
0x1a8: {  	v26 =	vadd.s32 v43, v26;
	v43 =	vld [tilespmem:$0x1FF00]  }
0x1a9: {  	v18 =	vadd.s32 v23, v18;
	v28 =	vadd.s32 v52, v28;
	v52 =	vld [tilespmem:$0x810]  }
0x1aa: {  	v18 =	vadd.s32 v24, v18;
	v26 =	vadd.s32 v46, v26;
	v46 =	vld [tilespmem:$0x710]  }
0x1ab: {  	v18 =	vadd.s32 v25, v18;
	v28 =	vadd.s32 v53, v28;
	v53 =	vld [tilespmem:$0x1FF60]  }
0x1ac: {  	v18 =	vadd.s32 v27, v18;
	v28 =	vadd.s32 v54, v28;
	v54 =	vld [tilespmem:$0x1FF70]  }
0x1ad: {  	v34 =	vadd.s32 v61, v58;
	v18 =	vadd.s32 v29, v18;
	v26 =	vadd.s32 v62, v26;
	v62 =	vld [tilespmem:$0x990]  }
0x1ae: {  	v15 =	vadd.s32 v31, v15;
	v1 =	vadd.s32 v1, v18;
	v28 =	vadd.s32 v55, v28;
	v55 =	vld [tilespmem:$0x890]  }
0x1af: {  	v1 =	vadd.s32 v2, v1;
	v26 =	vadd.s32 v36, v26;
	v28 =	vadd.s32 v56, v28;
	v56 =	vld [tilespmem:$0x1FF80]  }
0x1b0: {  	v34 =	vadd.s32 v63, v34;
	v1 =	vadd.s32 v3, v1;
	v26 =	vadd.s32 v37, v26;
	v37 =	vld [tilespmem:$0xA10]  }
0x1b1: {  	v1 =	vadd.s32 v4, v1;
	v26 =	vadd.s32 v38, v26;
	v28 =	vadd.s32 v57, v28;
	v57 =	vld [tilespmem:$0x1FF90]  }
0x1b2: {  	v15 =	vadd.s32 v32, v15;
	v1 =	vadd.s32 v5, v1;
	v38 =	vld [tilespmem:$0x1FFD0];
	v26 =	vadd.s32 v39, v26  }
0x1b3: {  	v1 =	vadd.s32 v9, v1;
	v36 =	vadd.s32 v46, v49;
	v26 =	vadd.s32 v40, v26;
	v40 =	vld [tilespmem:$0x1FFE0]  }
0x1b4: {  	v28 =	vadd.s32 v41, v28;
	v39 =	vld [tilespmem:$0xA90];
	v1 =	vadd.s32 v12, v1;
	v23 =	vadd.s32 v52, v36  }
0x1b5: {  	v41 =	vld [tilespmem:$0xB10];
	v28 =	vadd.s32 v44, v28;
	v1 =	vadd.s32 v14, v1;
	v23 =	vadd.s32 v55, v23  }
0x1b6: {  	v26 =	vadd.s32 v43, v26;
	v28 =	vadd.s32 v48, v28;
	v43 =	vld [tilespmem:$0xB90];
	v23 =	vadd.s32 v59, v23  }
0x1b7: {  	v44 =	vld [tilespmem:$0xC10];
	v55 =	vlaneseq.u32;
	v31 =	vadd.s32 v38, v34;
	v22 =	vadd.s32 v62, v23  }
0x1b8: {  	v46 =	vld [tilespmem:$0xC90];
	v26 =	vadd.s32 v47, v26;
	v45 =	vadd.s32 v37, v22;
	v31 =	vadd.s32 v40, v31  }
0x1b9: {  	v48 =	vld [tilespmem:$0xD10];
	v28 =	vadd.s32 v51, v28;
	v47 =	vadd.s32 v39, v45;
	v31 =	vadd.s32 v42, v31  }
0x1ba: {  	v49 =	vld [tilespmem:$0xD90];
	v26 =	vadd.s32 v50, v26;
	v2 =	vadd.s32 v41, v47;
	v7 =	vadd.s32 v7, v31  }
0x1bb: {  	v28 =	vadd.s32 v54, v28;
	v50 =	vld [tilespmem:$0xE10];
	v2 =	vadd.s32 v43, v2;
	v7 =	vadd.s32 v19, v7  }
0x1bc: {  	[tilespmem:$0x510] =	vst v16;
	v51 =	vld [tilespmem:$0xE90];
	v0 =	vadd.s32 v57, v0;
	v2 =	vadd.s32 v44, v2;
	v7 =	vadd.s32 v20, v7  }
0x1bd: {  	v8 =	vld [tilespmem:$0xE70];
	[tilespmem:$0x500] =	vst v15;
	v26 =	vadd.s32 v53, v26;
	v2 =	vadd.s32 v46, v2;
	v7 =	vadd.s32 v21, v7  }
0x1be: {  	v28 =	vadd.s32 v56, v28;
	[tilespmem:$0x520] =	vst v26;
	v2 =	vadd.s32 v48, v2;
	v7 =	vadd.s32 v13, v7  }
0x1bf: {  	v0 =	vadd.s32 v60, v0;
	[tilespmem:$0x530] =	vst v28;
	v2 =	vadd.s32 v49, v2;
	v6 =	vadd.s32 v6, v7  }
0x1c0: {  	v53 =	vadd.s32 v17, v1;
	[tilespmem:$0x540] =	vst v0;
	v54 =	vadd.s32 v50, v2;
	v6 =	vadd.s32 v11, v6  }
0x1c1: {  	v57 =	vmul.u32 $0x10, v55;
	[tilespmem:$0x560] =	vst v53;
	v56 =	vadd.s32 v51, v54;
	v6 =	vadd.s32 v10, v6  }
0x1c2: {  	[tilespmem:$0x570] =	vst v56;
	v52 =	vadd.s32 v8, v6  }
0x1c3: {  	s26 =	simm.s32 $0x80;
	s28 =	simm.s32 $0xF20;
	s29 =	simm.s32 $0x1;
	v58 =	vor.u32 $0x8, v57;
	[tilespmem:$0x550] =	vst v52  }
0x1c4: {  	[tilespmem:s28], [sflag:$0x1] =	stream.indirect.gather [hbm4b:s4+s26], $0x10, s8, s26, $0xb8;
	[tilespmem:$0x1BB0] =	vst v63  }
0x1c5: {  	_ =	swait.ge [sflag:s29], $0x800  }
0x1c6: {  	[sflag:s29] =	ssyncset.done $0x0  }
0x1c7: {  	[sflag:s29] =	ssyncadd.s32 $0xFFFFF800  }
0x1c8: {  	v0 =	vld.idx.msk [tilespmem:v58+s28+$0x0], $0xffff;
	_ =	sdelay $0x3  }
0x1c9: {  	v2 =	vor.u32 $0x108, v57  }
0x1ca: {  	v0 =	vtrunc.f32 v0  }
0x1cb: {  	v0 =	vcvt.f32.s32 v0;
	_ =	sdelay $0x1  }
0x1cc: {  	[tilespmem:$0xEA0] =	vst v0  }
0x1cd: {  	v0 =	vld.idx.msk [tilespmem:v2+s28+$0x0], $0xffff;
	_ =	sdelay $0x3  }
0x1ce: {  	v59 =	vor.u32 $0x208, v57  }
0x1cf: {  	v0 =	vtrunc.f32 v0  }
0x1d0: {  	v0 =	vcvt.f32.s32 v0;
	_ =	sdelay $0x1  }
0x1d1: {  	[tilespmem:$0xEB0] =	vst v0  }
0x1d2: {  	v0 =	vld.idx.msk [tilespmem:v59+s28+$0x0], $0xffff;
	_ =	sdelay $0x3  }
0x1d3: {  	v60 =	vor.u32 $0x308, v57  }
0x1d4: {  	v0 =	vtrunc.f32 v0  }
0x1d5: {  	v0 =	vcvt.f32.s32 v0;
	_ =	sdelay $0x1  }
0x1d6: {  	[tilespmem:$0xEC0] =	vst v0  }
0x1d7: {  	v0 =	vld.idx.msk [tilespmem:v60+s28+$0x0], $0xffff;
	_ =	sdelay $0x3  }
0x1d8: {  	v61 =	vor.u32 $0x408, v57  }
0x1d9: {  	v0 =	vtrunc.f32 v0  }
0x1da: {  	v0 =	vcvt.f32.s32 v0;
	_ =	sdelay $0x1  }
0x1db: {  	[tilespmem:$0xED0] =	vst v0  }
0x1dc: {  	v0 =	vld.idx.msk [tilespmem:v61+s28+$0x0], $0xffff;
	_ =	sdelay $0x3  }
0x1dd: {  	v62 =	vor.u32 $0x508, v57  }
0x1de: {  	v0 =	vtrunc.f32 v0  }
0x1df: {  	v0 =	vcvt.f32.s32 v0;
	_ =	sdelay $0x1  }
0x1e0: {  	[tilespmem:$0xEE0] =	vst v0  }
0x1e1: {  	v0 =	vld.idx.msk [tilespmem:v62+s28+$0x0], $0xffff;
	_ =	sdelay $0x3  }
0x1e2: {  	v63 =	vor.u32 $0x608, v57  }
0x1e3: {  	v0 =	vtrunc.f32 v0  }
0x1e4: {  	v0 =	vcvt.f32.s32 v0;
	_ =	sdelay $0x1  }
0x1e5: {  	[tilespmem:$0xEF0] =	vst v0  }
0x1e6: {  	v0 =	vld.idx.msk [tilespmem:v63+s28+$0x0], $0xffff;
	_ =	sdelay $0x3  }
0x1e7: {  	v1 =	vor.u32 $0x708, v57  }
0x1e8: {  	v0 =	vtrunc.f32 v0  }
0x1e9: {  	v0 =	vcvt.f32.s32 v0;
	_ =	sdelay $0x1  }
0x1ea: {  	[tilespmem:$0xF00] =	vst v0  }
0x1eb: {  	v0 =	vld.idx.msk [tilespmem:v1+s28+$0x0], $0xffff;
	_ =	sdelay $0x4  }
0x1ec: {  	v0 =	vtrunc.f32 v0  }
0x1ed: {  	v0 =	vcvt.f32.s32 v0;
	_ =	sdelay $0x1  }
0x1ee: {  	s30 =	simm.s32 $0xEA0;
	s9 =	simm.s32 $0x1720;
	[tilespmem:$0xF10] =	vst v0  }
0x1ef: {  	[tilespmem:s9], [sflag:$0x1] =	stream.indirect.gather [hbm4b:s2+s26], $0x8, s30, s26, $0xb8;
	[tilespmem:$0x1BB0] =	vst v63  }
0x1f0: {  	_ =	swait.ge [sflag:s29], $0x400  }
0x1f1: {  	[sflag:s29] =	ssyncset.done $0x0  }
0x1f2: {  	s31 =	simm.s32 $0x0;
	[sflag:s29] =	ssyncadd.s32 $0xFFFFFC00  }
0x1f3: {  	[hbm4b:s3+s31] =	stream.linear.scatter [tilespmem:s28], [sflag:$0x2], $0x800, $0x38;
	[tilespmem:$0x1BB0] =	vst v63  }
0x1f4: {  	_ =	swait.ge [sflag:s7], $0x800  }
0x1f5: {  	[sflag:s7] =	ssyncset.done $0x0  }
0x1f6: {  	[sflag:s7] =	ssyncadd.s32 $0xFFFFF800  }
0x1f7: {  	[hbm4b:s1+s31] =	stream.linear.scatter [tilespmem:s9], [sflag:$0x2], $0x400, $0x38;
	[tilespmem:$0x1BB0] =	vst v63  }
0x1f8: {  	_ =	swait.ge [sflag:s7], $0x400  }
0x1f9: {  	[sflag:s7] =	ssyncset.done $0x0  }
0x1fa: {  	[sflag:s7] =	ssyncadd.s32 $0xFFFFFC00  }
0x1fb: {  	_ =	sfence.sel $0x180000  }
0x1fc: {  	[bflag:$0x0] =	sbarrier.arrive $0xFFFF  }
0x1fd: {  	_ =	strace $0x90000047  }
0x1fe: {  	s0 =	sadd.s32 $0x100000, s0;
	[bflag:$0x2] =	sbarrier.arrive $0xFFFF  }
0x1ff: {  	[sflag:s0] =	ssyncadd.tile.s32 $0x1;
	_ =	shalt  }
.Lfunc_end2:
_tile_overlayer_lowered:
.L_overlay_start_2:
0x200: {  	(tag) =	ssettag $0x2  }
0x201: {  	s0 =	rddreg [dreg:$0x0];
	s2 =	stileid.u32  }
0x202: {  	s1 =	rddreg [dreg:$0x1];
	p0 =	sne.s32 s2, $0x0  }
0x203: {  	s3 =	rddreg [dreg:$0x2];
	[bflag:$0x3] =	sbarrier.arrive $0xFFFF;
	s2 =	simm.s32 @!p0 $0x1C02  }
0x204: {  	[timem:s3], [sflag:s2] =	dma.local @!p0 [hbm:s0], s1  }
0x205: {  	s0 =	simm.s32 @!p0 $0x2  }
0x206: {  	_ =	swait.ge @!p0 [sflag:s0], s1  }
0x207: {  	s1 =	ssub.s32 @!p0 $0x0, s1;
	[sflag:s0] =	ssyncset.done @!p0 $0x0  }
0x208: {  	[sflag:s0] =	ssyncadd.s32 @!p0 s1  }
0x209: {  	[bflag:$0x3] =	sbarrier.arrive $0xFFFF  }
0x20a: {  	_ =	shalt  }

</sc_bundles>
